<compile_context>
chip_gen: v7x
topology: tpu7x:2x2x1
jax: 0.10.2.dev20260603
libtpu: 0.0.44.dev20260713+nightly
codegen_flags: <defaults>
</compile_context>

<pallas_src>
import functools

import jax
import jax.numpy as jnp
from jax import lax
from jax.experimental import pallas as pl
from jax.experimental.pallas import tpu as pltpu
from jax.experimental.pallas import tpu_sc as plsc

_DEPTH = 1000
_BATCH = 16384

_NC = 2
_NS = 16
_NW = _NC * _NS
_LANES = 16

_COLS_PER_W = _BATCH // _NW
_CCHUNKS = _COLS_PER_W // _LANES
_RBLK = 40
_NBLK = _DEPTH // _RBLK
_NBUF = 2


def _onehot_body(idx_hbm, out_hbm, idx_v, b0, b1, s0, s1):
    bufs = [b0, b1]
    sems = [s0, s1]
    wid = lax.axis_index("s") * _NC + lax.axis_index("c")
    col_base = wid * _COLS_PER_W

    zeros16 = jnp.zeros((_LANES,), jnp.float32)
    ones16 = jnp.ones((_LANES,), jnp.float32)
    lane = lax.iota(jnp.int32, _LANES)

    for buf in bufs:
        def _zrow(r, _, buf=buf):
            for u in range(_CCHUNKS):
                buf[r, pl.ds(u * _LANES, _LANES)] = zeros16
            return _

        lax.fori_loop(0, _RBLK, _zrow, None)

    pltpu.sync_copy(idx_hbm.at[pl.ds(col_base, _COLS_PER_W)], idx_v)

    def _scatter_block(buf, r0, val16):
        def _chunk(c, _):
            ids = idx_v[pl.ds(c * _LANES, _LANES)]
            rows = ids - r0
            cols = c * _LANES + lane
            mask = (ids >= r0) & (ids < r0 + _RBLK)
            plsc.store_scatter(buf, [rows, cols], val16, mask=mask)
            return _

        lax.fori_loop(0, _CCHUNKS, _chunk, None)

    handles = [None] * _NBUF
    pending = [None] * _NBUF
    for blk in range(_NBLK):
        b = blk % _NBUF
        r0 = blk * _RBLK
        if handles[b] is not None:
            handles[b].wait()
            _scatter_block(bufs[b], pending[b], zeros16)
        _scatter_block(bufs[b], r0, ones16)
        pending[b] = r0
        handles[b] = pltpu.async_copy(
            bufs[b],
            out_hbm.at[pl.ds(r0, _RBLK), pl.ds(col_base, _COLS_PER_W)],
            sems[b],
        )
    for h in handles:
        if h is not None:
            h.wait()


@jax.jit
def _onehot_sc(X_in):
    mesh = plsc.VectorSubcoreMesh(core_axis_name="c", subcore_axis_name="s")
    fn = functools.partial(
        pl.kernel,
        mesh=mesh,
        out_type=jax.ShapeDtypeStruct((_DEPTH, _BATCH), jnp.float32),
        scratch_types=[
            pltpu.VMEM((_COLS_PER_W,), jnp.int32),
        ]
        + [pltpu.VMEM((_RBLK, _COLS_PER_W), jnp.float32) for _ in range(_NBUF)]
        + [pltpu.SemaphoreType.DMA for _ in range(_NBUF)],
        compiler_params=pltpu.CompilerParams(
            needs_layout_passes=False,
            skip_device_barrier=True,
            disable_bounds_checks=True,
            disable_semaphore_checks=True,
        ),
    )(_onehot_body)
    return _onehot_sc_transpose(fn(X_in))


def _onehot_sc_transpose(x):
    return x.T


def kernel(X_in, ones):
    del ones
    return _onehot_sc(X_in)

# --- scband reference (transcript-rebuilt; emitter-appended) ---
"""Pipeline reference for scband-one-hot-67207648247904 (READ-ONLY COPY).

The authoritative reference and input builder live on the scoring server;
editing this copy changes nothing except your own understanding.
"""

import jax, jax.numpy as jnp
import numpy as np

DEPTH = 1000
BATCH = 16384

def setup_inputs(seed: int = 0) -> dict:
    key = jax.random.key(seed)
    X_in = jax.random.randint(key, (BATCH,), 0, DEPTH, dtype=jnp.int32)
    ones = jnp.eye(DEPTH, dtype=jnp.float32)  # the module's self.ones = eye(depth)
    return {"X_in": X_in, "ones": ones}

def reference(X_in, ones):
    # OneHot.forward: self.ones.index_select(0, X_in.long())
    idx = X_in.astype(jnp.int32)
    return jnp.take(ones, idx, axis=0)

if __name__ == "__main__":
    import jax
    _d = setup_inputs()
    print(jax.jit(kernel)(*tuple(_d.values())))

</pallas_src>

<mosaic_0001>
#map = affine_map<(d0, d1) -> (0)>
#map1 = affine_map<(d0, d1) -> (0, 0)>
module attributes {stable_mosaic.version = 14 : i64} {
  func.func @_onehot_body(%arg0: i32, %arg1: i32, %arg2: memref<16384xi32, #tpu.memory_space<hbm>>, %arg3: memref<1000x16384xf32, #tpu.memory_space<hbm>>, %arg4: memref<512xi32, #tpu.memory_space<vmem>>, %arg5: memref<40x512xf32, #tpu.memory_space<vmem>>, %arg6: memref<40x512xf32, #tpu.memory_space<vmem>>, %arg7: memref<!tpu.dma_semaphore, #tpu.memory_space<semaphore_mem>>, %arg8: memref<!tpu.dma_semaphore, #tpu.memory_space<semaphore_mem>>) attributes {dimension_semantics = [#tpu.dimension_semantics<core_parallel>, #tpu.dimension_semantics<subcore_parallel>], iteration_bounds = array<i64: 2, 16>, scalar_prefetch = 0 : i64, scratch_operands = 5 : i64, tpu.core_type = #tpu.core_type<sc_vector_subcore>, window_params = [{transform_indices = #map}, {transform_indices = #map1}]} {
    %mul3A = arith.constant 2 : i32
    %mul3A_0 = arith.muli %arg1, %mul3A : i32
    %add3A = arith.addi %mul3A_0, %arg0 : i32
    %mul3A_1 = arith.constant 512 : i32
    %mul3A_2 = arith.muli %add3A, %mul3A_1 : i32
    %broadcast_in_dim3A = arith.constant 0.000000e+00 : f32
    %broadcast_in_dim3A_3 = vector.broadcast %broadcast_in_dim3A : f32 to vector<16xf32>
    %broadcast_in_dim3A_4 = arith.constant 1.000000e+00 : f32
    %broadcast_in_dim3A_5 = vector.broadcast %broadcast_in_dim3A_4 : f32 to vector<16xf32>
    %iota3A = tpu.iota {dimensions = array<i32: 0>} : vector<16xi32>
    %scan3A = arith.constant 0 : i32
    %scan3A_6 = arith.constant 40 : i32
    %scan3A_7 = arith.addi %scan3A, %scan3A_6 : i32
    %scan3A_8 = arith.constant 1 : i32
    scf.for %scan3A_453 = %scan3A to %scan3A_7 step %scan3A_8  : i32 {
      %swap3A = arith.index_cast %scan3A_453 : i32 to index
      %swap3A_454 = arith.constant 0 : index
      %swap3A_455 = tpu.vector_load %arg5[%swap3A, %swap3A_454] {strides = array<i32>} : memref<40x512xf32, #tpu.memory_space<vmem>>, vector<16xf32>,
      tpu.vector_store %arg5[%swap3A, %swap3A_454], %broadcast_in_dim3A_3 {strides = array<i32>} : memref<40x512xf32, #tpu.memory_space<vmem>>, vector<16xf32>,
      %swap3A_456 = arith.index_cast %scan3A_453 : i32 to index
      %swap3A_457 = arith.constant 16 : index
      %swap3A_458 = tpu.vector_load %arg5[%swap3A_456, %swap3A_457] {strides = array<i32>} : memref<40x512xf32, #tpu.memory_space<vmem>>, vector<16xf32>,
      tpu.vector_store %arg5[%swap3A_456, %swap3A_457], %broadcast_in_dim3A_3 {strides = array<i32>} : memref<40x512xf32, #tpu.memory_space<vmem>>, vector<16xf32>,
      %swap3A_459 = arith.index_cast %scan3A_453 : i32 to index
      %swap3A_460 = arith.constant 32 : index
      %swap3A_461 = tpu.vector_load %arg5[%swap3A_459, %swap3A_460] {strides = array<i32>} : memref<40x512xf32, #tpu.memory_space<vmem>>, vector<16xf32>,
      tpu.vector_store %arg5[%swap3A_459, %swap3A_460], %broadcast_in_dim3A_3 {strides = array<i32>} : memref<40x512xf32, #tpu.memory_space<vmem>>, vector<16xf32>,
      %swap3A_462 = arith.index_cast %scan3A_453 : i32 to index
      %swap3A_463 = arith.constant 48 : index
      %swap3A_464 = tpu.vector_load %arg5[%swap3A_462, %swap3A_463] {strides = array<i32>} : memref<40x512xf32, #tpu.memory_space<vmem>>, vector<16xf32>,
      tpu.vector_store %arg5[%swap3A_462, %swap3A_463], %broadcast_in_dim3A_3 {strides = array<i32>} : memref<40x512xf32, #tpu.memory_space<vmem>>, vector<16xf32>,
      %swap3A_465 = arith.index_cast %scan3A_453 : i32 to index
      %swap3A_466 = arith.constant 64 : index
      %swap3A_467 = tpu.vector_load %arg5[%swap3A_465, %swap3A_466] {strides = array<i32>} : memref<40x512xf32, #tpu.memory_space<vmem>>, vector<16xf32>,
      tpu.vector_store %arg5[%swap3A_465, %swap3A_466], %broadcast_in_dim3A_3 {strides = array<i32>} : memref<40x512xf32, #tpu.memory_space<vmem>>, vector<16xf32>,
      %swap3A_468 = arith.index_cast %scan3A_453 : i32 to index
      %swap3A_469 = arith.constant 80 : index
      %swap3A_470 = tpu.vector_load %arg5[%swap3A_468, %swap3A_469] {strides = array<i32>} : memref<40x512xf32, #tpu.memory_space<vmem>>, vector<16xf32>,
      tpu.vector_store %arg5[%swap3A_468, %swap3A_469], %broadcast_in_dim3A_3 {strides = array<i32>} : memref<40x512xf32, #tpu.memory_space<vmem>>, vector<16xf32>,
      %swap3A_471 = arith.index_cast %scan3A_453 : i32 to index
      %swap3A_472 = arith.constant 96 : index
      %swap3A_473 = tpu.vector_load %arg5[%swap3A_471, %swap3A_472] {strides = array<i32>} : memref<40x512xf32, #tpu.memory_space<vmem>>, vector<16xf32>,
      tpu.vector_store %arg5[%swap3A_471, %swap3A_472], %broadcast_in_dim3A_3 {strides = array<i32>} : memref<40x512xf32, #tpu.memory_space<vmem>>, vector<16xf32>,
      %swap3A_474 = arith.index_cast %scan3A_453 : i32 to index
      %swap3A_475 = arith.constant 112 : index
      %swap3A_476 = tpu.vector_load %arg5[%swap3A_474, %swap3A_475] {strides = array<i32>} : memref<40x512xf32, #tpu.memory_space<vmem>>, vector<16xf32>,
      tpu.vector_store %arg5[%swap3A_474, %swap3A_475], %broadcast_in_dim3A_3 {strides = array<i32>} : memref<40x512xf32, #tpu.memory_space<vmem>>, vector<16xf32>,
      %swap3A_477 = arith.index_cast %scan3A_453 : i32 to index
      %swap3A_478 = arith.constant 128 : index
      %swap3A_479 = tpu.vector_load %arg5[%swap3A_477, %swap3A_478] {strides = array<i32>} : memref<40x512xf32, #tpu.memory_space<vmem>>, vector<16xf32>,
      tpu.vector_store %arg5[%swap3A_477, %swap3A_478], %broadcast_in_dim3A_3 {strides = array<i32>} : memref<40x512xf32, #tpu.memory_space<vmem>>, vector<16xf32>,
      %swap3A_480 = arith.index_cast %scan3A_453 : i32 to index
      %swap3A_481 = arith.constant 144 : index
      %swap3A_482 = tpu.vector_load %arg5[%swap3A_480, %swap3A_481] {strides = array<i32>} : memref<40x512xf32, #tpu.memory_space<vmem>>, vector<16xf32>,
      tpu.vector_store %arg5[%swap3A_480, %swap3A_481], %broadcast_in_dim3A_3 {strides = array<i32>} : memref<40x512xf32, #tpu.memory_space<vmem>>, vector<16xf32>,
      %swap3A_483 = arith.index_cast %scan3A_453 : i32 to index
      %swap3A_484 = arith.constant 160 : index
      %swap3A_485 = tpu.vector_load %arg5[%swap3A_483, %swap3A_484] {strides = array<i32>} : memref<40x512xf32, #tpu.memory_space<vmem>>, vector<16xf32>,
      tpu.vector_store %arg5[%swap3A_483, %swap3A_484], %broadcast_in_dim3A_3 {strides = array<i32>} : memref<40x512xf32, #tpu.memory_space<vmem>>, vector<16xf32>,
      %swap3A_486 = arith.index_cast %scan3A_453 : i32 to index
      %swap3A_487 = arith.constant 176 : index
      %swap3A_488 = tpu.vector_load %arg5[%swap3A_486, %swap3A_487] {strides = array<i32>} : memref<40x512xf32, #tpu.memory_space<vmem>>, vector<16xf32>,
      tpu.vector_store %arg5[%swap3A_486, %swap3A_487], %broadcast_in_dim3A_3 {strides = array<i32>} : memref<40x512xf32, #tpu.memory_space<vmem>>, vector<16xf32>,
      %swap3A_489 = arith.index_cast %scan3A_453 : i32 to index
      %swap3A_490 = arith.constant 192 : index
      %swap3A_491 = tpu.vector_load %arg5[%swap3A_489, %swap3A_490] {strides = array<i32>} : memref<40x512xf32, #tpu.memory_space<vmem>>, vector<16xf32>,
      tpu.vector_store %arg5[%swap3A_489, %swap3A_490], %broadcast_in_dim3A_3 {strides = array<i32>} : memref<40x512xf32, #tpu.memory_space<vmem>>, vector<16xf32>,
      %swap3A_492 = arith.index_cast %scan3A_453 : i32 to index
      %swap3A_493 = arith.constant 208 : index
      %swap3A_494 = tpu.vector_load %arg5[%swap3A_492, %swap3A_493] {strides = array<i32>} : memref<40x512xf32, #tpu.memory_space<vmem>>, vector<16xf32>,
      tpu.vector_store %arg5[%swap3A_492, %swap3A_493], %broadcast_in_dim3A_3 {strides = array<i32>} : memref<40x512xf32, #tpu.memory_space<vmem>>, vector<16xf32>,
      %swap3A_495 = arith.index_cast %scan3A_453 : i32 to index
      %swap3A_496 = arith.constant 224 : index
      %swap3A_497 = tpu.vector_load %arg5[%swap3A_495, %swap3A_496] {strides = array<i32>} : memref<40x512xf32, #tpu.memory_space<vmem>>, vector<16xf32>,
      tpu.vector_store %arg5[%swap3A_495, %swap3A_496], %broadcast_in_dim3A_3 {strides = array<i32>} : memref<40x512xf32, #tpu.memory_space<vmem>>, vector<16xf32>,
      %swap3A_498 = arith.index_cast %scan3A_453 : i32 to index
      %swap3A_499 = arith.constant 240 : index
      %swap3A_500 = tpu.vector_load %arg5[%swap3A_498, %swap3A_499] {strides = array<i32>} : memref<40x512xf32, #tpu.memory_space<vmem>>, vector<16xf32>,
      tpu.vector_store %arg5[%swap3A_498, %swap3A_499], %broadcast_in_dim3A_3 {strides = array<i32>} : memref<40x512xf32, #tpu.memory_space<vmem>>, vector<16xf32>,
      %swap3A_501 = arith.index_cast %scan3A_453 : i32 to index
      %swap3A_502 = arith.constant 256 : index
      %swap3A_503 = tpu.vector_load %arg5[%swap3A_501, %swap3A_502] {strides = array<i32>} : memref<40x512xf32, #tpu.memory_space<vmem>>, vector<16xf32>,
      tpu.vector_store %arg5[%swap3A_501, %swap3A_502], %broadcast_in_dim3A_3 {strides = array<i32>} : memref<40x512xf32, #tpu.memory_space<vmem>>, vector<16xf32>,
      %swap3A_504 = arith.index_cast %scan3A_453 : i32 to index
      %swap3A_505 = arith.constant 272 : index
      %swap3A_506 = tpu.vector_load %arg5[%swap3A_504, %swap3A_505] {strides = array<i32>} : memref<40x512xf32, #tpu.memory_space<vmem>>, vector<16xf32>,
      tpu.vector_store %arg5[%swap3A_504, %swap3A_505], %broadcast_in_dim3A_3 {strides = array<i32>} : memref<40x512xf32, #tpu.memory_space<vmem>>, vector<16xf32>,
      %swap3A_507 = arith.index_cast %scan3A_453 : i32 to index
      %swap3A_508 = arith.constant 288 : index
      %swap3A_509 = tpu.vector_load %arg5[%swap3A_507, %swap3A_508] {strides = array<i32>} : memref<40x512xf32, #tpu.memory_space<vmem>>, vector<16xf32>,
      tpu.vector_store %arg5[%swap3A_507, %swap3A_508], %broadcast_in_dim3A_3 {strides = array<i32>} : memref<40x512xf32, #tpu.memory_space<vmem>>, vector<16xf32>,
      %swap3A_510 = arith.index_cast %scan3A_453 : i32 to index
      %swap3A_511 = arith.constant 304 : index
      %swap3A_512 = tpu.vector_load %arg5[%swap3A_510, %swap3A_511] {strides = array<i32>} : memref<40x512xf32, #tpu.memory_space<vmem>>, vector<16xf32>,
      tpu.vector_store %arg5[%swap3A_510, %swap3A_511], %broadcast_in_dim3A_3 {strides = array<i32>} : memref<40x512xf32, #tpu.memory_space<vmem>>, vector<16xf32>,
      %swap3A_513 = arith.index_cast %scan3A_453 : i32 to index
      %swap3A_514 = arith.constant 320 : index
      %swap3A_515 = tpu.vector_load %arg5[%swap3A_513, %swap3A_514] {strides = array<i32>} : memref<40x512xf32, #tpu.memory_space<vmem>>, vector<16xf32>,
      tpu.vector_store %arg5[%swap3A_513, %swap3A_514], %broadcast_in_dim3A_3 {strides = array<i32>} : memref<40x512xf32, #tpu.memory_space<vmem>>, vector<16xf32>,
      %swap3A_516 = arith.index_cast %scan3A_453 : i32 to index
      %swap3A_517 = arith.constant 336 : index
      %swap3A_518 = tpu.vector_load %arg5[%swap3A_516, %swap3A_517] {strides = array<i32>} : memref<40x512xf32, #tpu.memory_space<vmem>>, vector<16xf32>,
      tpu.vector_store %arg5[%swap3A_516, %swap3A_517], %broadcast_in_dim3A_3 {strides = array<i32>} : memref<40x512xf32, #tpu.memory_space<vmem>>, vector<16xf32>,
      %swap3A_519 = arith.index_cast %scan3A_453 : i32 to index
      %swap3A_520 = arith.constant 352 : index
      %swap3A_521 = tpu.vector_load %arg5[%swap3A_519, %swap3A_520] {strides = array<i32>} : memref<40x512xf32, #tpu.memory_space<vmem>>, vector<16xf32>,
      tpu.vector_store %arg5[%swap3A_519, %swap3A_520], %broadcast_in_dim3A_3 {strides = array<i32>} : memref<40x512xf32, #tpu.memory_space<vmem>>, vector<16xf32>,
      %swap3A_522 = arith.index_cast %scan3A_453 : i32 to index
      %swap3A_523 = arith.constant 368 : index
      %swap3A_524 = tpu.vector_load %arg5[%swap3A_522, %swap3A_523] {strides = array<i32>} : memref<40x512xf32, #tpu.memory_space<vmem>>, vector<16xf32>,
      tpu.vector_store %arg5[%swap3A_522, %swap3A_523], %broadcast_in_dim3A_3 {strides = array<i32>} : memref<40x512xf32, #tpu.memory_space<vmem>>, vector<16xf32>,
      %swap3A_525 = arith.index_cast %scan3A_453 : i32 to index
      %swap3A_526 = arith.constant 384 : index
      %swap3A_527 = tpu.vector_load %arg5[%swap3A_525, %swap3A_526] {strides = array<i32>} : memref<40x512xf32, #tpu.memory_space<vmem>>, vector<16xf32>,
      tpu.vector_store %arg5[%swap3A_525, %swap3A_526], %broadcast_in_dim3A_3 {strides = array<i32>} : memref<40x512xf32, #tpu.memory_space<vmem>>, vector<16xf32>,
      %swap3A_528 = arith.index_cast %scan3A_453 : i32 to index
      %swap3A_529 = arith.constant 400 : index
      %swap3A_530 = tpu.vector_load %arg5[%swap3A_528, %swap3A_529] {strides = array<i32>} : memref<40x512xf32, #tpu.memory_space<vmem>>, vector<16xf32>,
      tpu.vector_store %arg5[%swap3A_528, %swap3A_529], %broadcast_in_dim3A_3 {strides = array<i32>} : memref<40x512xf32, #tpu.memory_space<vmem>>, vector<16xf32>,
      %swap3A_531 = arith.index_cast %scan3A_453 : i32 to index
      %swap3A_532 = arith.constant 416 : index
      %swap3A_533 = tpu.vector_load %arg5[%swap3A_531, %swap3A_532] {strides = array<i32>} : memref<40x512xf32, #tpu.memory_space<vmem>>, vector<16xf32>,
      tpu.vector_store %arg5[%swap3A_531, %swap3A_532], %broadcast_in_dim3A_3 {strides = array<i32>} : memref<40x512xf32, #tpu.memory_space<vmem>>, vector<16xf32>,
      %swap3A_534 = arith.index_cast %scan3A_453 : i32 to index
      %swap3A_535 = arith.constant 432 : index
      %swap3A_536 = tpu.vector_load %arg5[%swap3A_534, %swap3A_535] {strides = array<i32>} : memref<40x512xf32, #tpu.memory_space<vmem>>, vector<16xf32>,
      tpu.vector_store %arg5[%swap3A_534, %swap3A_535], %broadcast_in_dim3A_3 {strides = array<i32>} : memref<40x512xf32, #tpu.memory_space<vmem>>, vector<16xf32>,
      %swap3A_537 = arith.index_cast %scan3A_453 : i32 to index
      %swap3A_538 = arith.constant 448 : index
      %swap3A_539 = tpu.vector_load %arg5[%swap3A_537, %swap3A_538] {strides = array<i32>} : memref<40x512xf32, #tpu.memory_space<vmem>>, vector<16xf32>,
      tpu.vector_store %arg5[%swap3A_537, %swap3A_538], %broadcast_in_dim3A_3 {strides = array<i32>} : memref<40x512xf32, #tpu.memory_space<vmem>>, vector<16xf32>,
      %swap3A_540 = arith.index_cast %scan3A_453 : i32 to index
      %swap3A_541 = arith.constant 464 : index
      %swap3A_542 = tpu.vector_load %arg5[%swap3A_540, %swap3A_541] {strides = array<i32>} : memref<40x512xf32, #tpu.memory_space<vmem>>, vector<16xf32>,
      tpu.vector_store %arg5[%swap3A_540, %swap3A_541], %broadcast_in_dim3A_3 {strides = array<i32>} : memref<40x512xf32, #tpu.memory_space<vmem>>, vector<16xf32>,
      %swap3A_543 = arith.index_cast %scan3A_453 : i32 to index
      %swap3A_544 = arith.constant 480 : index
      %swap3A_545 = tpu.vector_load %arg5[%swap3A_543, %swap3A_544] {strides = array<i32>} : memref<40x512xf32, #tpu.memory_space<vmem>>, vector<16xf32>,
      tpu.vector_store %arg5[%swap3A_543, %swap3A_544], %broadcast_in_dim3A_3 {strides = array<i32>} : memref<40x512xf32, #tpu.memory_space<vmem>>, vector<16xf32>,
      %swap3A_546 = arith.index_cast %scan3A_453 : i32 to index
      %swap3A_547 = arith.constant 496 : index
      %swap3A_548 = tpu.vector_load %arg5[%swap3A_546, %swap3A_547] {strides = array<i32>} : memref<40x512xf32, #tpu.memory_space<vmem>>, vector<16xf32>,
      tpu.vector_store %arg5[%swap3A_546, %swap3A_547], %broadcast_in_dim3A_3 {strides = array<i32>} : memref<40x512xf32, #tpu.memory_space<vmem>>, vector<16xf32>,
    }
    %scan3A_9 = arith.constant 40 : i32
    %scan3A_10 = arith.constant 0 : i32
    %scan3A_11 = arith.constant 40 : i32
    %scan3A_12 = arith.addi %scan3A_10, %scan3A_11 : i32
    %scan3A_13 = arith.constant 1 : i32
    scf.for %scan3A_453 = %scan3A_10 to %scan3A_12 step %scan3A_13  : i32 {
      %swap3A = arith.index_cast %scan3A_453 : i32 to index
      %swap3A_454 = arith.constant 0 : index
      %swap3A_455 = tpu.vector_load %arg6[%swap3A, %swap3A_454] {strides = array<i32>} : memref<40x512xf32, #tpu.memory_space<vmem>>, vector<16xf32>,
      tpu.vector_store %arg6[%swap3A, %swap3A_454], %broadcast_in_dim3A_3 {strides = array<i32>} : memref<40x512xf32, #tpu.memory_space<vmem>>, vector<16xf32>,
      %swap3A_456 = arith.index_cast %scan3A_453 : i32 to index
      %swap3A_457 = arith.constant 16 : index
      %swap3A_458 = tpu.vector_load %arg6[%swap3A_456, %swap3A_457] {strides = array<i32>} : memref<40x512xf32, #tpu.memory_space<vmem>>, vector<16xf32>,
      tpu.vector_store %arg6[%swap3A_456, %swap3A_457], %broadcast_in_dim3A_3 {strides = array<i32>} : memref<40x512xf32, #tpu.memory_space<vmem>>, vector<16xf32>,
      %swap3A_459 = arith.index_cast %scan3A_453 : i32 to index
      %swap3A_460 = arith.constant 32 : index
      %swap3A_461 = tpu.vector_load %arg6[%swap3A_459, %swap3A_460] {strides = array<i32>} : memref<40x512xf32, #tpu.memory_space<vmem>>, vector<16xf32>,
      tpu.vector_store %arg6[%swap3A_459, %swap3A_460], %broadcast_in_dim3A_3 {strides = array<i32>} : memref<40x512xf32, #tpu.memory_space<vmem>>, vector<16xf32>,
      %swap3A_462 = arith.index_cast %scan3A_453 : i32 to index
      %swap3A_463 = arith.constant 48 : index
      %swap3A_464 = tpu.vector_load %arg6[%swap3A_462, %swap3A_463] {strides = array<i32>} : memref<40x512xf32, #tpu.memory_space<vmem>>, vector<16xf32>,
      tpu.vector_store %arg6[%swap3A_462, %swap3A_463], %broadcast_in_dim3A_3 {strides = array<i32>} : memref<40x512xf32, #tpu.memory_space<vmem>>, vector<16xf32>,
      %swap3A_465 = arith.index_cast %scan3A_453 : i32 to index
      %swap3A_466 = arith.constant 64 : index
      %swap3A_467 = tpu.vector_load %arg6[%swap3A_465, %swap3A_466] {strides = array<i32>} : memref<40x512xf32, #tpu.memory_space<vmem>>, vector<16xf32>,
      tpu.vector_store %arg6[%swap3A_465, %swap3A_466], %broadcast_in_dim3A_3 {strides = array<i32>} : memref<40x512xf32, #tpu.memory_space<vmem>>, vector<16xf32>,
      %swap3A_468 = arith.index_cast %scan3A_453 : i32 to index
      %swap3A_469 = arith.constant 80 : index
      %swap3A_470 = tpu.vector_load %arg6[%swap3A_468, %swap3A_469] {strides = array<i32>} : memref<40x512xf32, #tpu.memory_space<vmem>>, vector<16xf32>,
      tpu.vector_store %arg6[%swap3A_468, %swap3A_469], %broadcast_in_dim3A_3 {strides = array<i32>} : memref<40x512xf32, #tpu.memory_space<vmem>>, vector<16xf32>,
      %swap3A_471 = arith.index_cast %scan3A_453 : i32 to index
      %swap3A_472 = arith.constant 96 : index
      %swap3A_473 = tpu.vector_load %arg6[%swap3A_471, %swap3A_472] {strides = array<i32>} : memref<40x512xf32, #tpu.memory_space<vmem>>, vector<16xf32>,
      tpu.vector_store %arg6[%swap3A_471, %swap3A_472], %broadcast_in_dim3A_3 {strides = array<i32>} : memref<40x512xf32, #tpu.memory_space<vmem>>, vector<16xf32>,
      %swap3A_474 = arith.index_cast %scan3A_453 : i32 to index
      %swap3A_475 = arith.constant 112 : index
      %swap3A_476 = tpu.vector_load %arg6[%swap3A_474, %swap3A_475] {strides = array<i32>} : memref<40x512xf32, #tpu.memory_space<vmem>>, vector<16xf32>,
      tpu.vector_store %arg6[%swap3A_474, %swap3A_475], %broadcast_in_dim3A_3 {strides = array<i32>} : memref<40x512xf32, #tpu.memory_space<vmem>>, vector<16xf32>,
      %swap3A_477 = arith.index_cast %scan3A_453 : i32 to index
      %swap3A_478 = arith.constant 128 : index
      %swap3A_479 = tpu.vector_load %arg6[%swap3A_477, %swap3A_478] {strides = array<i32>} : memref<40x512xf32, #tpu.memory_space<vmem>>, vector<16xf32>,
      tpu.vector_store %arg6[%swap3A_477, %swap3A_478], %broadcast_in_dim3A_3 {strides = array<i32>} : memref<40x512xf32, #tpu.memory_space<vmem>>, vector<16xf32>,
      %swap3A_480 = arith.index_cast %scan3A_453 : i32 to index
      %swap3A_481 = arith.constant 144 : index
      %swap3A_482 = tpu.vector_load %arg6[%swap3A_480, %swap3A_481] {strides = array<i32>} : memref<40x512xf32, #tpu.memory_space<vmem>>, vector<16xf32>,
      tpu.vector_store %arg6[%swap3A_480, %swap3A_481], %broadcast_in_dim3A_3 {strides = array<i32>} : memref<40x512xf32, #tpu.memory_space<vmem>>, vector<16xf32>,
      %swap3A_483 = arith.index_cast %scan3A_453 : i32 to index
      %swap3A_484 = arith.constant 160 : index
      %swap3A_485 = tpu.vector_load %arg6[%swap3A_483, %swap3A_484] {strides = array<i32>} : memref<40x512xf32, #tpu.memory_space<vmem>>, vector<16xf32>,
      tpu.vector_store %arg6[%swap3A_483, %swap3A_484], %broadcast_in_dim3A_3 {strides = array<i32>} : memref<40x512xf32, #tpu.memory_space<vmem>>, vector<16xf32>,
      %swap3A_486 = arith.index_cast %scan3A_453 : i32 to index
      %swap3A_487 = arith.constant 176 : index
      %swap3A_488 = tpu.vector_load %arg6[%swap3A_486, %swap3A_487] {strides = array<i32>} : memref<40x512xf32, #tpu.memory_space<vmem>>, vector<16xf32>,
      tpu.vector_store %arg6[%swap3A_486, %swap3A_487], %broadcast_in_dim3A_3 {strides = array<i32>} : memref<40x512xf32, #tpu.memory_space<vmem>>, vector<16xf32>,
      %swap3A_489 = arith.index_cast %scan3A_453 : i32 to index
      %swap3A_490 = arith.constant 192 : index
      %swap3A_491 = tpu.vector_load %arg6[%swap3A_489, %swap3A_490] {strides = array<i32>} : memref<40x512xf32, #tpu.memory_space<vmem>>, vector<16xf32>,
      tpu.vector_store %arg6[%swap3A_489, %swap3A_490], %broadcast_in_dim3A_3 {strides = array<i32>} : memref<40x512xf32, #tpu.memory_space<vmem>>, vector<16xf32>,
      %swap3A_492 = arith.index_cast %scan3A_453 : i32 to index
      %swap3A_493 = arith.constant 208 : index
      %swap3A_494 = tpu.vector_load %arg6[%swap3A_492, %swap3A_493] {strides = array<i32>} : memref<40x512xf32, #tpu.memory_space<vmem>>, vector<16xf32>,
      tpu.vector_store %arg6[%swap3A_492, %swap3A_493], %broadcast_in_dim3A_3 {strides = array<i32>} : memref<40x512xf32, #tpu.memory_space<vmem>>, vector<16xf32>,
      %swap3A_495 = arith.index_cast %scan3A_453 : i32 to index
      %swap3A_496 = arith.constant 224 : index
      %swap3A_497 = tpu.vector_load %arg6[%swap3A_495, %swap3A_496] {strides = array<i32>} : memref<40x512xf32, #tpu.memory_space<vmem>>, vector<16xf32>,
      tpu.vector_store %arg6[%swap3A_495, %swap3A_496], %broadcast_in_dim3A_3 {strides = array<i32>} : memref<40x512xf32, #tpu.memory_space<vmem>>, vector<16xf32>,
      %swap3A_498 = arith.index_cast %scan3A_453 : i32 to index
      %swap3A_499 = arith.constant 240 : index
      %swap3A_500 = tpu.vector_load %arg6[%swap3A_498, %swap3A_499] {strides = array<i32>} : memref<40x512xf32, #tpu.memory_space<vmem>>, vector<16xf32>,
      tpu.vector_store %arg6[%swap3A_498, %swap3A_499], %broadcast_in_dim3A_3 {strides = array<i32>} : memref<40x512xf32, #tpu.memory_space<vmem>>, vector<16xf32>,
      %swap3A_501 = arith.index_cast %scan3A_453 : i32 to index
      %swap3A_502 = arith.constant 256 : index
      %swap3A_503 = tpu.vector_load %arg6[%swap3A_501, %swap3A_502] {strides = array<i32>} : memref<40x512xf32, #tpu.memory_space<vmem>>, vector<16xf32>,
      tpu.vector_store %arg6[%swap3A_501, %swap3A_502], %broadcast_in_dim3A_3 {strides = array<i32>} : memref<40x512xf32, #tpu.memory_space<vmem>>, vector<16xf32>,
      %swap3A_504 = arith.index_cast %scan3A_453 : i32 to index
      %swap3A_505 = arith.constant 272 : index
      %swap3A_506 = tpu.vector_load %arg6[%swap3A_504, %swap3A_505] {strides = array<i32>} : memref<40x512xf32, #tpu.memory_space<vmem>>, vector<16xf32>,
      tpu.vector_store %arg6[%swap3A_504, %swap3A_505], %broadcast_in_dim3A_3 {strides = array<i32>} : memref<40x512xf32, #tpu.memory_space<vmem>>, vector<16xf32>,
      %swap3A_507 = arith.index_cast %scan3A_453 : i32 to index
      %swap3A_508 = arith.constant 288 : index
      %swap3A_509 = tpu.vector_load %arg6[%swap3A_507, %swap3A_508] {strides = array<i32>} : memref<40x512xf32, #tpu.memory_space<vmem>>, vector<16xf32>,
      tpu.vector_store %arg6[%swap3A_507, %swap3A_508], %broadcast_in_dim3A_3 {strides = array<i32>} : memref<40x512xf32, #tpu.memory_space<vmem>>, vector<16xf32>,
      %swap3A_510 = arith.index_cast %scan3A_453 : i32 to index
      %swap3A_511 = arith.constant 304 : index
      %swap3A_512 = tpu.vector_load %arg6[%swap3A_510, %swap3A_511] {strides = array<i32>} : memref<40x512xf32, #tpu.memory_space<vmem>>, vector<16xf32>,
      tpu.vector_store %arg6[%swap3A_510, %swap3A_511], %broadcast_in_dim3A_3 {strides = array<i32>} : memref<40x512xf32, #tpu.memory_space<vmem>>, vector<16xf32>,
      %swap3A_513 = arith.index_cast %scan3A_453 : i32 to index
      %swap3A_514 = arith.constant 320 : index
      %swap3A_515 = tpu.vector_load %arg6[%swap3A_513, %swap3A_514] {strides = array<i32>} : memref<40x512xf32, #tpu.memory_space<vmem>>, vector<16xf32>,
      tpu.vector_store %arg6[%swap3A_513, %swap3A_514], %broadcast_in_dim3A_3 {strides = array<i32>} : memref<40x512xf32, #tpu.memory_space<vmem>>, vector<16xf32>,
      %swap3A_516 = arith.index_cast %scan3A_453 : i32 to index
      %swap3A_517 = arith.constant 336 : index
      %swap3A_518 = tpu.vector_load %arg6[%swap3A_516, %swap3A_517] {strides = array<i32>} : memref<40x512xf32, #tpu.memory_space<vmem>>, vector<16xf32>,
      tpu.vector_store %arg6[%swap3A_516, %swap3A_517], %broadcast_in_dim3A_3 {strides = array<i32>} : memref<40x512xf32, #tpu.memory_space<vmem>>, vector<16xf32>,
      %swap3A_519 = arith.index_cast %scan3A_453 : i32 to index
      %swap3A_520 = arith.constant 352 : index
      %swap3A_521 = tpu.vector_load %arg6[%swap3A_519, %swap3A_520] {strides = array<i32>} : memref<40x512xf32, #tpu.memory_space<vmem>>, vector<16xf32>,
      tpu.vector_store %arg6[%swap3A_519, %swap3A_520], %broadcast_in_dim3A_3 {strides = array<i32>} : memref<40x512xf32, #tpu.memory_space<vmem>>, vector<16xf32>,
      %swap3A_522 = arith.index_cast %scan3A_453 : i32 to index
      %swap3A_523 = arith.constant 368 : index
      %swap3A_524 = tpu.vector_load %arg6[%swap3A_522, %swap3A_523] {strides = array<i32>} : memref<40x512xf32, #tpu.memory_space<vmem>>, vector<16xf32>,
      tpu.vector_store %arg6[%swap3A_522, %swap3A_523], %broadcast_in_dim3A_3 {strides = array<i32>} : memref<40x512xf32, #tpu.memory_space<vmem>>, vector<16xf32>,
      %swap3A_525 = arith.index_cast %scan3A_453 : i32 to index
      %swap3A_526 = arith.constant 384 : index
      %swap3A_527 = tpu.vector_load %arg6[%swap3A_525, %swap3A_526] {strides = array<i32>} : memref<40x512xf32, #tpu.memory_space<vmem>>, vector<16xf32>,
      tpu.vector_store %arg6[%swap3A_525, %swap3A_526], %broadcast_in_dim3A_3 {strides = array<i32>} : memref<40x512xf32, #tpu.memory_space<vmem>>, vector<16xf32>,
      %swap3A_528 = arith.index_cast %scan3A_453 : i32 to index
      %swap3A_529 = arith.constant 400 : index
      %swap3A_530 = tpu.vector_load %arg6[%swap3A_528, %swap3A_529] {strides = array<i32>} : memref<40x512xf32, #tpu.memory_space<vmem>>, vector<16xf32>,
      tpu.vector_store %arg6[%swap3A_528, %swap3A_529], %broadcast_in_dim3A_3 {strides = array<i32>} : memref<40x512xf32, #tpu.memory_space<vmem>>, vector<16xf32>,
      %swap3A_531 = arith.index_cast %scan3A_453 : i32 to index
      %swap3A_532 = arith.constant 416 : index
      %swap3A_533 = tpu.vector_load %arg6[%swap3A_531, %swap3A_532] {strides = array<i32>} : memref<40x512xf32, #tpu.memory_space<vmem>>, vector<16xf32>,
      tpu.vector_store %arg6[%swap3A_531, %swap3A_532], %broadcast_in_dim3A_3 {strides = array<i32>} : memref<40x512xf32, #tpu.memory_space<vmem>>, vector<16xf32>,
      %swap3A_534 = arith.index_cast %scan3A_453 : i32 to index
      %swap3A_535 = arith.constant 432 : index
      %swap3A_536 = tpu.vector_load %arg6[%swap3A_534, %swap3A_535] {strides = array<i32>} : memref<40x512xf32, #tpu.memory_space<vmem>>, vector<16xf32>,
      tpu.vector_store %arg6[%swap3A_534, %swap3A_535], %broadcast_in_dim3A_3 {strides = array<i32>} : memref<40x512xf32, #tpu.memory_space<vmem>>, vector<16xf32>,
      %swap3A_537 = arith.index_cast %scan3A_453 : i32 to index
      %swap3A_538 = arith.constant 448 : index
      %swap3A_539 = tpu.vector_load %arg6[%swap3A_537, %swap3A_538] {strides = array<i32>} : memref<40x512xf32, #tpu.memory_space<vmem>>, vector<16xf32>,
      tpu.vector_store %arg6[%swap3A_537, %swap3A_538], %broadcast_in_dim3A_3 {strides = array<i32>} : memref<40x512xf32, #tpu.memory_space<vmem>>, vector<16xf32>,
      %swap3A_540 = arith.index_cast %scan3A_453 : i32 to index
      %swap3A_541 = arith.constant 464 : index
      %swap3A_542 = tpu.vector_load %arg6[%swap3A_540, %swap3A_541] {strides = array<i32>} : memref<40x512xf32, #tpu.memory_space<vmem>>, vector<16xf32>,
      tpu.vector_store %arg6[%swap3A_540, %swap3A_541], %broadcast_in_dim3A_3 {strides = array<i32>} : memref<40x512xf32, #tpu.memory_space<vmem>>, vector<16xf32>,
      %swap3A_543 = arith.index_cast %scan3A_453 : i32 to index
      %swap3A_544 = arith.constant 480 : index
      %swap3A_545 = tpu.vector_load %arg6[%swap3A_543, %swap3A_544] {strides = array<i32>} : memref<40x512xf32, #tpu.memory_space<vmem>>, vector<16xf32>,
      tpu.vector_store %arg6[%swap3A_543, %swap3A_544], %broadcast_in_dim3A_3 {strides = array<i32>} : memref<40x512xf32, #tpu.memory_space<vmem>>, vector<16xf32>,
      %swap3A_546 = arith.index_cast %scan3A_453 : i32 to index
      %swap3A_547 = arith.constant 496 : index
      %swap3A_548 = tpu.vector_load %arg6[%swap3A_546, %swap3A_547] {strides = array<i32>} : memref<40x512xf32, #tpu.memory_space<vmem>>, vector<16xf32>,
      tpu.vector_store %arg6[%swap3A_546, %swap3A_547], %broadcast_in_dim3A_3 {strides = array<i32>} : memref<40x512xf32, #tpu.memory_space<vmem>>, vector<16xf32>,
    }
    %scan3A_14 = arith.constant 40 : i32
    "tpu.region"() ({
      %run_scoped3A = tpu.sem_alloc : memref<!tpu.dma_semaphore, #tpu.memory_space<semaphore_mem>>
      %dma_start3A_453 = tpu.memref_slice %arg2[%mul3A_2] : memref<16384xi32, #tpu.memory_space<hbm>> -> memref<512xi32, #tpu.memory_space<hbm>>
      %dma_start3A_454 = tpu.memref_slice %arg2[%mul3A_2] : memref<16384xi32, #tpu.memory_space<hbm>> -> memref<512xi32, #tpu.memory_space<hbm>>
      tpu.enqueue_dma source(%dma_start3A_454 : memref<512xi32, #tpu.memory_space<hbm>>) target(%arg4 : memref<512xi32, #tpu.memory_space<vmem>>) target_semaphore(%run_scoped3A : memref<!tpu.dma_semaphore, #tpu.memory_space<semaphore_mem>>)
      %dma_wait3A_455 = tpu.memref_slice %arg2[%mul3A_2] : memref<16384xi32, #tpu.memory_space<hbm>> -> memref<512xi32, #tpu.memory_space<hbm>>
      %dma_wait3A_456 = tpu.memref_slice %arg2[%mul3A_2] : memref<16384xi32, #tpu.memory_space<hbm>> -> memref<512xi32, #tpu.memory_space<hbm>>
      tpu.wait_dma2 semaphore(%run_scoped3A : memref<!tpu.dma_semaphore, #tpu.memory_space<semaphore_mem>>) src(%dma_wait3A_456 : memref<512xi32, #tpu.memory_space<hbm>>) dst(%arg4 : memref<512xi32, #tpu.memory_space<vmem>>)
      tpu.yield
    }) : () -> ()
    %scan3A_15 = arith.constant 0 : i32
    %scan3A_16 = arith.constant 32 : i32
    %scan3A_17 = arith.addi %scan3A_15, %scan3A_16 : i32
    %scan3A_18 = arith.constant 1 : i32
    scf.for %scan3A_453 = %scan3A_15 to %scan3A_17 step %scan3A_18  : i32 {
      %mul3A_454 = arith.constant 16 : i32
      %mul3A_455 = arith.muli %scan3A_453, %mul3A_454 : i32
      %get3A = arith.index_cast %mul3A_455 : i32 to index
      %get3A_456 = tpu.vector_load %arg4[%get3A] {strides = array<i32>} : memref<512xi32, #tpu.memory_space<vmem>>, vector<16xi32>,
      %sub3A = arith.constant 0 : i32
      %sub3A_457 = vector.broadcast %sub3A : i32 to vector<16xi32>
      %sub3A_458 = arith.subi %get3A_456, %sub3A_457 : vector<16xi32>
      %mul3A_459 = arith.constant 16 : i32
      %mul3A_460 = arith.muli %scan3A_453, %mul3A_459 : i32
      %add3A_461 = vector.broadcast %mul3A_460 : i32 to vector<16xi32>
      %add3A_462 = arith.addi %add3A_461, %iota3A : vector<16xi32>
      %ge3A = arith.constant 0 : i32
      %ge3A_463 = vector.broadcast %ge3A : i32 to vector<16xi32>
      %ge3A_464 = arith.cmpi sge, %get3A_456, %ge3A_463 : vector<16xi32>
      %lt3A = arith.constant 40 : i32
      %lt3A_465 = vector.broadcast %lt3A : i32 to vector<16xi32>
      %lt3A_466 = arith.cmpi slt, %get3A_456, %lt3A_465 : vector<16xi32>
      %and3A = arith.andi %ge3A_464, %lt3A_466 : vector<16xi1>
      tpu.vector_store_idx %arg5[%sub3A_458, %add3A_462], %broadcast_in_dim3A_5 masked %and3A : memref<40x512xf32, #tpu.memory_space<vmem>>[vector<16xi32>, vector<16xi32>], vector<16xf32>, vector<16xi1>
    }
    %scan3A_19 = arith.constant 32 : i32
    %dma_start3A = arith.constant 0 : i32
    %dma_start3A_20 = tpu.memref_slice %arg3[%dma_start3A, %mul3A_2] : memref<1000x16384xf32, #tpu.memory_space<hbm>> -> memref<40x512xf32, #tpu.memory_space<hbm>>
    %dma_start3A_21 = arith.constant 0 : i32
    %dma_start3A_22 = tpu.memref_slice %arg3[%dma_start3A_21, %mul3A_2] : memref<1000x16384xf32, #tpu.memory_space<hbm>> -> memref<40x512xf32, #tpu.memory_space<hbm>>
    tpu.enqueue_dma source(%arg5 : memref<40x512xf32, #tpu.memory_space<vmem>>) target(%dma_start3A_22 : memref<40x512xf32, #tpu.memory_space<hbm>>) target_semaphore(%arg7 : memref<!tpu.dma_semaphore, #tpu.memory_space<semaphore_mem>>)
    %scan3A_23 = arith.constant 0 : i32
    %scan3A_24 = arith.constant 32 : i32
    %scan3A_25 = arith.addi %scan3A_23, %scan3A_24 : i32
    %scan3A_26 = arith.constant 1 : i32
    scf.for %scan3A_453 = %scan3A_23 to %scan3A_25 step %scan3A_26  : i32 {
      %mul3A_454 = arith.constant 16 : i32
      %mul3A_455 = arith.muli %scan3A_453, %mul3A_454 : i32
      %get3A = arith.index_cast %mul3A_455 : i32 to index
      %get3A_456 = tpu.vector_load %arg4[%get3A] {strides = array<i32>} : memref<512xi32, #tpu.memory_space<vmem>>, vector<16xi32>,
      %sub3A = arith.constant 40 : i32
      %sub3A_457 = vector.broadcast %sub3A : i32 to vector<16xi32>
      %sub3A_458 = arith.subi %get3A_456, %sub3A_457 : vector<16xi32>
      %mul3A_459 = arith.constant 16 : i32
      %mul3A_460 = arith.muli %scan3A_453, %mul3A_459 : i32
      %add3A_461 = vector.broadcast %mul3A_460 : i32 to vector<16xi32>
      %add3A_462 = arith.addi %add3A_461, %iota3A : vector<16xi32>
      %ge3A = arith.constant 40 : i32
      %ge3A_463 = vector.broadcast %ge3A : i32 to vector<16xi32>
      %ge3A_464 = arith.cmpi sge, %get3A_456, %ge3A_463 : vector<16xi32>
      %lt3A = arith.constant 80 : i32
      %lt3A_465 = vector.broadcast %lt3A : i32 to vector<16xi32>
      %lt3A_466 = arith.cmpi slt, %get3A_456, %lt3A_465 : vector<16xi32>
      %and3A = arith.andi %ge3A_464, %lt3A_466 : vector<16xi1>
      tpu.vector_store_idx %arg6[%sub3A_458, %add3A_462], %broadcast_in_dim3A_5 masked %and3A : memref<40x512xf32, #tpu.memory_space<vmem>>[vector<16xi32>, vector<16xi32>], vector<16xf32>, vector<16xi1>
    }
    %scan3A_27 = arith.constant 32 : i32
    %dma_start3A_28 = arith.constant 40 : i32
    %dma_start3A_29 = tpu.memref_slice %arg3[%dma_start3A_28, %mul3A_2] : memref<1000x16384xf32, #tpu.memory_space<hbm>> -> memref<40x512xf32, #tpu.memory_space<hbm>>
    %dma_start3A_30 = arith.constant 40 : i32
    %dma_start3A_31 = tpu.memref_slice %arg3[%dma_start3A_30, %mul3A_2] : memref<1000x16384xf32, #tpu.memory_space<hbm>> -> memref<40x512xf32, #tpu.memory_space<hbm>>
    tpu.enqueue_dma source(%arg6 : memref<40x512xf32, #tpu.memory_space<vmem>>) target(%dma_start3A_31 : memref<40x512xf32, #tpu.memory_space<hbm>>) target_semaphore(%arg8 : memref<!tpu.dma_semaphore, #tpu.memory_space<semaphore_mem>>)
    %dma_wait3A = arith.constant 0 : i32
    %dma_wait3A_32 = tpu.memref_slice %arg3[%dma_wait3A, %mul3A_2] : memref<1000x16384xf32, #tpu.memory_space<hbm>> -> memref<40x512xf32, #tpu.memory_space<hbm>>
    %dma_wait3A_33 = arith.constant 0 : i32
    %dma_wait3A_34 = tpu.memref_slice %arg3[%dma_wait3A_33, %mul3A_2] : memref<1000x16384xf32, #tpu.memory_space<hbm>> -> memref<40x512xf32, #tpu.memory_space<hbm>>
    tpu.wait_dma2 semaphore(%arg7 : memref<!tpu.dma_semaphore, #tpu.memory_space<semaphore_mem>>) src(%arg5 : memref<40x512xf32, #tpu.memory_space<vmem>>) dst(%dma_wait3A_34 : memref<40x512xf32, #tpu.memory_space<hbm>>)
    %scan3A_35 = arith.constant 0 : i32
    %scan3A_36 = arith.constant 32 : i32
    %scan3A_37 = arith.addi %scan3A_35, %scan3A_36 : i32
    %scan3A_38 = arith.constant 1 : i32
    scf.for %scan3A_453 = %scan3A_35 to %scan3A_37 step %scan3A_38  : i32 {
      %mul3A_454 = arith.constant 16 : i32
      %mul3A_455 = arith.muli %scan3A_453, %mul3A_454 : i32
      %get3A = arith.index_cast %mul3A_455 : i32 to index
      %get3A_456 = tpu.vector_load %arg4[%get3A] {strides = array<i32>} : memref<512xi32, #tpu.memory_space<vmem>>, vector<16xi32>,
      %sub3A = arith.constant 0 : i32
      %sub3A_457 = vector.broadcast %sub3A : i32 to vector<16xi32>
      %sub3A_458 = arith.subi %get3A_456, %sub3A_457 : vector<16xi32>
      %mul3A_459 = arith.constant 16 : i32
      %mul3A_460 = arith.muli %scan3A_453, %mul3A_459 : i32
      %add3A_461 = vector.broadcast %mul3A_460 : i32 to vector<16xi32>
      %add3A_462 = arith.addi %add3A_461, %iota3A : vector<16xi32>
      %ge3A = arith.constant 0 : i32
      %ge3A_463 = vector.broadcast %ge3A : i32 to vector<16xi32>
      %ge3A_464 = arith.cmpi sge, %get3A_456, %ge3A_463 : vector<16xi32>
      %lt3A = arith.constant 40 : i32
      %lt3A_465 = vector.broadcast %lt3A : i32 to vector<16xi32>
      %lt3A_466 = arith.cmpi slt, %get3A_456, %lt3A_465 : vector<16xi32>
      %and3A = arith.andi %ge3A_464, %lt3A_466 : vector<16xi1>
      tpu.vector_store_idx %arg5[%sub3A_458, %add3A_462], %broadcast_in_dim3A_3 masked %and3A : memref<40x512xf32, #tpu.memory_space<vmem>>[vector<16xi32>, vector<16xi32>], vector<16xf32>, vector<16xi1>
    }
    %scan3A_39 = arith.constant 32 : i32
    %scan3A_40 = arith.constant 0 : i32
    %scan3A_41 = arith.constant 32 : i32
    %scan3A_42 = arith.addi %scan3A_40, %scan3A_41 : i32
    %scan3A_43 = arith.constant 1 : i32
    scf.for %scan3A_453 = %scan3A_40 to %scan3A_42 step %scan3A_43  : i32 {
      %mul3A_454 = arith.constant 16 : i32
      %mul3A_455 = arith.muli %scan3A_453, %mul3A_454 : i32
      %get3A = arith.index_cast %mul3A_455 : i32 to index
      %get3A_456 = tpu.vector_load %arg4[%get3A] {strides = array<i32>} : memref<512xi32, #tpu.memory_space<vmem>>, vector<16xi32>,
      %sub3A = arith.constant 80 : i32
      %sub3A_457 = vector.broadcast %sub3A : i32 to vector<16xi32>
      %sub3A_458 = arith.subi %get3A_456, %sub3A_457 : vector<16xi32>
      %mul3A_459 = arith.constant 16 : i32
      %mul3A_460 = arith.muli %scan3A_453, %mul3A_459 : i32
      %add3A_461 = vector.broadcast %mul3A_460 : i32 to vector<16xi32>
      %add3A_462 = arith.addi %add3A_461, %iota3A : vector<16xi32>
      %ge3A = arith.constant 80 : i32
      %ge3A_463 = vector.broadcast %ge3A : i32 to vector<16xi32>
      %ge3A_464 = arith.cmpi sge, %get3A_456, %ge3A_463 : vector<16xi32>
      %lt3A = arith.constant 120 : i32
      %lt3A_465 = vector.broadcast %lt3A : i32 to vector<16xi32>
      %lt3A_466 = arith.cmpi slt, %get3A_456, %lt3A_465 : vector<16xi32>
      %and3A = arith.andi %ge3A_464, %lt3A_466 : vector<16xi1>
      tpu.vector_store_idx %arg5[%sub3A_458, %add3A_462], %broadcast_in_dim3A_5 masked %and3A : memref<40x512xf32, #tpu.memory_space<vmem>>[vector<16xi32>, vector<16xi32>], vector<16xf32>, vector<16xi1>
    }
    %scan3A_44 = arith.constant 32 : i32
    %dma_start3A_45 = arith.constant 80 : i32
    %dma_start3A_46 = tpu.memref_slice %arg3[%dma_start3A_45, %mul3A_2] : memref<1000x16384xf32, #tpu.memory_space<hbm>> -> memref<40x512xf32, #tpu.memory_space<hbm>>
    %dma_start3A_47 = arith.constant 80 : i32
    %dma_start3A_48 = tpu.memref_slice %arg3[%dma_start3A_47, %mul3A_2] : memref<1000x16384xf32, #tpu.memory_space<hbm>> -> memref<40x512xf32, #tpu.memory_space<hbm>>
    tpu.enqueue_dma source(%arg5 : memref<40x512xf32, #tpu.memory_space<vmem>>) target(%dma_start3A_48 : memref<40x512xf32, #tpu.memory_space<hbm>>) target_semaphore(%arg7 : memref<!tpu.dma_semaphore, #tpu.memory_space<semaphore_mem>>)
    %dma_wait3A_49 = arith.constant 40 : i32
    %dma_wait3A_50 = tpu.memref_slice %arg3[%dma_wait3A_49, %mul3A_2] : memref<1000x16384xf32, #tpu.memory_space<hbm>> -> memref<40x512xf32, #tpu.memory_space<hbm>>
    %dma_wait3A_51 = arith.constant 40 : i32
    %dma_wait3A_52 = tpu.memref_slice %arg3[%dma_wait3A_51, %mul3A_2] : memref<1000x16384xf32, #tpu.memory_space<hbm>> -> memref<40x512xf32, #tpu.memory_space<hbm>>
    tpu.wait_dma2 semaphore(%arg8 : memref<!tpu.dma_semaphore, #tpu.memory_space<semaphore_mem>>) src(%arg6 : memref<40x512xf32, #tpu.memory_space<vmem>>) dst(%dma_wait3A_52 : memref<40x512xf32, #tpu.memory_space<hbm>>)
    %scan3A_53 = arith.constant 0 : i32
    %scan3A_54 = arith.constant 32 : i32
    %scan3A_55 = arith.addi %scan3A_53, %scan3A_54 : i32
    %scan3A_56 = arith.constant 1 : i32
    scf.for %scan3A_453 = %scan3A_53 to %scan3A_55 step %scan3A_56  : i32 {
      %mul3A_454 = arith.constant 16 : i32
      %mul3A_455 = arith.muli %scan3A_453, %mul3A_454 : i32
      %get3A = arith.index_cast %mul3A_455 : i32 to index
      %get3A_456 = tpu.vector_load %arg4[%get3A] {strides = array<i32>} : memref<512xi32, #tpu.memory_space<vmem>>, vector<16xi32>,
      %sub3A = arith.constant 40 : i32
      %sub3A_457 = vector.broadcast %sub3A : i32 to vector<16xi32>
      %sub3A_458 = arith.subi %get3A_456, %sub3A_457 : vector<16xi32>
      %mul3A_459 = arith.constant 16 : i32
      %mul3A_460 = arith.muli %scan3A_453, %mul3A_459 : i32
      %add3A_461 = vector.broadcast %mul3A_460 : i32 to vector<16xi32>
      %add3A_462 = arith.addi %add3A_461, %iota3A : vector<16xi32>
      %ge3A = arith.constant 40 : i32
      %ge3A_463 = vector.broadcast %ge3A : i32 to vector<16xi32>
      %ge3A_464 = arith.cmpi sge, %get3A_456, %ge3A_463 : vector<16xi32>
      %lt3A = arith.constant 80 : i32
      %lt3A_465 = vector.broadcast %lt3A : i32 to vector<16xi32>
      %lt3A_466 = arith.cmpi slt, %get3A_456, %lt3A_465 : vector<16xi32>
      %and3A = arith.andi %ge3A_464, %lt3A_466 : vector<16xi1>
      tpu.vector_store_idx %arg6[%sub3A_458, %add3A_462], %broadcast_in_dim3A_3 masked %and3A : memref<40x512xf32, #tpu.memory_space<vmem>>[vector<16xi32>, vector<16xi32>], vector<16xf32>, vector<16xi1>
    }
    %scan3A_57 = arith.constant 32 : i32
    %scan3A_58 = arith.constant 0 : i32
    %scan3A_59 = arith.constant 32 : i32
    %scan3A_60 = arith.addi %scan3A_58, %scan3A_59 : i32
    %scan3A_61 = arith.constant 1 : i32
    scf.for %scan3A_453 = %scan3A_58 to %scan3A_60 step %scan3A_61  : i32 {
      %mul3A_454 = arith.constant 16 : i32
      %mul3A_455 = arith.muli %scan3A_453, %mul3A_454 : i32
      %get3A = arith.index_cast %mul3A_455 : i32 to index
      %get3A_456 = tpu.vector_load %arg4[%get3A] {strides = array<i32>} : memref<512xi32, #tpu.memory_space<vmem>>, vector<16xi32>,
      %sub3A = arith.constant 120 : i32
      %sub3A_457 = vector.broadcast %sub3A : i32 to vector<16xi32>
      %sub3A_458 = arith.subi %get3A_456, %sub3A_457 : vector<16xi32>
      %mul3A_459 = arith.constant 16 : i32
      %mul3A_460 = arith.muli %scan3A_453, %mul3A_459 : i32
      %add3A_461 = vector.broadcast %mul3A_460 : i32 to vector<16xi32>
      %add3A_462 = arith.addi %add3A_461, %iota3A : vector<16xi32>
      %ge3A = arith.constant 120 : i32
      %ge3A_463 = vector.broadcast %ge3A : i32 to vector<16xi32>
      %ge3A_464 = arith.cmpi sge, %get3A_456, %ge3A_463 : vector<16xi32>
      %lt3A = arith.constant 160 : i32
      %lt3A_465 = vector.broadcast %lt3A : i32 to vector<16xi32>
      %lt3A_466 = arith.cmpi slt, %get3A_456, %lt3A_465 : vector<16xi32>
      %and3A = arith.andi %ge3A_464, %lt3A_466 : vector<16xi1>
      tpu.vector_store_idx %arg6[%sub3A_458, %add3A_462], %broadcast_in_dim3A_5 masked %and3A : memref<40x512xf32, #tpu.memory_space<vmem>>[vector<16xi32>, vector<16xi32>], vector<16xf32>, vector<16xi1>
    }
    %scan3A_62 = arith.constant 32 : i32
    %dma_start3A_63 = arith.constant 120 : i32
    %dma_start3A_64 = tpu.memref_slice %arg3[%dma_start3A_63, %mul3A_2] : memref<1000x16384xf32, #tpu.memory_space<hbm>> -> memref<40x512xf32, #tpu.memory_space<hbm>>
    %dma_start3A_65 = arith.constant 120 : i32
    %dma_start3A_66 = tpu.memref_slice %arg3[%dma_start3A_65, %mul3A_2] : memref<1000x16384xf32, #tpu.memory_space<hbm>> -> memref<40x512xf32, #tpu.memory_space<hbm>>
    tpu.enqueue_dma source(%arg6 : memref<40x512xf32, #tpu.memory_space<vmem>>) target(%dma_start3A_66 : memref<40x512xf32, #tpu.memory_space<hbm>>) target_semaphore(%arg8 : memref<!tpu.dma_semaphore, #tpu.memory_space<semaphore_mem>>)
    %dma_wait3A_67 = arith.constant 80 : i32
    %dma_wait3A_68 = tpu.memref_slice %arg3[%dma_wait3A_67, %mul3A_2] : memref<1000x16384xf32, #tpu.memory_space<hbm>> -> memref<40x512xf32, #tpu.memory_space<hbm>>
    %dma_wait3A_69 = arith.constant 80 : i32
    %dma_wait3A_70 = tpu.memref_slice %arg3[%dma_wait3A_69, %mul3A_2] : memref<1000x16384xf32, #tpu.memory_space<hbm>> -> memref<40x512xf32, #tpu.memory_space<hbm>>
    tpu.wait_dma2 semaphore(%arg7 : memref<!tpu.dma_semaphore, #tpu.memory_space<semaphore_mem>>) src(%arg5 : memref<40x512xf32, #tpu.memory_space<vmem>>) dst(%dma_wait3A_70 : memref<40x512xf32, #tpu.memory_space<hbm>>)
    %scan3A_71 = arith.constant 0 : i32
    %scan3A_72 = arith.constant 32 : i32
    %scan3A_73 = arith.addi %scan3A_71, %scan3A_72 : i32
    %scan3A_74 = arith.constant 1 : i32
    scf.for %scan3A_453 = %scan3A_71 to %scan3A_73 step %scan3A_74  : i32 {
      %mul3A_454 = arith.constant 16 : i32
      %mul3A_455 = arith.muli %scan3A_453, %mul3A_454 : i32
      %get3A = arith.index_cast %mul3A_455 : i32 to index
      %get3A_456 = tpu.vector_load %arg4[%get3A] {strides = array<i32>} : memref<512xi32, #tpu.memory_space<vmem>>, vector<16xi32>,
      %sub3A = arith.constant 80 : i32
      %sub3A_457 = vector.broadcast %sub3A : i32 to vector<16xi32>
      %sub3A_458 = arith.subi %get3A_456, %sub3A_457 : vector<16xi32>
      %mul3A_459 = arith.constant 16 : i32
      %mul3A_460 = arith.muli %scan3A_453, %mul3A_459 : i32
      %add3A_461 = vector.broadcast %mul3A_460 : i32 to vector<16xi32>
      %add3A_462 = arith.addi %add3A_461, %iota3A : vector<16xi32>
      %ge3A = arith.constant 80 : i32
      %ge3A_463 = vector.broadcast %ge3A : i32 to vector<16xi32>
      %ge3A_464 = arith.cmpi sge, %get3A_456, %ge3A_463 : vector<16xi32>
      %lt3A = arith.constant 120 : i32
      %lt3A_465 = vector.broadcast %lt3A : i32 to vector<16xi32>
      %lt3A_466 = arith.cmpi slt, %get3A_456, %lt3A_465 : vector<16xi32>
      %and3A = arith.andi %ge3A_464, %lt3A_466 : vector<16xi1>
      tpu.vector_store_idx %arg5[%sub3A_458, %add3A_462], %broadcast_in_dim3A_3 masked %and3A : memref<40x512xf32, #tpu.memory_space<vmem>>[vector<16xi32>, vector<16xi32>], vector<16xf32>, vector<16xi1>
    }
    %scan3A_75 = arith.constant 32 : i32
    %scan3A_76 = arith.constant 0 : i32
    %scan3A_77 = arith.constant 32 : i32
    %scan3A_78 = arith.addi %scan3A_76, %scan3A_77 : i32
    %scan3A_79 = arith.constant 1 : i32
    scf.for %scan3A_453 = %scan3A_76 to %scan3A_78 step %scan3A_79  : i32 {
      %mul3A_454 = arith.constant 16 : i32
      %mul3A_455 = arith.muli %scan3A_453, %mul3A_454 : i32
      %get3A = arith.index_cast %mul3A_455 : i32 to index
      %get3A_456 = tpu.vector_load %arg4[%get3A] {strides = array<i32>} : memref<512xi32, #tpu.memory_space<vmem>>, vector<16xi32>,
      %sub3A = arith.constant 160 : i32
      %sub3A_457 = vector.broadcast %sub3A : i32 to vector<16xi32>
      %sub3A_458 = arith.subi %get3A_456, %sub3A_457 : vector<16xi32>
      %mul3A_459 = arith.constant 16 : i32
      %mul3A_460 = arith.muli %scan3A_453, %mul3A_459 : i32
      %add3A_461 = vector.broadcast %mul3A_460 : i32 to vector<16xi32>
      %add3A_462 = arith.addi %add3A_461, %iota3A : vector<16xi32>
      %ge3A = arith.constant 160 : i32
      %ge3A_463 = vector.broadcast %ge3A : i32 to vector<16xi32>
      %ge3A_464 = arith.cmpi sge, %get3A_456, %ge3A_463 : vector<16xi32>
      %lt3A = arith.constant 200 : i32
      %lt3A_465 = vector.broadcast %lt3A : i32 to vector<16xi32>
      %lt3A_466 = arith.cmpi slt, %get3A_456, %lt3A_465 : vector<16xi32>
      %and3A = arith.andi %ge3A_464, %lt3A_466 : vector<16xi1>
      tpu.vector_store_idx %arg5[%sub3A_458, %add3A_462], %broadcast_in_dim3A_5 masked %and3A : memref<40x512xf32, #tpu.memory_space<vmem>>[vector<16xi32>, vector<16xi32>], vector<16xf32>, vector<16xi1>
    }
    %scan3A_80 = arith.constant 32 : i32
    %dma_start3A_81 = arith.constant 160 : i32
    %dma_start3A_82 = tpu.memref_slice %arg3[%dma_start3A_81, %mul3A_2] : memref<1000x16384xf32, #tpu.memory_space<hbm>> -> memref<40x512xf32, #tpu.memory_space<hbm>>
    %dma_start3A_83 = arith.constant 160 : i32
    %dma_start3A_84 = tpu.memref_slice %arg3[%dma_start3A_83, %mul3A_2] : memref<1000x16384xf32, #tpu.memory_space<hbm>> -> memref<40x512xf32, #tpu.memory_space<hbm>>
    tpu.enqueue_dma source(%arg5 : memref<40x512xf32, #tpu.memory_space<vmem>>) target(%dma_start3A_84 : memref<40x512xf32, #tpu.memory_space<hbm>>) target_semaphore(%arg7 : memref<!tpu.dma_semaphore, #tpu.memory_space<semaphore_mem>>)
    %dma_wait3A_85 = arith.constant 120 : i32
    %dma_wait3A_86 = tpu.memref_slice %arg3[%dma_wait3A_85, %mul3A_2] : memref<1000x16384xf32, #tpu.memory_space<hbm>> -> memref<40x512xf32, #tpu.memory_space<hbm>>
    %dma_wait3A_87 = arith.constant 120 : i32
    %dma_wait3A_88 = tpu.memref_slice %arg3[%dma_wait3A_87, %mul3A_2] : memref<1000x16384xf32, #tpu.memory_space<hbm>> -> memref<40x512xf32, #tpu.memory_space<hbm>>
    tpu.wait_dma2 semaphore(%arg8 : memref<!tpu.dma_semaphore, #tpu.memory_space<semaphore_mem>>) src(%arg6 : memref<40x512xf32, #tpu.memory_space<vmem>>) dst(%dma_wait3A_88 : memref<40x512xf32, #tpu.memory_space<hbm>>)
    %scan3A_89 = arith.constant 0 : i32
    %scan3A_90 = arith.constant 32 : i32
    %scan3A_91 = arith.addi %scan3A_89, %scan3A_90 : i32
    %scan3A_92 = arith.constant 1 : i32
    scf.for %scan3A_453 = %scan3A_89 to %scan3A_91 step %scan3A_92  : i32 {
      %mul3A_454 = arith.constant 16 : i32
      %mul3A_455 = arith.muli %scan3A_453, %mul3A_454 : i32
      %get3A = arith.index_cast %mul3A_455 : i32 to index
      %get3A_456 = tpu.vector_load %arg4[%get3A] {strides = array<i32>} : memref<512xi32, #tpu.memory_space<vmem>>, vector<16xi32>,
      %sub3A = arith.constant 120 : i32
      %sub3A_457 = vector.broadcast %sub3A : i32 to vector<16xi32>
      %sub3A_458 = arith.subi %get3A_456, %sub3A_457 : vector<16xi32>
      %mul3A_459 = arith.constant 16 : i32
      %mul3A_460 = arith.muli %scan3A_453, %mul3A_459 : i32
      %add3A_461 = vector.broadcast %mul3A_460 : i32 to vector<16xi32>
      %add3A_462 = arith.addi %add3A_461, %iota3A : vector<16xi32>
      %ge3A = arith.constant 120 : i32
      %ge3A_463 = vector.broadcast %ge3A : i32 to vector<16xi32>
      %ge3A_464 = arith.cmpi sge, %get3A_456, %ge3A_463 : vector<16xi32>
      %lt3A = arith.constant 160 : i32
      %lt3A_465 = vector.broadcast %lt3A : i32 to vector<16xi32>
      %lt3A_466 = arith.cmpi slt, %get3A_456, %lt3A_465 : vector<16xi32>
      %and3A = arith.andi %ge3A_464, %lt3A_466 : vector<16xi1>
      tpu.vector_store_idx %arg6[%sub3A_458, %add3A_462], %broadcast_in_dim3A_3 masked %and3A : memref<40x512xf32, #tpu.memory_space<vmem>>[vector<16xi32>, vector<16xi32>], vector<16xf32>, vector<16xi1>
    }
    %scan3A_93 = arith.constant 32 : i32
    %scan3A_94 = arith.constant 0 : i32
    %scan3A_95 = arith.constant 32 : i32
    %scan3A_96 = arith.addi %scan3A_94, %scan3A_95 : i32
    %scan3A_97 = arith.constant 1 : i32
    scf.for %scan3A_453 = %scan3A_94 to %scan3A_96 step %scan3A_97  : i32 {
      %mul3A_454 = arith.constant 16 : i32
      %mul3A_455 = arith.muli %scan3A_453, %mul3A_454 : i32
      %get3A = arith.index_cast %mul3A_455 : i32 to index
      %get3A_456 = tpu.vector_load %arg4[%get3A] {strides = array<i32>} : memref<512xi32, #tpu.memory_space<vmem>>, vector<16xi32>,
      %sub3A = arith.constant 200 : i32
      %sub3A_457 = vector.broadcast %sub3A : i32 to vector<16xi32>
      %sub3A_458 = arith.subi %get3A_456, %sub3A_457 : vector<16xi32>
      %mul3A_459 = arith.constant 16 : i32
      %mul3A_460 = arith.muli %scan3A_453, %mul3A_459 : i32
      %add3A_461 = vector.broadcast %mul3A_460 : i32 to vector<16xi32>
      %add3A_462 = arith.addi %add3A_461, %iota3A : vector<16xi32>
      %ge3A = arith.constant 200 : i32
      %ge3A_463 = vector.broadcast %ge3A : i32 to vector<16xi32>
      %ge3A_464 = arith.cmpi sge, %get3A_456, %ge3A_463 : vector<16xi32>
      %lt3A = arith.constant 240 : i32
      %lt3A_465 = vector.broadcast %lt3A : i32 to vector<16xi32>
      %lt3A_466 = arith.cmpi slt, %get3A_456, %lt3A_465 : vector<16xi32>
      %and3A = arith.andi %ge3A_464, %lt3A_466 : vector<16xi1>
      tpu.vector_store_idx %arg6[%sub3A_458, %add3A_462], %broadcast_in_dim3A_5 masked %and3A : memref<40x512xf32, #tpu.memory_space<vmem>>[vector<16xi32>, vector<16xi32>], vector<16xf32>, vector<16xi1>
    }
    %scan3A_98 = arith.constant 32 : i32
    %dma_start3A_99 = arith.constant 200 : i32
    %dma_start3A_100 = tpu.memref_slice %arg3[%dma_start3A_99, %mul3A_2] : memref<1000x16384xf32, #tpu.memory_space<hbm>> -> memref<40x512xf32, #tpu.memory_space<hbm>>
    %dma_start3A_101 = arith.constant 200 : i32
    %dma_start3A_102 = tpu.memref_slice %arg3[%dma_start3A_101, %mul3A_2] : memref<1000x16384xf32, #tpu.memory_space<hbm>> -> memref<40x512xf32, #tpu.memory_space<hbm>>
    tpu.enqueue_dma source(%arg6 : memref<40x512xf32, #tpu.memory_space<vmem>>) target(%dma_start3A_102 : memref<40x512xf32, #tpu.memory_space<hbm>>) target_semaphore(%arg8 : memref<!tpu.dma_semaphore, #tpu.memory_space<semaphore_mem>>)
    %dma_wait3A_103 = arith.constant 160 : i32
    %dma_wait3A_104 = tpu.memref_slice %arg3[%dma_wait3A_103, %mul3A_2] : memref<1000x16384xf32, #tpu.memory_space<hbm>> -> memref<40x512xf32, #tpu.memory_space<hbm>>
    %dma_wait3A_105 = arith.constant 160 : i32
    %dma_wait3A_106 = tpu.memref_slice %arg3[%dma_wait3A_105, %mul3A_2] : memref<1000x16384xf32, #tpu.memory_space<hbm>> -> memref<40x512xf32, #tpu.memory_space<hbm>>
    tpu.wait_dma2 semaphore(%arg7 : memref<!tpu.dma_semaphore, #tpu.memory_space<semaphore_mem>>) src(%arg5 : memref<40x512xf32, #tpu.memory_space<vmem>>) dst(%dma_wait3A_106 : memref<40x512xf32, #tpu.memory_space<hbm>>)
    %scan3A_107 = arith.constant 0 : i32
    %scan3A_108 = arith.constant 32 : i32
    %scan3A_109 = arith.addi %scan3A_107, %scan3A_108 : i32
    %scan3A_110 = arith.constant 1 : i32
    scf.for %scan3A_453 = %scan3A_107 to %scan3A_109 step %scan3A_110  : i32 {
      %mul3A_454 = arith.constant 16 : i32
      %mul3A_455 = arith.muli %scan3A_453, %mul3A_454 : i32
      %get3A = arith.index_cast %mul3A_455 : i32 to index
      %get3A_456 = tpu.vector_load %arg4[%get3A] {strides = array<i32>} : memref<512xi32, #tpu.memory_space<vmem>>, vector<16xi32>,
      %sub3A = arith.constant 160 : i32
      %sub3A_457 = vector.broadcast %sub3A : i32 to vector<16xi32>
      %sub3A_458 = arith.subi %get3A_456, %sub3A_457 : vector<16xi32>
      %mul3A_459 = arith.constant 16 : i32
      %mul3A_460 = arith.muli %scan3A_453, %mul3A_459 : i32
      %add3A_461 = vector.broadcast %mul3A_460 : i32 to vector<16xi32>
      %add3A_462 = arith.addi %add3A_461, %iota3A : vector<16xi32>
      %ge3A = arith.constant 160 : i32
      %ge3A_463 = vector.broadcast %ge3A : i32 to vector<16xi32>
      %ge3A_464 = arith.cmpi sge, %get3A_456, %ge3A_463 : vector<16xi32>
      %lt3A = arith.constant 200 : i32
      %lt3A_465 = vector.broadcast %lt3A : i32 to vector<16xi32>
      %lt3A_466 = arith.cmpi slt, %get3A_456, %lt3A_465 : vector<16xi32>
      %and3A = arith.andi %ge3A_464, %lt3A_466 : vector<16xi1>
      tpu.vector_store_idx %arg5[%sub3A_458, %add3A_462], %broadcast_in_dim3A_3 masked %and3A : memref<40x512xf32, #tpu.memory_space<vmem>>[vector<16xi32>, vector<16xi32>], vector<16xf32>, vector<16xi1>
    }
    %scan3A_111 = arith.constant 32 : i32
    %scan3A_112 = arith.constant 0 : i32
    %scan3A_113 = arith.constant 32 : i32
    %scan3A_114 = arith.addi %scan3A_112, %scan3A_113 : i32
    %scan3A_115 = arith.constant 1 : i32
    scf.for %scan3A_453 = %scan3A_112 to %scan3A_114 step %scan3A_115  : i32 {
      %mul3A_454 = arith.constant 16 : i32
      %mul3A_455 = arith.muli %scan3A_453, %mul3A_454 : i32
      %get3A = arith.index_cast %mul3A_455 : i32 to index
      %get3A_456 = tpu.vector_load %arg4[%get3A] {strides = array<i32>} : memref<512xi32, #tpu.memory_space<vmem>>, vector<16xi32>,
      %sub3A = arith.constant 240 : i32
      %sub3A_457 = vector.broadcast %sub3A : i32 to vector<16xi32>
      %sub3A_458 = arith.subi %get3A_456, %sub3A_457 : vector<16xi32>
      %mul3A_459 = arith.constant 16 : i32
      %mul3A_460 = arith.muli %scan3A_453, %mul3A_459 : i32
      %add3A_461 = vector.broadcast %mul3A_460 : i32 to vector<16xi32>
      %add3A_462 = arith.addi %add3A_461, %iota3A : vector<16xi32>
      %ge3A = arith.constant 240 : i32
      %ge3A_463 = vector.broadcast %ge3A : i32 to vector<16xi32>
      %ge3A_464 = arith.cmpi sge, %get3A_456, %ge3A_463 : vector<16xi32>
      %lt3A = arith.constant 280 : i32
      %lt3A_465 = vector.broadcast %lt3A : i32 to vector<16xi32>
      %lt3A_466 = arith.cmpi slt, %get3A_456, %lt3A_465 : vector<16xi32>
      %and3A = arith.andi %ge3A_464, %lt3A_466 : vector<16xi1>
      tpu.vector_store_idx %arg5[%sub3A_458, %add3A_462], %broadcast_in_dim3A_5 masked %and3A : memref<40x512xf32, #tpu.memory_space<vmem>>[vector<16xi32>, vector<16xi32>], vector<16xf32>, vector<16xi1>
    }
    %scan3A_116 = arith.constant 32 : i32
    %dma_start3A_117 = arith.constant 240 : i32
    %dma_start3A_118 = tpu.memref_slice %arg3[%dma_start3A_117, %mul3A_2] : memref<1000x16384xf32, #tpu.memory_space<hbm>> -> memref<40x512xf32, #tpu.memory_space<hbm>>
    %dma_start3A_119 = arith.constant 240 : i32
    %dma_start3A_120 = tpu.memref_slice %arg3[%dma_start3A_119, %mul3A_2] : memref<1000x16384xf32, #tpu.memory_space<hbm>> -> memref<40x512xf32, #tpu.memory_space<hbm>>
    tpu.enqueue_dma source(%arg5 : memref<40x512xf32, #tpu.memory_space<vmem>>) target(%dma_start3A_120 : memref<40x512xf32, #tpu.memory_space<hbm>>) target_semaphore(%arg7 : memref<!tpu.dma_semaphore, #tpu.memory_space<semaphore_mem>>)
    %dma_wait3A_121 = arith.constant 200 : i32
    %dma_wait3A_122 = tpu.memref_slice %arg3[%dma_wait3A_121, %mul3A_2] : memref<1000x16384xf32, #tpu.memory_space<hbm>> -> memref<40x512xf32, #tpu.memory_space<hbm>>
    %dma_wait3A_123 = arith.constant 200 : i32
    %dma_wait3A_124 = tpu.memref_slice %arg3[%dma_wait3A_123, %mul3A_2] : memref<1000x16384xf32, #tpu.memory_space<hbm>> -> memref<40x512xf32, #tpu.memory_space<hbm>>
    tpu.wait_dma2 semaphore(%arg8 : memref<!tpu.dma_semaphore, #tpu.memory_space<semaphore_mem>>) src(%arg6 : memref<40x512xf32, #tpu.memory_space<vmem>>) dst(%dma_wait3A_124 : memref<40x512xf32, #tpu.memory_space<hbm>>)
    %scan3A_125 = arith.constant 0 : i32
    %scan3A_126 = arith.constant 32 : i32
    %scan3A_127 = arith.addi %scan3A_125, %scan3A_126 : i32
    %scan3A_128 = arith.constant 1 : i32
    scf.for %scan3A_453 = %scan3A_125 to %scan3A_127 step %scan3A_128  : i32 {
      %mul3A_454 = arith.constant 16 : i32
      %mul3A_455 = arith.muli %scan3A_453, %mul3A_454 : i32
      %get3A = arith.index_cast %mul3A_455 : i32 to index
      %get3A_456 = tpu.vector_load %arg4[%get3A] {strides = array<i32>} : memref<512xi32, #tpu.memory_space<vmem>>, vector<16xi32>,
      %sub3A = arith.constant 200 : i32
      %sub3A_457 = vector.broadcast %sub3A : i32 to vector<16xi32>
      %sub3A_458 = arith.subi %get3A_456, %sub3A_457 : vector<16xi32>
      %mul3A_459 = arith.constant 16 : i32
      %mul3A_460 = arith.muli %scan3A_453, %mul3A_459 : i32
      %add3A_461 = vector.broadcast %mul3A_460 : i32 to vector<16xi32>
      %add3A_462 = arith.addi %add3A_461, %iota3A : vector<16xi32>
      %ge3A = arith.constant 200 : i32
      %ge3A_463 = vector.broadcast %ge3A : i32 to vector<16xi32>
      %ge3A_464 = arith.cmpi sge, %get3A_456, %ge3A_463 : vector<16xi32>
      %lt3A = arith.constant 240 : i32
      %lt3A_465 = vector.broadcast %lt3A : i32 to vector<16xi32>
      %lt3A_466 = arith.cmpi slt, %get3A_456, %lt3A_465 : vector<16xi32>
      %and3A = arith.andi %ge3A_464, %lt3A_466 : vector<16xi1>
      tpu.vector_store_idx %arg6[%sub3A_458, %add3A_462], %broadcast_in_dim3A_3 masked %and3A : memref<40x512xf32, #tpu.memory_space<vmem>>[vector<16xi32>, vector<16xi32>], vector<16xf32>, vector<16xi1>
    }
    %scan3A_129 = arith.constant 32 : i32
    %scan3A_130 = arith.constant 0 : i32
    %scan3A_131 = arith.constant 32 : i32
    %scan3A_132 = arith.addi %scan3A_130, %scan3A_131 : i32
    %scan3A_133 = arith.constant 1 : i32
    scf.for %scan3A_453 = %scan3A_130 to %scan3A_132 step %scan3A_133  : i32 {
      %mul3A_454 = arith.constant 16 : i32
      %mul3A_455 = arith.muli %scan3A_453, %mul3A_454 : i32
      %get3A = arith.index_cast %mul3A_455 : i32 to index
      %get3A_456 = tpu.vector_load %arg4[%get3A] {strides = array<i32>} : memref<512xi32, #tpu.memory_space<vmem>>, vector<16xi32>,
      %sub3A = arith.constant 280 : i32
      %sub3A_457 = vector.broadcast %sub3A : i32 to vector<16xi32>
      %sub3A_458 = arith.subi %get3A_456, %sub3A_457 : vector<16xi32>
      %mul3A_459 = arith.constant 16 : i32
      %mul3A_460 = arith.muli %scan3A_453, %mul3A_459 : i32
      %add3A_461 = vector.broadcast %mul3A_460 : i32 to vector<16xi32>
      %add3A_462 = arith.addi %add3A_461, %iota3A : vector<16xi32>
      %ge3A = arith.constant 280 : i32
      %ge3A_463 = vector.broadcast %ge3A : i32 to vector<16xi32>
      %ge3A_464 = arith.cmpi sge, %get3A_456, %ge3A_463 : vector<16xi32>
      %lt3A = arith.constant 320 : i32
      %lt3A_465 = vector.broadcast %lt3A : i32 to vector<16xi32>
      %lt3A_466 = arith.cmpi slt, %get3A_456, %lt3A_465 : vector<16xi32>
      %and3A = arith.andi %ge3A_464, %lt3A_466 : vector<16xi1>
      tpu.vector_store_idx %arg6[%sub3A_458, %add3A_462], %broadcast_in_dim3A_5 masked %and3A : memref<40x512xf32, #tpu.memory_space<vmem>>[vector<16xi32>, vector<16xi32>], vector<16xf32>, vector<16xi1>
    }
    %scan3A_134 = arith.constant 32 : i32
    %dma_start3A_135 = arith.constant 280 : i32
    %dma_start3A_136 = tpu.memref_slice %arg3[%dma_start3A_135, %mul3A_2] : memref<1000x16384xf32, #tpu.memory_space<hbm>> -> memref<40x512xf32, #tpu.memory_space<hbm>>
    %dma_start3A_137 = arith.constant 280 : i32
    %dma_start3A_138 = tpu.memref_slice %arg3[%dma_start3A_137, %mul3A_2] : memref<1000x16384xf32, #tpu.memory_space<hbm>> -> memref<40x512xf32, #tpu.memory_space<hbm>>
    tpu.enqueue_dma source(%arg6 : memref<40x512xf32, #tpu.memory_space<vmem>>) target(%dma_start3A_138 : memref<40x512xf32, #tpu.memory_space<hbm>>) target_semaphore(%arg8 : memref<!tpu.dma_semaphore, #tpu.memory_space<semaphore_mem>>)
    %dma_wait3A_139 = arith.constant 240 : i32
    %dma_wait3A_140 = tpu.memref_slice %arg3[%dma_wait3A_139, %mul3A_2] : memref<1000x16384xf32, #tpu.memory_space<hbm>> -> memref<40x512xf32, #tpu.memory_space<hbm>>
    %dma_wait3A_141 = arith.constant 240 : i32
    %dma_wait3A_142 = tpu.memref_slice %arg3[%dma_wait3A_141, %mul3A_2] : memref<1000x16384xf32, #tpu.memory_space<hbm>> -> memref<40x512xf32, #tpu.memory_space<hbm>>
    tpu.wait_dma2 semaphore(%arg7 : memref<!tpu.dma_semaphore, #tpu.memory_space<semaphore_mem>>) src(%arg5 : memref<40x512xf32, #tpu.memory_space<vmem>>) dst(%dma_wait3A_142 : memref<40x512xf32, #tpu.memory_space<hbm>>)
    %scan3A_143 = arith.constant 0 : i32
    %scan3A_144 = arith.constant 32 : i32
    %scan3A_145 = arith.addi %scan3A_143, %scan3A_144 : i32
    %scan3A_146 = arith.constant 1 : i32
    scf.for %scan3A_453 = %scan3A_143 to %scan3A_145 step %scan3A_146  : i32 {
      %mul3A_454 = arith.constant 16 : i32
      %mul3A_455 = arith.muli %scan3A_453, %mul3A_454 : i32
      %get3A = arith.index_cast %mul3A_455 : i32 to index
      %get3A_456 = tpu.vector_load %arg4[%get3A] {strides = array<i32>} : memref<512xi32, #tpu.memory_space<vmem>>, vector<16xi32>,
      %sub3A = arith.constant 240 : i32
      %sub3A_457 = vector.broadcast %sub3A : i32 to vector<16xi32>
      %sub3A_458 = arith.subi %get3A_456, %sub3A_457 : vector<16xi32>
      %mul3A_459 = arith.constant 16 : i32
      %mul3A_460 = arith.muli %scan3A_453, %mul3A_459 : i32
      %add3A_461 = vector.broadcast %mul3A_460 : i32 to vector<16xi32>
      %add3A_462 = arith.addi %add3A_461, %iota3A : vector<16xi32>
      %ge3A = arith.constant 240 : i32
      %ge3A_463 = vector.broadcast %ge3A : i32 to vector<16xi32>
      %ge3A_464 = arith.cmpi sge, %get3A_456, %ge3A_463 : vector<16xi32>
      %lt3A = arith.constant 280 : i32
      %lt3A_465 = vector.broadcast %lt3A : i32 to vector<16xi32>
      %lt3A_466 = arith.cmpi slt, %get3A_456, %lt3A_465 : vector<16xi32>
      %and3A = arith.andi %ge3A_464, %lt3A_466 : vector<16xi1>
      tpu.vector_store_idx %arg5[%sub3A_458, %add3A_462], %broadcast_in_dim3A_3 masked %and3A : memref<40x512xf32, #tpu.memory_space<vmem>>[vector<16xi32>, vector<16xi32>], vector<16xf32>, vector<16xi1>
    }
    %scan3A_147 = arith.constant 32 : i32
    %scan3A_148 = arith.constant 0 : i32
    %scan3A_149 = arith.constant 32 : i32
    %scan3A_150 = arith.addi %scan3A_148, %scan3A_149 : i32
    %scan3A_151 = arith.constant 1 : i32
    scf.for %scan3A_453 = %scan3A_148 to %scan3A_150 step %scan3A_151  : i32 {
      %mul3A_454 = arith.constant 16 : i32
      %mul3A_455 = arith.muli %scan3A_453, %mul3A_454 : i32
      %get3A = arith.index_cast %mul3A_455 : i32 to index
      %get3A_456 = tpu.vector_load %arg4[%get3A] {strides = array<i32>} : memref<512xi32, #tpu.memory_space<vmem>>, vector<16xi32>,
      %sub3A = arith.constant 320 : i32
      %sub3A_457 = vector.broadcast %sub3A : i32 to vector<16xi32>
      %sub3A_458 = arith.subi %get3A_456, %sub3A_457 : vector<16xi32>
      %mul3A_459 = arith.constant 16 : i32
      %mul3A_460 = arith.muli %scan3A_453, %mul3A_459 : i32
      %add3A_461 = vector.broadcast %mul3A_460 : i32 to vector<16xi32>
      %add3A_462 = arith.addi %add3A_461, %iota3A : vector<16xi32>
      %ge3A = arith.constant 320 : i32
      %ge3A_463 = vector.broadcast %ge3A : i32 to vector<16xi32>
      %ge3A_464 = arith.cmpi sge, %get3A_456, %ge3A_463 : vector<16xi32>
      %lt3A = arith.constant 360 : i32
      %lt3A_465 = vector.broadcast %lt3A : i32 to vector<16xi32>
      %lt3A_466 = arith.cmpi slt, %get3A_456, %lt3A_465 : vector<16xi32>
      %and3A = arith.andi %ge3A_464, %lt3A_466 : vector<16xi1>
      tpu.vector_store_idx %arg5[%sub3A_458, %add3A_462], %broadcast_in_dim3A_5 masked %and3A : memref<40x512xf32, #tpu.memory_space<vmem>>[vector<16xi32>, vector<16xi32>], vector<16xf32>, vector<16xi1>
    }
    %scan3A_152 = arith.constant 32 : i32
    %dma_start3A_153 = arith.constant 320 : i32
    %dma_start3A_154 = tpu.memref_slice %arg3[%dma_start3A_153, %mul3A_2] : memref<1000x16384xf32, #tpu.memory_space<hbm>> -> memref<40x512xf32, #tpu.memory_space<hbm>>
    %dma_start3A_155 = arith.constant 320 : i32
    %dma_start3A_156 = tpu.memref_slice %arg3[%dma_start3A_155, %mul3A_2] : memref<1000x16384xf32, #tpu.memory_space<hbm>> -> memref<40x512xf32, #tpu.memory_space<hbm>>
    tpu.enqueue_dma source(%arg5 : memref<40x512xf32, #tpu.memory_space<vmem>>) target(%dma_start3A_156 : memref<40x512xf32, #tpu.memory_space<hbm>>) target_semaphore(%arg7 : memref<!tpu.dma_semaphore, #tpu.memory_space<semaphore_mem>>)
    %dma_wait3A_157 = arith.constant 280 : i32
    %dma_wait3A_158 = tpu.memref_slice %arg3[%dma_wait3A_157, %mul3A_2] : memref<1000x16384xf32, #tpu.memory_space<hbm>> -> memref<40x512xf32, #tpu.memory_space<hbm>>
    %dma_wait3A_159 = arith.constant 280 : i32
    %dma_wait3A_160 = tpu.memref_slice %arg3[%dma_wait3A_159, %mul3A_2] : memref<1000x16384xf32, #tpu.memory_space<hbm>> -> memref<40x512xf32, #tpu.memory_space<hbm>>
    tpu.wait_dma2 semaphore(%arg8 : memref<!tpu.dma_semaphore, #tpu.memory_space<semaphore_mem>>) src(%arg6 : memref<40x512xf32, #tpu.memory_space<vmem>>) dst(%dma_wait3A_160 : memref<40x512xf32, #tpu.memory_space<hbm>>)
    %scan3A_161 = arith.constant 0 : i32
    %scan3A_162 = arith.constant 32 : i32
    %scan3A_163 = arith.addi %scan3A_161, %scan3A_162 : i32
    %scan3A_164 = arith.constant 1 : i32
    scf.for %scan3A_453 = %scan3A_161 to %scan3A_163 step %scan3A_164  : i32 {
      %mul3A_454 = arith.constant 16 : i32
      %mul3A_455 = arith.muli %scan3A_453, %mul3A_454 : i32
      %get3A = arith.index_cast %mul3A_455 : i32 to index
      %get3A_456 = tpu.vector_load %arg4[%get3A] {strides = array<i32>} : memref<512xi32, #tpu.memory_space<vmem>>, vector<16xi32>,
      %sub3A = arith.constant 280 : i32
      %sub3A_457 = vector.broadcast %sub3A : i32 to vector<16xi32>
      %sub3A_458 = arith.subi %get3A_456, %sub3A_457 : vector<16xi32>
      %mul3A_459 = arith.constant 16 : i32
      %mul3A_460 = arith.muli %scan3A_453, %mul3A_459 : i32
      %add3A_461 = vector.broadcast %mul3A_460 : i32 to vector<16xi32>
      %add3A_462 = arith.addi %add3A_461, %iota3A : vector<16xi32>
      %ge3A = arith.constant 280 : i32
      %ge3A_463 = vector.broadcast %ge3A : i32 to vector<16xi32>
      %ge3A_464 = arith.cmpi sge, %get3A_456, %ge3A_463 : vector<16xi32>
      %lt3A = arith.constant 320 : i32
      %lt3A_465 = vector.broadcast %lt3A : i32 to vector<16xi32>
      %lt3A_466 = arith.cmpi slt, %get3A_456, %lt3A_465 : vector<16xi32>
      %and3A = arith.andi %ge3A_464, %lt3A_466 : vector<16xi1>
      tpu.vector_store_idx %arg6[%sub3A_458, %add3A_462], %broadcast_in_dim3A_3 masked %and3A : memref<40x512xf32, #tpu.memory_space<vmem>>[vector<16xi32>, vector<16xi32>], vector<16xf32>, vector<16xi1>
    }
    %scan3A_165 = arith.constant 32 : i32
    %scan3A_166 = arith.constant 0 : i32
    %scan3A_167 = arith.constant 32 : i32
    %scan3A_168 = arith.addi %scan3A_166, %scan3A_167 : i32
    %scan3A_169 = arith.constant 1 : i32
    scf.for %scan3A_453 = %scan3A_166 to %scan3A_168 step %scan3A_169  : i32 {
      %mul3A_454 = arith.constant 16 : i32
      %mul3A_455 = arith.muli %scan3A_453, %mul3A_454 : i32
      %get3A = arith.index_cast %mul3A_455 : i32 to index
      %get3A_456 = tpu.vector_load %arg4[%get3A] {strides = array<i32>} : memref<512xi32, #tpu.memory_space<vmem>>, vector<16xi32>,
      %sub3A = arith.constant 360 : i32
      %sub3A_457 = vector.broadcast %sub3A : i32 to vector<16xi32>
      %sub3A_458 = arith.subi %get3A_456, %sub3A_457 : vector<16xi32>
      %mul3A_459 = arith.constant 16 : i32
      %mul3A_460 = arith.muli %scan3A_453, %mul3A_459 : i32
      %add3A_461 = vector.broadcast %mul3A_460 : i32 to vector<16xi32>
      %add3A_462 = arith.addi %add3A_461, %iota3A : vector<16xi32>
      %ge3A = arith.constant 360 : i32
      %ge3A_463 = vector.broadcast %ge3A : i32 to vector<16xi32>
      %ge3A_464 = arith.cmpi sge, %get3A_456, %ge3A_463 : vector<16xi32>
      %lt3A = arith.constant 400 : i32
      %lt3A_465 = vector.broadcast %lt3A : i32 to vector<16xi32>
      %lt3A_466 = arith.cmpi slt, %get3A_456, %lt3A_465 : vector<16xi32>
      %and3A = arith.andi %ge3A_464, %lt3A_466 : vector<16xi1>
      tpu.vector_store_idx %arg6[%sub3A_458, %add3A_462], %broadcast_in_dim3A_5 masked %and3A : memref<40x512xf32, #tpu.memory_space<vmem>>[vector<16xi32>, vector<16xi32>], vector<16xf32>, vector<16xi1>
    }
    %scan3A_170 = arith.constant 32 : i32
    %dma_start3A_171 = arith.constant 360 : i32
    %dma_start3A_172 = tpu.memref_slice %arg3[%dma_start3A_171, %mul3A_2] : memref<1000x16384xf32, #tpu.memory_space<hbm>> -> memref<40x512xf32, #tpu.memory_space<hbm>>
    %dma_start3A_173 = arith.constant 360 : i32
    %dma_start3A_174 = tpu.memref_slice %arg3[%dma_start3A_173, %mul3A_2] : memref<1000x16384xf32, #tpu.memory_space<hbm>> -> memref<40x512xf32, #tpu.memory_space<hbm>>
    tpu.enqueue_dma source(%arg6 : memref<40x512xf32, #tpu.memory_space<vmem>>) target(%dma_start3A_174 : memref<40x512xf32, #tpu.memory_space<hbm>>) target_semaphore(%arg8 : memref<!tpu.dma_semaphore, #tpu.memory_space<semaphore_mem>>)
    %dma_wait3A_175 = arith.constant 320 : i32
    %dma_wait3A_176 = tpu.memref_slice %arg3[%dma_wait3A_175, %mul3A_2] : memref<1000x16384xf32, #tpu.memory_space<hbm>> -> memref<40x512xf32, #tpu.memory_space<hbm>>
    %dma_wait3A_177 = arith.constant 320 : i32
    %dma_wait3A_178 = tpu.memref_slice %arg3[%dma_wait3A_177, %mul3A_2] : memref<1000x16384xf32, #tpu.memory_space<hbm>> -> memref<40x512xf32, #tpu.memory_space<hbm>>
    tpu.wait_dma2 semaphore(%arg7 : memref<!tpu.dma_semaphore, #tpu.memory_space<semaphore_mem>>) src(%arg5 : memref<40x512xf32, #tpu.memory_space<vmem>>) dst(%dma_wait3A_178 : memref<40x512xf32, #tpu.memory_space<hbm>>)
    %scan3A_179 = arith.constant 0 : i32
    %scan3A_180 = arith.constant 32 : i32
    %scan3A_181 = arith.addi %scan3A_179, %scan3A_180 : i32
    %scan3A_182 = arith.constant 1 : i32
    scf.for %scan3A_453 = %scan3A_179 to %scan3A_181 step %scan3A_182  : i32 {
      %mul3A_454 = arith.constant 16 : i32
      %mul3A_455 = arith.muli %scan3A_453, %mul3A_454 : i32
      %get3A = arith.index_cast %mul3A_455 : i32 to index
      %get3A_456 = tpu.vector_load %arg4[%get3A] {strides = array<i32>} : memref<512xi32, #tpu.memory_space<vmem>>, vector<16xi32>,
      %sub3A = arith.constant 320 : i32
      %sub3A_457 = vector.broadcast %sub3A : i32 to vector<16xi32>
      %sub3A_458 = arith.subi %get3A_456, %sub3A_457 : vector<16xi32>
      %mul3A_459 = arith.constant 16 : i32
      %mul3A_460 = arith.muli %scan3A_453, %mul3A_459 : i32
      %add3A_461 = vector.broadcast %mul3A_460 : i32 to vector<16xi32>
      %add3A_462 = arith.addi %add3A_461, %iota3A : vector<16xi32>
      %ge3A = arith.constant 320 : i32
      %ge3A_463 = vector.broadcast %ge3A : i32 to vector<16xi32>
      %ge3A_464 = arith.cmpi sge, %get3A_456, %ge3A_463 : vector<16xi32>
      %lt3A = arith.constant 360 : i32
      %lt3A_465 = vector.broadcast %lt3A : i32 to vector<16xi32>
      %lt3A_466 = arith.cmpi slt, %get3A_456, %lt3A_465 : vector<16xi32>
      %and3A = arith.andi %ge3A_464, %lt3A_466 : vector<16xi1>
      tpu.vector_store_idx %arg5[%sub3A_458, %add3A_462], %broadcast_in_dim3A_3 masked %and3A : memref<40x512xf32, #tpu.memory_space<vmem>>[vector<16xi32>, vector<16xi32>], vector<16xf32>, vector<16xi1>
    }
    %scan3A_183 = arith.constant 32 : i32
    %scan3A_184 = arith.constant 0 : i32
    %scan3A_185 = arith.constant 32 : i32
    %scan3A_186 = arith.addi %scan3A_184, %scan3A_185 : i32
    %scan3A_187 = arith.constant 1 : i32
    scf.for %scan3A_453 = %scan3A_184 to %scan3A_186 step %scan3A_187  : i32 {
      %mul3A_454 = arith.constant 16 : i32
      %mul3A_455 = arith.muli %scan3A_453, %mul3A_454 : i32
      %get3A = arith.index_cast %mul3A_455 : i32 to index
      %get3A_456 = tpu.vector_load %arg4[%get3A] {strides = array<i32>} : memref<512xi32, #tpu.memory_space<vmem>>, vector<16xi32>,
      %sub3A = arith.constant 400 : i32
      %sub3A_457 = vector.broadcast %sub3A : i32 to vector<16xi32>
      %sub3A_458 = arith.subi %get3A_456, %sub3A_457 : vector<16xi32>
      %mul3A_459 = arith.constant 16 : i32
      %mul3A_460 = arith.muli %scan3A_453, %mul3A_459 : i32
      %add3A_461 = vector.broadcast %mul3A_460 : i32 to vector<16xi32>
      %add3A_462 = arith.addi %add3A_461, %iota3A : vector<16xi32>
      %ge3A = arith.constant 400 : i32
      %ge3A_463 = vector.broadcast %ge3A : i32 to vector<16xi32>
      %ge3A_464 = arith.cmpi sge, %get3A_456, %ge3A_463 : vector<16xi32>
      %lt3A = arith.constant 440 : i32
      %lt3A_465 = vector.broadcast %lt3A : i32 to vector<16xi32>
      %lt3A_466 = arith.cmpi slt, %get3A_456, %lt3A_465 : vector<16xi32>
      %and3A = arith.andi %ge3A_464, %lt3A_466 : vector<16xi1>
      tpu.vector_store_idx %arg5[%sub3A_458, %add3A_462], %broadcast_in_dim3A_5 masked %and3A : memref<40x512xf32, #tpu.memory_space<vmem>>[vector<16xi32>, vector<16xi32>], vector<16xf32>, vector<16xi1>
    }
    %scan3A_188 = arith.constant 32 : i32
    %dma_start3A_189 = arith.constant 400 : i32
    %dma_start3A_190 = tpu.memref_slice %arg3[%dma_start3A_189, %mul3A_2] : memref<1000x16384xf32, #tpu.memory_space<hbm>> -> memref<40x512xf32, #tpu.memory_space<hbm>>
    %dma_start3A_191 = arith.constant 400 : i32
    %dma_start3A_192 = tpu.memref_slice %arg3[%dma_start3A_191, %mul3A_2] : memref<1000x16384xf32, #tpu.memory_space<hbm>> -> memref<40x512xf32, #tpu.memory_space<hbm>>
    tpu.enqueue_dma source(%arg5 : memref<40x512xf32, #tpu.memory_space<vmem>>) target(%dma_start3A_192 : memref<40x512xf32, #tpu.memory_space<hbm>>) target_semaphore(%arg7 : memref<!tpu.dma_semaphore, #tpu.memory_space<semaphore_mem>>)
    %dma_wait3A_193 = arith.constant 360 : i32
    %dma_wait3A_194 = tpu.memref_slice %arg3[%dma_wait3A_193, %mul3A_2] : memref<1000x16384xf32, #tpu.memory_space<hbm>> -> memref<40x512xf32, #tpu.memory_space<hbm>>
    %dma_wait3A_195 = arith.constant 360 : i32
    %dma_wait3A_196 = tpu.memref_slice %arg3[%dma_wait3A_195, %mul3A_2] : memref<1000x16384xf32, #tpu.memory_space<hbm>> -> memref<40x512xf32, #tpu.memory_space<hbm>>
    tpu.wait_dma2 semaphore(%arg8 : memref<!tpu.dma_semaphore, #tpu.memory_space<semaphore_mem>>) src(%arg6 : memref<40x512xf32, #tpu.memory_space<vmem>>) dst(%dma_wait3A_196 : memref<40x512xf32, #tpu.memory_space<hbm>>)
    %scan3A_197 = arith.constant 0 : i32
    %scan3A_198 = arith.constant 32 : i32
    %scan3A_199 = arith.addi %scan3A_197, %scan3A_198 : i32
    %scan3A_200 = arith.constant 1 : i32
    scf.for %scan3A_453 = %scan3A_197 to %scan3A_199 step %scan3A_200  : i32 {
      %mul3A_454 = arith.constant 16 : i32
      %mul3A_455 = arith.muli %scan3A_453, %mul3A_454 : i32
      %get3A = arith.index_cast %mul3A_455 : i32 to index
      %get3A_456 = tpu.vector_load %arg4[%get3A] {strides = array<i32>} : memref<512xi32, #tpu.memory_space<vmem>>, vector<16xi32>,
      %sub3A = arith.constant 360 : i32
      %sub3A_457 = vector.broadcast %sub3A : i32 to vector<16xi32>
      %sub3A_458 = arith.subi %get3A_456, %sub3A_457 : vector<16xi32>
      %mul3A_459 = arith.constant 16 : i32
      %mul3A_460 = arith.muli %scan3A_453, %mul3A_459 : i32
      %add3A_461 = vector.broadcast %mul3A_460 : i32 to vector<16xi32>
      %add3A_462 = arith.addi %add3A_461, %iota3A : vector<16xi32>
      %ge3A = arith.constant 360 : i32
      %ge3A_463 = vector.broadcast %ge3A : i32 to vector<16xi32>
      %ge3A_464 = arith.cmpi sge, %get3A_456, %ge3A_463 : vector<16xi32>
      %lt3A = arith.constant 400 : i32
      %lt3A_465 = vector.broadcast %lt3A : i32 to vector<16xi32>
      %lt3A_466 = arith.cmpi slt, %get3A_456, %lt3A_465 : vector<16xi32>
      %and3A = arith.andi %ge3A_464, %lt3A_466 : vector<16xi1>
      tpu.vector_store_idx %arg6[%sub3A_458, %add3A_462], %broadcast_in_dim3A_3 masked %and3A : memref<40x512xf32, #tpu.memory_space<vmem>>[vector<16xi32>, vector<16xi32>], vector<16xf32>, vector<16xi1>
    }
    %scan3A_201 = arith.constant 32 : i32
    %scan3A_202 = arith.constant 0 : i32
    %scan3A_203 = arith.constant 32 : i32
    %scan3A_204 = arith.addi %scan3A_202, %scan3A_203 : i32
    %scan3A_205 = arith.constant 1 : i32
    scf.for %scan3A_453 = %scan3A_202 to %scan3A_204 step %scan3A_205  : i32 {
      %mul3A_454 = arith.constant 16 : i32
      %mul3A_455 = arith.muli %scan3A_453, %mul3A_454 : i32
      %get3A = arith.index_cast %mul3A_455 : i32 to index
      %get3A_456 = tpu.vector_load %arg4[%get3A] {strides = array<i32>} : memref<512xi32, #tpu.memory_space<vmem>>, vector<16xi32>,
      %sub3A = arith.constant 440 : i32
      %sub3A_457 = vector.broadcast %sub3A : i32 to vector<16xi32>
      %sub3A_458 = arith.subi %get3A_456, %sub3A_457 : vector<16xi32>
      %mul3A_459 = arith.constant 16 : i32
      %mul3A_460 = arith.muli %scan3A_453, %mul3A_459 : i32
      %add3A_461 = vector.broadcast %mul3A_460 : i32 to vector<16xi32>
      %add3A_462 = arith.addi %add3A_461, %iota3A : vector<16xi32>
      %ge3A = arith.constant 440 : i32
      %ge3A_463 = vector.broadcast %ge3A : i32 to vector<16xi32>
      %ge3A_464 = arith.cmpi sge, %get3A_456, %ge3A_463 : vector<16xi32>
      %lt3A = arith.constant 480 : i32
      %lt3A_465 = vector.broadcast %lt3A : i32 to vector<16xi32>
      %lt3A_466 = arith.cmpi slt, %get3A_456, %lt3A_465 : vector<16xi32>
      %and3A = arith.andi %ge3A_464, %lt3A_466 : vector<16xi1>
      tpu.vector_store_idx %arg6[%sub3A_458, %add3A_462], %broadcast_in_dim3A_5 masked %and3A : memref<40x512xf32, #tpu.memory_space<vmem>>[vector<16xi32>, vector<16xi32>], vector<16xf32>, vector<16xi1>
    }
    %scan3A_206 = arith.constant 32 : i32
    %dma_start3A_207 = arith.constant 440 : i32
    %dma_start3A_208 = tpu.memref_slice %arg3[%dma_start3A_207, %mul3A_2] : memref<1000x16384xf32, #tpu.memory_space<hbm>> -> memref<40x512xf32, #tpu.memory_space<hbm>>
    %dma_start3A_209 = arith.constant 440 : i32
    %dma_start3A_210 = tpu.memref_slice %arg3[%dma_start3A_209, %mul3A_2] : memref<1000x16384xf32, #tpu.memory_space<hbm>> -> memref<40x512xf32, #tpu.memory_space<hbm>>
    tpu.enqueue_dma source(%arg6 : memref<40x512xf32, #tpu.memory_space<vmem>>) target(%dma_start3A_210 : memref<40x512xf32, #tpu.memory_space<hbm>>) target_semaphore(%arg8 : memref<!tpu.dma_semaphore, #tpu.memory_space<semaphore_mem>>)
    %dma_wait3A_211 = arith.constant 400 : i32
    %dma_wait3A_212 = tpu.memref_slice %arg3[%dma_wait3A_211, %mul3A_2] : memref<1000x16384xf32, #tpu.memory_space<hbm>> -> memref<40x512xf32, #tpu.memory_space<hbm>>
    %dma_wait3A_213 = arith.constant 400 : i32
    %dma_wait3A_214 = tpu.memref_slice %arg3[%dma_wait3A_213, %mul3A_2] : memref<1000x16384xf32, #tpu.memory_space<hbm>> -> memref<40x512xf32, #tpu.memory_space<hbm>>
    tpu.wait_dma2 semaphore(%arg7 : memref<!tpu.dma_semaphore, #tpu.memory_space<semaphore_mem>>) src(%arg5 : memref<40x512xf32, #tpu.memory_space<vmem>>) dst(%dma_wait3A_214 : memref<40x512xf32, #tpu.memory_space<hbm>>)
    %scan3A_215 = arith.constant 0 : i32
    %scan3A_216 = arith.constant 32 : i32
    %scan3A_217 = arith.addi %scan3A_215, %scan3A_216 : i32
    %scan3A_218 = arith.constant 1 : i32
    scf.for %scan3A_453 = %scan3A_215 to %scan3A_217 step %scan3A_218  : i32 {
      %mul3A_454 = arith.constant 16 : i32
      %mul3A_455 = arith.muli %scan3A_453, %mul3A_454 : i32
      %get3A = arith.index_cast %mul3A_455 : i32 to index
      %get3A_456 = tpu.vector_load %arg4[%get3A] {strides = array<i32>} : memref<512xi32, #tpu.memory_space<vmem>>, vector<16xi32>,
      %sub3A = arith.constant 400 : i32
      %sub3A_457 = vector.broadcast %sub3A : i32 to vector<16xi32>
      %sub3A_458 = arith.subi %get3A_456, %sub3A_457 : vector<16xi32>
      %mul3A_459 = arith.constant 16 : i32
      %mul3A_460 = arith.muli %scan3A_453, %mul3A_459 : i32
      %add3A_461 = vector.broadcast %mul3A_460 : i32 to vector<16xi32>
      %add3A_462 = arith.addi %add3A_461, %iota3A : vector<16xi32>
      %ge3A = arith.constant 400 : i32
      %ge3A_463 = vector.broadcast %ge3A : i32 to vector<16xi32>
      %ge3A_464 = arith.cmpi sge, %get3A_456, %ge3A_463 : vector<16xi32>
      %lt3A = arith.constant 440 : i32
      %lt3A_465 = vector.broadcast %lt3A : i32 to vector<16xi32>
      %lt3A_466 = arith.cmpi slt, %get3A_456, %lt3A_465 : vector<16xi32>
      %and3A = arith.andi %ge3A_464, %lt3A_466 : vector<16xi1>
      tpu.vector_store_idx %arg5[%sub3A_458, %add3A_462], %broadcast_in_dim3A_3 masked %and3A : memref<40x512xf32, #tpu.memory_space<vmem>>[vector<16xi32>, vector<16xi32>], vector<16xf32>, vector<16xi1>
    }
    %scan3A_219 = arith.constant 32 : i32
    %scan3A_220 = arith.constant 0 : i32
    %scan3A_221 = arith.constant 32 : i32
    %scan3A_222 = arith.addi %scan3A_220, %scan3A_221 : i32
    %scan3A_223 = arith.constant 1 : i32
    scf.for %scan3A_453 = %scan3A_220 to %scan3A_222 step %scan3A_223  : i32 {
      %mul3A_454 = arith.constant 16 : i32
      %mul3A_455 = arith.muli %scan3A_453, %mul3A_454 : i32
      %get3A = arith.index_cast %mul3A_455 : i32 to index
      %get3A_456 = tpu.vector_load %arg4[%get3A] {strides = array<i32>} : memref<512xi32, #tpu.memory_space<vmem>>, vector<16xi32>,
      %sub3A = arith.constant 480 : i32
      %sub3A_457 = vector.broadcast %sub3A : i32 to vector<16xi32>
      %sub3A_458 = arith.subi %get3A_456, %sub3A_457 : vector<16xi32>
      %mul3A_459 = arith.constant 16 : i32
      %mul3A_460 = arith.muli %scan3A_453, %mul3A_459 : i32
      %add3A_461 = vector.broadcast %mul3A_460 : i32 to vector<16xi32>
      %add3A_462 = arith.addi %add3A_461, %iota3A : vector<16xi32>
      %ge3A = arith.constant 480 : i32
      %ge3A_463 = vector.broadcast %ge3A : i32 to vector<16xi32>
      %ge3A_464 = arith.cmpi sge, %get3A_456, %ge3A_463 : vector<16xi32>
      %lt3A = arith.constant 520 : i32
      %lt3A_465 = vector.broadcast %lt3A : i32 to vector<16xi32>
      %lt3A_466 = arith.cmpi slt, %get3A_456, %lt3A_465 : vector<16xi32>
      %and3A = arith.andi %ge3A_464, %lt3A_466 : vector<16xi1>
      tpu.vector_store_idx %arg5[%sub3A_458, %add3A_462], %broadcast_in_dim3A_5 masked %and3A : memref<40x512xf32, #tpu.memory_space<vmem>>[vector<16xi32>, vector<16xi32>], vector<16xf32>, vector<16xi1>
    }
    %scan3A_224 = arith.constant 32 : i32
    %dma_start3A_225 = arith.constant 480 : i32
    %dma_start3A_226 = tpu.memref_slice %arg3[%dma_start3A_225, %mul3A_2] : memref<1000x16384xf32, #tpu.memory_space<hbm>> -> memref<40x512xf32, #tpu.memory_space<hbm>>
    %dma_start3A_227 = arith.constant 480 : i32
    %dma_start3A_228 = tpu.memref_slice %arg3[%dma_start3A_227, %mul3A_2] : memref<1000x16384xf32, #tpu.memory_space<hbm>> -> memref<40x512xf32, #tpu.memory_space<hbm>>
    tpu.enqueue_dma source(%arg5 : memref<40x512xf32, #tpu.memory_space<vmem>>) target(%dma_start3A_228 : memref<40x512xf32, #tpu.memory_space<hbm>>) target_semaphore(%arg7 : memref<!tpu.dma_semaphore, #tpu.memory_space<semaphore_mem>>)
    %dma_wait3A_229 = arith.constant 440 : i32
    %dma_wait3A_230 = tpu.memref_slice %arg3[%dma_wait3A_229, %mul3A_2] : memref<1000x16384xf32, #tpu.memory_space<hbm>> -> memref<40x512xf32, #tpu.memory_space<hbm>>
    %dma_wait3A_231 = arith.constant 440 : i32
    %dma_wait3A_232 = tpu.memref_slice %arg3[%dma_wait3A_231, %mul3A_2] : memref<1000x16384xf32, #tpu.memory_space<hbm>> -> memref<40x512xf32, #tpu.memory_space<hbm>>
    tpu.wait_dma2 semaphore(%arg8 : memref<!tpu.dma_semaphore, #tpu.memory_space<semaphore_mem>>) src(%arg6 : memref<40x512xf32, #tpu.memory_space<vmem>>) dst(%dma_wait3A_232 : memref<40x512xf32, #tpu.memory_space<hbm>>)
    %scan3A_233 = arith.constant 0 : i32
    %scan3A_234 = arith.constant 32 : i32
    %scan3A_235 = arith.addi %scan3A_233, %scan3A_234 : i32
    %scan3A_236 = arith.constant 1 : i32
    scf.for %scan3A_453 = %scan3A_233 to %scan3A_235 step %scan3A_236  : i32 {
      %mul3A_454 = arith.constant 16 : i32
      %mul3A_455 = arith.muli %scan3A_453, %mul3A_454 : i32
      %get3A = arith.index_cast %mul3A_455 : i32 to index
      %get3A_456 = tpu.vector_load %arg4[%get3A] {strides = array<i32>} : memref<512xi32, #tpu.memory_space<vmem>>, vector<16xi32>,
      %sub3A = arith.constant 440 : i32
      %sub3A_457 = vector.broadcast %sub3A : i32 to vector<16xi32>
      %sub3A_458 = arith.subi %get3A_456, %sub3A_457 : vector<16xi32>
      %mul3A_459 = arith.constant 16 : i32
      %mul3A_460 = arith.muli %scan3A_453, %mul3A_459 : i32
      %add3A_461 = vector.broadcast %mul3A_460 : i32 to vector<16xi32>
      %add3A_462 = arith.addi %add3A_461, %iota3A : vector<16xi32>
      %ge3A = arith.constant 440 : i32
      %ge3A_463 = vector.broadcast %ge3A : i32 to vector<16xi32>
      %ge3A_464 = arith.cmpi sge, %get3A_456, %ge3A_463 : vector<16xi32>
      %lt3A = arith.constant 480 : i32
      %lt3A_465 = vector.broadcast %lt3A : i32 to vector<16xi32>
      %lt3A_466 = arith.cmpi slt, %get3A_456, %lt3A_465 : vector<16xi32>
      %and3A = arith.andi %ge3A_464, %lt3A_466 : vector<16xi1>
      tpu.vector_store_idx %arg6[%sub3A_458, %add3A_462], %broadcast_in_dim3A_3 masked %and3A : memref<40x512xf32, #tpu.memory_space<vmem>>[vector<16xi32>, vector<16xi32>], vector<16xf32>, vector<16xi1>
    }
    %scan3A_237 = arith.constant 32 : i32
    %scan3A_238 = arith.constant 0 : i32
    %scan3A_239 = arith.constant 32 : i32
    %scan3A_240 = arith.addi %scan3A_238, %scan3A_239 : i32
    %scan3A_241 = arith.constant 1 : i32
    scf.for %scan3A_453 = %scan3A_238 to %scan3A_240 step %scan3A_241  : i32 {
      %mul3A_454 = arith.constant 16 : i32
      %mul3A_455 = arith.muli %scan3A_453, %mul3A_454 : i32
      %get3A = arith.index_cast %mul3A_455 : i32 to index
      %get3A_456 = tpu.vector_load %arg4[%get3A] {strides = array<i32>} : memref<512xi32, #tpu.memory_space<vmem>>, vector<16xi32>,
      %sub3A = arith.constant 520 : i32
      %sub3A_457 = vector.broadcast %sub3A : i32 to vector<16xi32>
      %sub3A_458 = arith.subi %get3A_456, %sub3A_457 : vector<16xi32>
      %mul3A_459 = arith.constant 16 : i32
      %mul3A_460 = arith.muli %scan3A_453, %mul3A_459 : i32
      %add3A_461 = vector.broadcast %mul3A_460 : i32 to vector<16xi32>
      %add3A_462 = arith.addi %add3A_461, %iota3A : vector<16xi32>
      %ge3A = arith.constant 520 : i32
      %ge3A_463 = vector.broadcast %ge3A : i32 to vector<16xi32>
      %ge3A_464 = arith.cmpi sge, %get3A_456, %ge3A_463 : vector<16xi32>
      %lt3A = arith.constant 560 : i32
      %lt3A_465 = vector.broadcast %lt3A : i32 to vector<16xi32>
      %lt3A_466 = arith.cmpi slt, %get3A_456, %lt3A_465 : vector<16xi32>
      %and3A = arith.andi %ge3A_464, %lt3A_466 : vector<16xi1>
      tpu.vector_store_idx %arg6[%sub3A_458, %add3A_462], %broadcast_in_dim3A_5 masked %and3A : memref<40x512xf32, #tpu.memory_space<vmem>>[vector<16xi32>, vector<16xi32>], vector<16xf32>, vector<16xi1>
    }
    %scan3A_242 = arith.constant 32 : i32
    %dma_start3A_243 = arith.constant 520 : i32
    %dma_start3A_244 = tpu.memref_slice %arg3[%dma_start3A_243, %mul3A_2] : memref<1000x16384xf32, #tpu.memory_space<hbm>> -> memref<40x512xf32, #tpu.memory_space<hbm>>
    %dma_start3A_245 = arith.constant 520 : i32
    %dma_start3A_246 = tpu.memref_slice %arg3[%dma_start3A_245, %mul3A_2] : memref<1000x16384xf32, #tpu.memory_space<hbm>> -> memref<40x512xf32, #tpu.memory_space<hbm>>
    tpu.enqueue_dma source(%arg6 : memref<40x512xf32, #tpu.memory_space<vmem>>) target(%dma_start3A_246 : memref<40x512xf32, #tpu.memory_space<hbm>>) target_semaphore(%arg8 : memref<!tpu.dma_semaphore, #tpu.memory_space<semaphore_mem>>)
    %dma_wait3A_247 = arith.constant 480 : i32
    %dma_wait3A_248 = tpu.memref_slice %arg3[%dma_wait3A_247, %mul3A_2] : memref<1000x16384xf32, #tpu.memory_space<hbm>> -> memref<40x512xf32, #tpu.memory_space<hbm>>
    %dma_wait3A_249 = arith.constant 480 : i32
    %dma_wait3A_250 = tpu.memref_slice %arg3[%dma_wait3A_249, %mul3A_2] : memref<1000x16384xf32, #tpu.memory_space<hbm>> -> memref<40x512xf32, #tpu.memory_space<hbm>>
    tpu.wait_dma2 semaphore(%arg7 : memref<!tpu.dma_semaphore, #tpu.memory_space<semaphore_mem>>) src(%arg5 : memref<40x512xf32, #tpu.memory_space<vmem>>) dst(%dma_wait3A_250 : memref<40x512xf32, #tpu.memory_space<hbm>>)
    %scan3A_251 = arith.constant 0 : i32
    %scan3A_252 = arith.constant 32 : i32
    %scan3A_253 = arith.addi %scan3A_251, %scan3A_252 : i32
    %scan3A_254 = arith.constant 1 : i32
    scf.for %scan3A_453 = %scan3A_251 to %scan3A_253 step %scan3A_254  : i32 {
      %mul3A_454 = arith.constant 16 : i32
      %mul3A_455 = arith.muli %scan3A_453, %mul3A_454 : i32
      %get3A = arith.index_cast %mul3A_455 : i32 to index
      %get3A_456 = tpu.vector_load %arg4[%get3A] {strides = array<i32>} : memref<512xi32, #tpu.memory_space<vmem>>, vector<16xi32>,
      %sub3A = arith.constant 480 : i32
      %sub3A_457 = vector.broadcast %sub3A : i32 to vector<16xi32>
      %sub3A_458 = arith.subi %get3A_456, %sub3A_457 : vector<16xi32>
      %mul3A_459 = arith.constant 16 : i32
      %mul3A_460 = arith.muli %scan3A_453, %mul3A_459 : i32
      %add3A_461 = vector.broadcast %mul3A_460 : i32 to vector<16xi32>
      %add3A_462 = arith.addi %add3A_461, %iota3A : vector<16xi32>
      %ge3A = arith.constant 480 : i32
      %ge3A_463 = vector.broadcast %ge3A : i32 to vector<16xi32>
      %ge3A_464 = arith.cmpi sge, %get3A_456, %ge3A_463 : vector<16xi32>
      %lt3A = arith.constant 520 : i32
      %lt3A_465 = vector.broadcast %lt3A : i32 to vector<16xi32>
      %lt3A_466 = arith.cmpi slt, %get3A_456, %lt3A_465 : vector<16xi32>
      %and3A = arith.andi %ge3A_464, %lt3A_466 : vector<16xi1>
      tpu.vector_store_idx %arg5[%sub3A_458, %add3A_462], %broadcast_in_dim3A_3 masked %and3A : memref<40x512xf32, #tpu.memory_space<vmem>>[vector<16xi32>, vector<16xi32>], vector<16xf32>, vector<16xi1>
    }
    %scan3A_255 = arith.constant 32 : i32
    %scan3A_256 = arith.constant 0 : i32
    %scan3A_257 = arith.constant 32 : i32
    %scan3A_258 = arith.addi %scan3A_256, %scan3A_257 : i32
    %scan3A_259 = arith.constant 1 : i32
    scf.for %scan3A_453 = %scan3A_256 to %scan3A_258 step %scan3A_259  : i32 {
      %mul3A_454 = arith.constant 16 : i32
      %mul3A_455 = arith.muli %scan3A_453, %mul3A_454 : i32
      %get3A = arith.index_cast %mul3A_455 : i32 to index
      %get3A_456 = tpu.vector_load %arg4[%get3A] {strides = array<i32>} : memref<512xi32, #tpu.memory_space<vmem>>, vector<16xi32>,
      %sub3A = arith.constant 560 : i32
      %sub3A_457 = vector.broadcast %sub3A : i32 to vector<16xi32>
      %sub3A_458 = arith.subi %get3A_456, %sub3A_457 : vector<16xi32>
      %mul3A_459 = arith.constant 16 : i32
      %mul3A_460 = arith.muli %scan3A_453, %mul3A_459 : i32
      %add3A_461 = vector.broadcast %mul3A_460 : i32 to vector<16xi32>
      %add3A_462 = arith.addi %add3A_461, %iota3A : vector<16xi32>
      %ge3A = arith.constant 560 : i32
      %ge3A_463 = vector.broadcast %ge3A : i32 to vector<16xi32>
      %ge3A_464 = arith.cmpi sge, %get3A_456, %ge3A_463 : vector<16xi32>
      %lt3A = arith.constant 600 : i32
      %lt3A_465 = vector.broadcast %lt3A : i32 to vector<16xi32>
      %lt3A_466 = arith.cmpi slt, %get3A_456, %lt3A_465 : vector<16xi32>
      %and3A = arith.andi %ge3A_464, %lt3A_466 : vector<16xi1>
      tpu.vector_store_idx %arg5[%sub3A_458, %add3A_462], %broadcast_in_dim3A_5 masked %and3A : memref<40x512xf32, #tpu.memory_space<vmem>>[vector<16xi32>, vector<16xi32>], vector<16xf32>, vector<16xi1>
    }
    %scan3A_260 = arith.constant 32 : i32
    %dma_start3A_261 = arith.constant 560 : i32
    %dma_start3A_262 = tpu.memref_slice %arg3[%dma_start3A_261, %mul3A_2] : memref<1000x16384xf32, #tpu.memory_space<hbm>> -> memref<40x512xf32, #tpu.memory_space<hbm>>
    %dma_start3A_263 = arith.constant 560 : i32
    %dma_start3A_264 = tpu.memref_slice %arg3[%dma_start3A_263, %mul3A_2] : memref<1000x16384xf32, #tpu.memory_space<hbm>> -> memref<40x512xf32, #tpu.memory_space<hbm>>
    tpu.enqueue_dma source(%arg5 : memref<40x512xf32, #tpu.memory_space<vmem>>) target(%dma_start3A_264 : memref<40x512xf32, #tpu.memory_space<hbm>>) target_semaphore(%arg7 : memref<!tpu.dma_semaphore, #tpu.memory_space<semaphore_mem>>)
    %dma_wait3A_265 = arith.constant 520 : i32
    %dma_wait3A_266 = tpu.memref_slice %arg3[%dma_wait3A_265, %mul3A_2] : memref<1000x16384xf32, #tpu.memory_space<hbm>> -> memref<40x512xf32, #tpu.memory_space<hbm>>
    %dma_wait3A_267 = arith.constant 520 : i32
    %dma_wait3A_268 = tpu.memref_slice %arg3[%dma_wait3A_267, %mul3A_2] : memref<1000x16384xf32, #tpu.memory_space<hbm>> -> memref<40x512xf32, #tpu.memory_space<hbm>>
    tpu.wait_dma2 semaphore(%arg8 : memref<!tpu.dma_semaphore, #tpu.memory_space<semaphore_mem>>) src(%arg6 : memref<40x512xf32, #tpu.memory_space<vmem>>) dst(%dma_wait3A_268 : memref<40x512xf32, #tpu.memory_space<hbm>>)
    %scan3A_269 = arith.constant 0 : i32
    %scan3A_270 = arith.constant 32 : i32
    %scan3A_271 = arith.addi %scan3A_269, %scan3A_270 : i32
    %scan3A_272 = arith.constant 1 : i32
    scf.for %scan3A_453 = %scan3A_269 to %scan3A_271 step %scan3A_272  : i32 {
      %mul3A_454 = arith.constant 16 : i32
      %mul3A_455 = arith.muli %scan3A_453, %mul3A_454 : i32
      %get3A = arith.index_cast %mul3A_455 : i32 to index
      %get3A_456 = tpu.vector_load %arg4[%get3A] {strides = array<i32>} : memref<512xi32, #tpu.memory_space<vmem>>, vector<16xi32>,
      %sub3A = arith.constant 520 : i32
      %sub3A_457 = vector.broadcast %sub3A : i32 to vector<16xi32>
      %sub3A_458 = arith.subi %get3A_456, %sub3A_457 : vector<16xi32>
      %mul3A_459 = arith.constant 16 : i32
      %mul3A_460 = arith.muli %scan3A_453, %mul3A_459 : i32
      %add3A_461 = vector.broadcast %mul3A_460 : i32 to vector<16xi32>
      %add3A_462 = arith.addi %add3A_461, %iota3A : vector<16xi32>
      %ge3A = arith.constant 520 : i32
      %ge3A_463 = vector.broadcast %ge3A : i32 to vector<16xi32>
      %ge3A_464 = arith.cmpi sge, %get3A_456, %ge3A_463 : vector<16xi32>
      %lt3A = arith.constant 560 : i32
      %lt3A_465 = vector.broadcast %lt3A : i32 to vector<16xi32>
      %lt3A_466 = arith.cmpi slt, %get3A_456, %lt3A_465 : vector<16xi32>
      %and3A = arith.andi %ge3A_464, %lt3A_466 : vector<16xi1>
      tpu.vector_store_idx %arg6[%sub3A_458, %add3A_462], %broadcast_in_dim3A_3 masked %and3A : memref<40x512xf32, #tpu.memory_space<vmem>>[vector<16xi32>, vector<16xi32>], vector<16xf32>, vector<16xi1>
    }
    %scan3A_273 = arith.constant 32 : i32
    %scan3A_274 = arith.constant 0 : i32
    %scan3A_275 = arith.constant 32 : i32
    %scan3A_276 = arith.addi %scan3A_274, %scan3A_275 : i32
    %scan3A_277 = arith.constant 1 : i32
    scf.for %scan3A_453 = %scan3A_274 to %scan3A_276 step %scan3A_277  : i32 {
      %mul3A_454 = arith.constant 16 : i32
      %mul3A_455 = arith.muli %scan3A_453, %mul3A_454 : i32
      %get3A = arith.index_cast %mul3A_455 : i32 to index
      %get3A_456 = tpu.vector_load %arg4[%get3A] {strides = array<i32>} : memref<512xi32, #tpu.memory_space<vmem>>, vector<16xi32>,
      %sub3A = arith.constant 600 : i32
      %sub3A_457 = vector.broadcast %sub3A : i32 to vector<16xi32>
      %sub3A_458 = arith.subi %get3A_456, %sub3A_457 : vector<16xi32>
      %mul3A_459 = arith.constant 16 : i32
      %mul3A_460 = arith.muli %scan3A_453, %mul3A_459 : i32
      %add3A_461 = vector.broadcast %mul3A_460 : i32 to vector<16xi32>
      %add3A_462 = arith.addi %add3A_461, %iota3A : vector<16xi32>
      %ge3A = arith.constant 600 : i32
      %ge3A_463 = vector.broadcast %ge3A : i32 to vector<16xi32>
      %ge3A_464 = arith.cmpi sge, %get3A_456, %ge3A_463 : vector<16xi32>
      %lt3A = arith.constant 640 : i32
      %lt3A_465 = vector.broadcast %lt3A : i32 to vector<16xi32>
      %lt3A_466 = arith.cmpi slt, %get3A_456, %lt3A_465 : vector<16xi32>
      %and3A = arith.andi %ge3A_464, %lt3A_466 : vector<16xi1>
      tpu.vector_store_idx %arg6[%sub3A_458, %add3A_462], %broadcast_in_dim3A_5 masked %and3A : memref<40x512xf32, #tpu.memory_space<vmem>>[vector<16xi32>, vector<16xi32>], vector<16xf32>, vector<16xi1>
    }
    %scan3A_278 = arith.constant 32 : i32
    %dma_start3A_279 = arith.constant 600 : i32
    %dma_start3A_280 = tpu.memref_slice %arg3[%dma_start3A_279, %mul3A_2] : memref<1000x16384xf32, #tpu.memory_space<hbm>> -> memref<40x512xf32, #tpu.memory_space<hbm>>
    %dma_start3A_281 = arith.constant 600 : i32
    %dma_start3A_282 = tpu.memref_slice %arg3[%dma_start3A_281, %mul3A_2] : memref<1000x16384xf32, #tpu.memory_space<hbm>> -> memref<40x512xf32, #tpu.memory_space<hbm>>
    tpu.enqueue_dma source(%arg6 : memref<40x512xf32, #tpu.memory_space<vmem>>) target(%dma_start3A_282 : memref<40x512xf32, #tpu.memory_space<hbm>>) target_semaphore(%arg8 : memref<!tpu.dma_semaphore, #tpu.memory_space<semaphore_mem>>)
    %dma_wait3A_283 = arith.constant 560 : i32
    %dma_wait3A_284 = tpu.memref_slice %arg3[%dma_wait3A_283, %mul3A_2] : memref<1000x16384xf32, #tpu.memory_space<hbm>> -> memref<40x512xf32, #tpu.memory_space<hbm>>
    %dma_wait3A_285 = arith.constant 560 : i32
    %dma_wait3A_286 = tpu.memref_slice %arg3[%dma_wait3A_285, %mul3A_2] : memref<1000x16384xf32, #tpu.memory_space<hbm>> -> memref<40x512xf32, #tpu.memory_space<hbm>>
    tpu.wait_dma2 semaphore(%arg7 : memref<!tpu.dma_semaphore, #tpu.memory_space<semaphore_mem>>) src(%arg5 : memref<40x512xf32, #tpu.memory_space<vmem>>) dst(%dma_wait3A_286 : memref<40x512xf32, #tpu.memory_space<hbm>>)
    %scan3A_287 = arith.constant 0 : i32
    %scan3A_288 = arith.constant 32 : i32
    %scan3A_289 = arith.addi %scan3A_287, %scan3A_288 : i32
    %scan3A_290 = arith.constant 1 : i32
    scf.for %scan3A_453 = %scan3A_287 to %scan3A_289 step %scan3A_290  : i32 {
      %mul3A_454 = arith.constant 16 : i32
      %mul3A_455 = arith.muli %scan3A_453, %mul3A_454 : i32
      %get3A = arith.index_cast %mul3A_455 : i32 to index
      %get3A_456 = tpu.vector_load %arg4[%get3A] {strides = array<i32>} : memref<512xi32, #tpu.memory_space<vmem>>, vector<16xi32>,
      %sub3A = arith.constant 560 : i32
      %sub3A_457 = vector.broadcast %sub3A : i32 to vector<16xi32>
      %sub3A_458 = arith.subi %get3A_456, %sub3A_457 : vector<16xi32>
      %mul3A_459 = arith.constant 16 : i32
      %mul3A_460 = arith.muli %scan3A_453, %mul3A_459 : i32
      %add3A_461 = vector.broadcast %mul3A_460 : i32 to vector<16xi32>
      %add3A_462 = arith.addi %add3A_461, %iota3A : vector<16xi32>
      %ge3A = arith.constant 560 : i32
      %ge3A_463 = vector.broadcast %ge3A : i32 to vector<16xi32>
      %ge3A_464 = arith.cmpi sge, %get3A_456, %ge3A_463 : vector<16xi32>
      %lt3A = arith.constant 600 : i32
      %lt3A_465 = vector.broadcast %lt3A : i32 to vector<16xi32>
      %lt3A_466 = arith.cmpi slt, %get3A_456, %lt3A_465 : vector<16xi32>
      %and3A = arith.andi %ge3A_464, %lt3A_466 : vector<16xi1>
      tpu.vector_store_idx %arg5[%sub3A_458, %add3A_462], %broadcast_in_dim3A_3 masked %and3A : memref<40x512xf32, #tpu.memory_space<vmem>>[vector<16xi32>, vector<16xi32>], vector<16xf32>, vector<16xi1>
    }
    %scan3A_291 = arith.constant 32 : i32
    %scan3A_292 = arith.constant 0 : i32
    %scan3A_293 = arith.constant 32 : i32
    %scan3A_294 = arith.addi %scan3A_292, %scan3A_293 : i32
    %scan3A_295 = arith.constant 1 : i32
    scf.for %scan3A_453 = %scan3A_292 to %scan3A_294 step %scan3A_295  : i32 {
      %mul3A_454 = arith.constant 16 : i32
      %mul3A_455 = arith.muli %scan3A_453, %mul3A_454 : i32
      %get3A = arith.index_cast %mul3A_455 : i32 to index
      %get3A_456 = tpu.vector_load %arg4[%get3A] {strides = array<i32>} : memref<512xi32, #tpu.memory_space<vmem>>, vector<16xi32>,
      %sub3A = arith.constant 640 : i32
      %sub3A_457 = vector.broadcast %sub3A : i32 to vector<16xi32>
      %sub3A_458 = arith.subi %get3A_456, %sub3A_457 : vector<16xi32>
      %mul3A_459 = arith.constant 16 : i32
      %mul3A_460 = arith.muli %scan3A_453, %mul3A_459 : i32
      %add3A_461 = vector.broadcast %mul3A_460 : i32 to vector<16xi32>
      %add3A_462 = arith.addi %add3A_461, %iota3A : vector<16xi32>
      %ge3A = arith.constant 640 : i32
      %ge3A_463 = vector.broadcast %ge3A : i32 to vector<16xi32>
      %ge3A_464 = arith.cmpi sge, %get3A_456, %ge3A_463 : vector<16xi32>
      %lt3A = arith.constant 680 : i32
      %lt3A_465 = vector.broadcast %lt3A : i32 to vector<16xi32>
      %lt3A_466 = arith.cmpi slt, %get3A_456, %lt3A_465 : vector<16xi32>
      %and3A = arith.andi %ge3A_464, %lt3A_466 : vector<16xi1>
      tpu.vector_store_idx %arg5[%sub3A_458, %add3A_462], %broadcast_in_dim3A_5 masked %and3A : memref<40x512xf32, #tpu.memory_space<vmem>>[vector<16xi32>, vector<16xi32>], vector<16xf32>, vector<16xi1>
    }
    %scan3A_296 = arith.constant 32 : i32
    %dma_start3A_297 = arith.constant 640 : i32
    %dma_start3A_298 = tpu.memref_slice %arg3[%dma_start3A_297, %mul3A_2] : memref<1000x16384xf32, #tpu.memory_space<hbm>> -> memref<40x512xf32, #tpu.memory_space<hbm>>
    %dma_start3A_299 = arith.constant 640 : i32
    %dma_start3A_300 = tpu.memref_slice %arg3[%dma_start3A_299, %mul3A_2] : memref<1000x16384xf32, #tpu.memory_space<hbm>> -> memref<40x512xf32, #tpu.memory_space<hbm>>
    tpu.enqueue_dma source(%arg5 : memref<40x512xf32, #tpu.memory_space<vmem>>) target(%dma_start3A_300 : memref<40x512xf32, #tpu.memory_space<hbm>>) target_semaphore(%arg7 : memref<!tpu.dma_semaphore, #tpu.memory_space<semaphore_mem>>)
    %dma_wait3A_301 = arith.constant 600 : i32
    %dma_wait3A_302 = tpu.memref_slice %arg3[%dma_wait3A_301, %mul3A_2] : memref<1000x16384xf32, #tpu.memory_space<hbm>> -> memref<40x512xf32, #tpu.memory_space<hbm>>
    %dma_wait3A_303 = arith.constant 600 : i32
    %dma_wait3A_304 = tpu.memref_slice %arg3[%dma_wait3A_303, %mul3A_2] : memref<1000x16384xf32, #tpu.memory_space<hbm>> -> memref<40x512xf32, #tpu.memory_space<hbm>>
    tpu.wait_dma2 semaphore(%arg8 : memref<!tpu.dma_semaphore, #tpu.memory_space<semaphore_mem>>) src(%arg6 : memref<40x512xf32, #tpu.memory_space<vmem>>) dst(%dma_wait3A_304 : memref<40x512xf32, #tpu.memory_space<hbm>>)
    %scan3A_305 = arith.constant 0 : i32
    %scan3A_306 = arith.constant 32 : i32
    %scan3A_307 = arith.addi %scan3A_305, %scan3A_306 : i32
    %scan3A_308 = arith.constant 1 : i32
    scf.for %scan3A_453 = %scan3A_305 to %scan3A_307 step %scan3A_308  : i32 {
      %mul3A_454 = arith.constant 16 : i32
      %mul3A_455 = arith.muli %scan3A_453, %mul3A_454 : i32
      %get3A = arith.index_cast %mul3A_455 : i32 to index
      %get3A_456 = tpu.vector_load %arg4[%get3A] {strides = array<i32>} : memref<512xi32, #tpu.memory_space<vmem>>, vector<16xi32>,
      %sub3A = arith.constant 600 : i32
      %sub3A_457 = vector.broadcast %sub3A : i32 to vector<16xi32>
      %sub3A_458 = arith.subi %get3A_456, %sub3A_457 : vector<16xi32>
      %mul3A_459 = arith.constant 16 : i32
      %mul3A_460 = arith.muli %scan3A_453, %mul3A_459 : i32
      %add3A_461 = vector.broadcast %mul3A_460 : i32 to vector<16xi32>
      %add3A_462 = arith.addi %add3A_461, %iota3A : vector<16xi32>
      %ge3A = arith.constant 600 : i32
      %ge3A_463 = vector.broadcast %ge3A : i32 to vector<16xi32>
      %ge3A_464 = arith.cmpi sge, %get3A_456, %ge3A_463 : vector<16xi32>
      %lt3A = arith.constant 640 : i32
      %lt3A_465 = vector.broadcast %lt3A : i32 to vector<16xi32>
      %lt3A_466 = arith.cmpi slt, %get3A_456, %lt3A_465 : vector<16xi32>
      %and3A = arith.andi %ge3A_464, %lt3A_466 : vector<16xi1>
      tpu.vector_store_idx %arg6[%sub3A_458, %add3A_462], %broadcast_in_dim3A_3 masked %and3A : memref<40x512xf32, #tpu.memory_space<vmem>>[vector<16xi32>, vector<16xi32>], vector<16xf32>, vector<16xi1>
    }
    %scan3A_309 = arith.constant 32 : i32
    %scan3A_310 = arith.constant 0 : i32
    %scan3A_311 = arith.constant 32 : i32
    %scan3A_312 = arith.addi %scan3A_310, %scan3A_311 : i32
    %scan3A_313 = arith.constant 1 : i32
    scf.for %scan3A_453 = %scan3A_310 to %scan3A_312 step %scan3A_313  : i32 {
      %mul3A_454 = arith.constant 16 : i32
      %mul3A_455 = arith.muli %scan3A_453, %mul3A_454 : i32
      %get3A = arith.index_cast %mul3A_455 : i32 to index
      %get3A_456 = tpu.vector_load %arg4[%get3A] {strides = array<i32>} : memref<512xi32, #tpu.memory_space<vmem>>, vector<16xi32>,
      %sub3A = arith.constant 680 : i32
      %sub3A_457 = vector.broadcast %sub3A : i32 to vector<16xi32>
      %sub3A_458 = arith.subi %get3A_456, %sub3A_457 : vector<16xi32>
      %mul3A_459 = arith.constant 16 : i32
      %mul3A_460 = arith.muli %scan3A_453, %mul3A_459 : i32
      %add3A_461 = vector.broadcast %mul3A_460 : i32 to vector<16xi32>
      %add3A_462 = arith.addi %add3A_461, %iota3A : vector<16xi32>
      %ge3A = arith.constant 680 : i32
      %ge3A_463 = vector.broadcast %ge3A : i32 to vector<16xi32>
      %ge3A_464 = arith.cmpi sge, %get3A_456, %ge3A_463 : vector<16xi32>
      %lt3A = arith.constant 720 : i32
      %lt3A_465 = vector.broadcast %lt3A : i32 to vector<16xi32>
      %lt3A_466 = arith.cmpi slt, %get3A_456, %lt3A_465 : vector<16xi32>
      %and3A = arith.andi %ge3A_464, %lt3A_466 : vector<16xi1>
      tpu.vector_store_idx %arg6[%sub3A_458, %add3A_462], %broadcast_in_dim3A_5 masked %and3A : memref<40x512xf32, #tpu.memory_space<vmem>>[vector<16xi32>, vector<16xi32>], vector<16xf32>, vector<16xi1>
    }
    %scan3A_314 = arith.constant 32 : i32
    %dma_start3A_315 = arith.constant 680 : i32
    %dma_start3A_316 = tpu.memref_slice %arg3[%dma_start3A_315, %mul3A_2] : memref<1000x16384xf32, #tpu.memory_space<hbm>> -> memref<40x512xf32, #tpu.memory_space<hbm>>
    %dma_start3A_317 = arith.constant 680 : i32
    %dma_start3A_318 = tpu.memref_slice %arg3[%dma_start3A_317, %mul3A_2] : memref<1000x16384xf32, #tpu.memory_space<hbm>> -> memref<40x512xf32, #tpu.memory_space<hbm>>
    tpu.enqueue_dma source(%arg6 : memref<40x512xf32, #tpu.memory_space<vmem>>) target(%dma_start3A_318 : memref<40x512xf32, #tpu.memory_space<hbm>>) target_semaphore(%arg8 : memref<!tpu.dma_semaphore, #tpu.memory_space<semaphore_mem>>)
    %dma_wait3A_319 = arith.constant 640 : i32
    %dma_wait3A_320 = tpu.memref_slice %arg3[%dma_wait3A_319, %mul3A_2] : memref<1000x16384xf32, #tpu.memory_space<hbm>> -> memref<40x512xf32, #tpu.memory_space<hbm>>
    %dma_wait3A_321 = arith.constant 640 : i32
    %dma_wait3A_322 = tpu.memref_slice %arg3[%dma_wait3A_321, %mul3A_2] : memref<1000x16384xf32, #tpu.memory_space<hbm>> -> memref<40x512xf32, #tpu.memory_space<hbm>>
    tpu.wait_dma2 semaphore(%arg7 : memref<!tpu.dma_semaphore, #tpu.memory_space<semaphore_mem>>) src(%arg5 : memref<40x512xf32, #tpu.memory_space<vmem>>) dst(%dma_wait3A_322 : memref<40x512xf32, #tpu.memory_space<hbm>>)
    %scan3A_323 = arith.constant 0 : i32
    %scan3A_324 = arith.constant 32 : i32
    %scan3A_325 = arith.addi %scan3A_323, %scan3A_324 : i32
    %scan3A_326 = arith.constant 1 : i32
    scf.for %scan3A_453 = %scan3A_323 to %scan3A_325 step %scan3A_326  : i32 {
      %mul3A_454 = arith.constant 16 : i32
      %mul3A_455 = arith.muli %scan3A_453, %mul3A_454 : i32
      %get3A = arith.index_cast %mul3A_455 : i32 to index
      %get3A_456 = tpu.vector_load %arg4[%get3A] {strides = array<i32>} : memref<512xi32, #tpu.memory_space<vmem>>, vector<16xi32>,
      %sub3A = arith.constant 640 : i32
      %sub3A_457 = vector.broadcast %sub3A : i32 to vector<16xi32>
      %sub3A_458 = arith.subi %get3A_456, %sub3A_457 : vector<16xi32>
      %mul3A_459 = arith.constant 16 : i32
      %mul3A_460 = arith.muli %scan3A_453, %mul3A_459 : i32
      %add3A_461 = vector.broadcast %mul3A_460 : i32 to vector<16xi32>
      %add3A_462 = arith.addi %add3A_461, %iota3A : vector<16xi32>
      %ge3A = arith.constant 640 : i32
      %ge3A_463 = vector.broadcast %ge3A : i32 to vector<16xi32>
      %ge3A_464 = arith.cmpi sge, %get3A_456, %ge3A_463 : vector<16xi32>
      %lt3A = arith.constant 680 : i32
      %lt3A_465 = vector.broadcast %lt3A : i32 to vector<16xi32>
      %lt3A_466 = arith.cmpi slt, %get3A_456, %lt3A_465 : vector<16xi32>
      %and3A = arith.andi %ge3A_464, %lt3A_466 : vector<16xi1>
      tpu.vector_store_idx %arg5[%sub3A_458, %add3A_462], %broadcast_in_dim3A_3 masked %and3A : memref<40x512xf32, #tpu.memory_space<vmem>>[vector<16xi32>, vector<16xi32>], vector<16xf32>, vector<16xi1>
    }
    %scan3A_327 = arith.constant 32 : i32
    %scan3A_328 = arith.constant 0 : i32
    %scan3A_329 = arith.constant 32 : i32
    %scan3A_330 = arith.addi %scan3A_328, %scan3A_329 : i32
    %scan3A_331 = arith.constant 1 : i32
    scf.for %scan3A_453 = %scan3A_328 to %scan3A_330 step %scan3A_331  : i32 {
      %mul3A_454 = arith.constant 16 : i32
      %mul3A_455 = arith.muli %scan3A_453, %mul3A_454 : i32
      %get3A = arith.index_cast %mul3A_455 : i32 to index
      %get3A_456 = tpu.vector_load %arg4[%get3A] {strides = array<i32>} : memref<512xi32, #tpu.memory_space<vmem>>, vector<16xi32>,
      %sub3A = arith.constant 720 : i32
      %sub3A_457 = vector.broadcast %sub3A : i32 to vector<16xi32>
      %sub3A_458 = arith.subi %get3A_456, %sub3A_457 : vector<16xi32>
      %mul3A_459 = arith.constant 16 : i32
      %mul3A_460 = arith.muli %scan3A_453, %mul3A_459 : i32
      %add3A_461 = vector.broadcast %mul3A_460 : i32 to vector<16xi32>
      %add3A_462 = arith.addi %add3A_461, %iota3A : vector<16xi32>
      %ge3A = arith.constant 720 : i32
      %ge3A_463 = vector.broadcast %ge3A : i32 to vector<16xi32>
      %ge3A_464 = arith.cmpi sge, %get3A_456, %ge3A_463 : vector<16xi32>
      %lt3A = arith.constant 760 : i32
      %lt3A_465 = vector.broadcast %lt3A : i32 to vector<16xi32>
      %lt3A_466 = arith.cmpi slt, %get3A_456, %lt3A_465 : vector<16xi32>
      %and3A = arith.andi %ge3A_464, %lt3A_466 : vector<16xi1>
      tpu.vector_store_idx %arg5[%sub3A_458, %add3A_462], %broadcast_in_dim3A_5 masked %and3A : memref<40x512xf32, #tpu.memory_space<vmem>>[vector<16xi32>, vector<16xi32>], vector<16xf32>, vector<16xi1>
    }
    %scan3A_332 = arith.constant 32 : i32
    %dma_start3A_333 = arith.constant 720 : i32
    %dma_start3A_334 = tpu.memref_slice %arg3[%dma_start3A_333, %mul3A_2] : memref<1000x16384xf32, #tpu.memory_space<hbm>> -> memref<40x512xf32, #tpu.memory_space<hbm>>
    %dma_start3A_335 = arith.constant 720 : i32
    %dma_start3A_336 = tpu.memref_slice %arg3[%dma_start3A_335, %mul3A_2] : memref<1000x16384xf32, #tpu.memory_space<hbm>> -> memref<40x512xf32, #tpu.memory_space<hbm>>
    tpu.enqueue_dma source(%arg5 : memref<40x512xf32, #tpu.memory_space<vmem>>) target(%dma_start3A_336 : memref<40x512xf32, #tpu.memory_space<hbm>>) target_semaphore(%arg7 : memref<!tpu.dma_semaphore, #tpu.memory_space<semaphore_mem>>)
    %dma_wait3A_337 = arith.constant 680 : i32
    %dma_wait3A_338 = tpu.memref_slice %arg3[%dma_wait3A_337, %mul3A_2] : memref<1000x16384xf32, #tpu.memory_space<hbm>> -> memref<40x512xf32, #tpu.memory_space<hbm>>
    %dma_wait3A_339 = arith.constant 680 : i32
    %dma_wait3A_340 = tpu.memref_slice %arg3[%dma_wait3A_339, %mul3A_2] : memref<1000x16384xf32, #tpu.memory_space<hbm>> -> memref<40x512xf32, #tpu.memory_space<hbm>>
    tpu.wait_dma2 semaphore(%arg8 : memref<!tpu.dma_semaphore, #tpu.memory_space<semaphore_mem>>) src(%arg6 : memref<40x512xf32, #tpu.memory_space<vmem>>) dst(%dma_wait3A_340 : memref<40x512xf32, #tpu.memory_space<hbm>>)
    %scan3A_341 = arith.constant 0 : i32
    %scan3A_342 = arith.constant 32 : i32
    %scan3A_343 = arith.addi %scan3A_341, %scan3A_342 : i32
    %scan3A_344 = arith.constant 1 : i32
    scf.for %scan3A_453 = %scan3A_341 to %scan3A_343 step %scan3A_344  : i32 {
      %mul3A_454 = arith.constant 16 : i32
      %mul3A_455 = arith.muli %scan3A_453, %mul3A_454 : i32
      %get3A = arith.index_cast %mul3A_455 : i32 to index
      %get3A_456 = tpu.vector_load %arg4[%get3A] {strides = array<i32>} : memref<512xi32, #tpu.memory_space<vmem>>, vector<16xi32>,
      %sub3A = arith.constant 680 : i32
      %sub3A_457 = vector.broadcast %sub3A : i32 to vector<16xi32>
      %sub3A_458 = arith.subi %get3A_456, %sub3A_457 : vector<16xi32>
      %mul3A_459 = arith.constant 16 : i32
      %mul3A_460 = arith.muli %scan3A_453, %mul3A_459 : i32
      %add3A_461 = vector.broadcast %mul3A_460 : i32 to vector<16xi32>
      %add3A_462 = arith.addi %add3A_461, %iota3A : vector<16xi32>
      %ge3A = arith.constant 680 : i32
      %ge3A_463 = vector.broadcast %ge3A : i32 to vector<16xi32>
      %ge3A_464 = arith.cmpi sge, %get3A_456, %ge3A_463 : vector<16xi32>
      %lt3A = arith.constant 720 : i32
      %lt3A_465 = vector.broadcast %lt3A : i32 to vector<16xi32>
      %lt3A_466 = arith.cmpi slt, %get3A_456, %lt3A_465 : vector<16xi32>
      %and3A = arith.andi %ge3A_464, %lt3A_466 : vector<16xi1>
      tpu.vector_store_idx %arg6[%sub3A_458, %add3A_462], %broadcast_in_dim3A_3 masked %and3A : memref<40x512xf32, #tpu.memory_space<vmem>>[vector<16xi32>, vector<16xi32>], vector<16xf32>, vector<16xi1>
    }
    %scan3A_345 = arith.constant 32 : i32
    %scan3A_346 = arith.constant 0 : i32
    %scan3A_347 = arith.constant 32 : i32
    %scan3A_348 = arith.addi %scan3A_346, %scan3A_347 : i32
    %scan3A_349 = arith.constant 1 : i32
    scf.for %scan3A_453 = %scan3A_346 to %scan3A_348 step %scan3A_349  : i32 {
      %mul3A_454 = arith.constant 16 : i32
      %mul3A_455 = arith.muli %scan3A_453, %mul3A_454 : i32
      %get3A = arith.index_cast %mul3A_455 : i32 to index
      %get3A_456 = tpu.vector_load %arg4[%get3A] {strides = array<i32>} : memref<512xi32, #tpu.memory_space<vmem>>, vector<16xi32>,
      %sub3A = arith.constant 760 : i32
      %sub3A_457 = vector.broadcast %sub3A : i32 to vector<16xi32>
      %sub3A_458 = arith.subi %get3A_456, %sub3A_457 : vector<16xi32>
      %mul3A_459 = arith.constant 16 : i32
      %mul3A_460 = arith.muli %scan3A_453, %mul3A_459 : i32
      %add3A_461 = vector.broadcast %mul3A_460 : i32 to vector<16xi32>
      %add3A_462 = arith.addi %add3A_461, %iota3A : vector<16xi32>
      %ge3A = arith.constant 760 : i32
      %ge3A_463 = vector.broadcast %ge3A : i32 to vector<16xi32>
      %ge3A_464 = arith.cmpi sge, %get3A_456, %ge3A_463 : vector<16xi32>
      %lt3A = arith.constant 800 : i32
      %lt3A_465 = vector.broadcast %lt3A : i32 to vector<16xi32>
      %lt3A_466 = arith.cmpi slt, %get3A_456, %lt3A_465 : vector<16xi32>
      %and3A = arith.andi %ge3A_464, %lt3A_466 : vector<16xi1>
      tpu.vector_store_idx %arg6[%sub3A_458, %add3A_462], %broadcast_in_dim3A_5 masked %and3A : memref<40x512xf32, #tpu.memory_space<vmem>>[vector<16xi32>, vector<16xi32>], vector<16xf32>, vector<16xi1>
    }
    %scan3A_350 = arith.constant 32 : i32
    %dma_start3A_351 = arith.constant 760 : i32
    %dma_start3A_352 = tpu.memref_slice %arg3[%dma_start3A_351, %mul3A_2] : memref<1000x16384xf32, #tpu.memory_space<hbm>> -> memref<40x512xf32, #tpu.memory_space<hbm>>
    %dma_start3A_353 = arith.constant 760 : i32
    %dma_start3A_354 = tpu.memref_slice %arg3[%dma_start3A_353, %mul3A_2] : memref<1000x16384xf32, #tpu.memory_space<hbm>> -> memref<40x512xf32, #tpu.memory_space<hbm>>
    tpu.enqueue_dma source(%arg6 : memref<40x512xf32, #tpu.memory_space<vmem>>) target(%dma_start3A_354 : memref<40x512xf32, #tpu.memory_space<hbm>>) target_semaphore(%arg8 : memref<!tpu.dma_semaphore, #tpu.memory_space<semaphore_mem>>)
    %dma_wait3A_355 = arith.constant 720 : i32
    %dma_wait3A_356 = tpu.memref_slice %arg3[%dma_wait3A_355, %mul3A_2] : memref<1000x16384xf32, #tpu.memory_space<hbm>> -> memref<40x512xf32, #tpu.memory_space<hbm>>
    %dma_wait3A_357 = arith.constant 720 : i32
    %dma_wait3A_358 = tpu.memref_slice %arg3[%dma_wait3A_357, %mul3A_2] : memref<1000x16384xf32, #tpu.memory_space<hbm>> -> memref<40x512xf32, #tpu.memory_space<hbm>>
    tpu.wait_dma2 semaphore(%arg7 : memref<!tpu.dma_semaphore, #tpu.memory_space<semaphore_mem>>) src(%arg5 : memref<40x512xf32, #tpu.memory_space<vmem>>) dst(%dma_wait3A_358 : memref<40x512xf32, #tpu.memory_space<hbm>>)
    %scan3A_359 = arith.constant 0 : i32
    %scan3A_360 = arith.constant 32 : i32
    %scan3A_361 = arith.addi %scan3A_359, %scan3A_360 : i32
    %scan3A_362 = arith.constant 1 : i32
    scf.for %scan3A_453 = %scan3A_359 to %scan3A_361 step %scan3A_362  : i32 {
      %mul3A_454 = arith.constant 16 : i32
      %mul3A_455 = arith.muli %scan3A_453, %mul3A_454 : i32
      %get3A = arith.index_cast %mul3A_455 : i32 to index
      %get3A_456 = tpu.vector_load %arg4[%get3A] {strides = array<i32>} : memref<512xi32, #tpu.memory_space<vmem>>, vector<16xi32>,
      %sub3A = arith.constant 720 : i32
      %sub3A_457 = vector.broadcast %sub3A : i32 to vector<16xi32>
      %sub3A_458 = arith.subi %get3A_456, %sub3A_457 : vector<16xi32>
      %mul3A_459 = arith.constant 16 : i32
      %mul3A_460 = arith.muli %scan3A_453, %mul3A_459 : i32
      %add3A_461 = vector.broadcast %mul3A_460 : i32 to vector<16xi32>
      %add3A_462 = arith.addi %add3A_461, %iota3A : vector<16xi32>
      %ge3A = arith.constant 720 : i32
      %ge3A_463 = vector.broadcast %ge3A : i32 to vector<16xi32>
      %ge3A_464 = arith.cmpi sge, %get3A_456, %ge3A_463 : vector<16xi32>
      %lt3A = arith.constant 760 : i32
      %lt3A_465 = vector.broadcast %lt3A : i32 to vector<16xi32>
      %lt3A_466 = arith.cmpi slt, %get3A_456, %lt3A_465 : vector<16xi32>
      %and3A = arith.andi %ge3A_464, %lt3A_466 : vector<16xi1>
      tpu.vector_store_idx %arg5[%sub3A_458, %add3A_462], %broadcast_in_dim3A_3 masked %and3A : memref<40x512xf32, #tpu.memory_space<vmem>>[vector<16xi32>, vector<16xi32>], vector<16xf32>, vector<16xi1>
    }
    %scan3A_363 = arith.constant 32 : i32
    %scan3A_364 = arith.constant 0 : i32
    %scan3A_365 = arith.constant 32 : i32
    %scan3A_366 = arith.addi %scan3A_364, %scan3A_365 : i32
    %scan3A_367 = arith.constant 1 : i32
    scf.for %scan3A_453 = %scan3A_364 to %scan3A_366 step %scan3A_367  : i32 {
      %mul3A_454 = arith.constant 16 : i32
      %mul3A_455 = arith.muli %scan3A_453, %mul3A_454 : i32
      %get3A = arith.index_cast %mul3A_455 : i32 to index
      %get3A_456 = tpu.vector_load %arg4[%get3A] {strides = array<i32>} : memref<512xi32, #tpu.memory_space<vmem>>, vector<16xi32>,
      %sub3A = arith.constant 800 : i32
      %sub3A_457 = vector.broadcast %sub3A : i32 to vector<16xi32>
      %sub3A_458 = arith.subi %get3A_456, %sub3A_457 : vector<16xi32>
      %mul3A_459 = arith.constant 16 : i32
      %mul3A_460 = arith.muli %scan3A_453, %mul3A_459 : i32
      %add3A_461 = vector.broadcast %mul3A_460 : i32 to vector<16xi32>
      %add3A_462 = arith.addi %add3A_461, %iota3A : vector<16xi32>
      %ge3A = arith.constant 800 : i32
      %ge3A_463 = vector.broadcast %ge3A : i32 to vector<16xi32>
      %ge3A_464 = arith.cmpi sge, %get3A_456, %ge3A_463 : vector<16xi32>
      %lt3A = arith.constant 840 : i32
      %lt3A_465 = vector.broadcast %lt3A : i32 to vector<16xi32>
      %lt3A_466 = arith.cmpi slt, %get3A_456, %lt3A_465 : vector<16xi32>
      %and3A = arith.andi %ge3A_464, %lt3A_466 : vector<16xi1>
      tpu.vector_store_idx %arg5[%sub3A_458, %add3A_462], %broadcast_in_dim3A_5 masked %and3A : memref<40x512xf32, #tpu.memory_space<vmem>>[vector<16xi32>, vector<16xi32>], vector<16xf32>, vector<16xi1>
    }
    %scan3A_368 = arith.constant 32 : i32
    %dma_start3A_369 = arith.constant 800 : i32
    %dma_start3A_370 = tpu.memref_slice %arg3[%dma_start3A_369, %mul3A_2] : memref<1000x16384xf32, #tpu.memory_space<hbm>> -> memref<40x512xf32, #tpu.memory_space<hbm>>
    %dma_start3A_371 = arith.constant 800 : i32
    %dma_start3A_372 = tpu.memref_slice %arg3[%dma_start3A_371, %mul3A_2] : memref<1000x16384xf32, #tpu.memory_space<hbm>> -> memref<40x512xf32, #tpu.memory_space<hbm>>
    tpu.enqueue_dma source(%arg5 : memref<40x512xf32, #tpu.memory_space<vmem>>) target(%dma_start3A_372 : memref<40x512xf32, #tpu.memory_space<hbm>>) target_semaphore(%arg7 : memref<!tpu.dma_semaphore, #tpu.memory_space<semaphore_mem>>)
    %dma_wait3A_373 = arith.constant 760 : i32
    %dma_wait3A_374 = tpu.memref_slice %arg3[%dma_wait3A_373, %mul3A_2] : memref<1000x16384xf32, #tpu.memory_space<hbm>> -> memref<40x512xf32, #tpu.memory_space<hbm>>
    %dma_wait3A_375 = arith.constant 760 : i32
    %dma_wait3A_376 = tpu.memref_slice %arg3[%dma_wait3A_375, %mul3A_2] : memref<1000x16384xf32, #tpu.memory_space<hbm>> -> memref<40x512xf32, #tpu.memory_space<hbm>>
    tpu.wait_dma2 semaphore(%arg8 : memref<!tpu.dma_semaphore, #tpu.memory_space<semaphore_mem>>) src(%arg6 : memref<40x512xf32, #tpu.memory_space<vmem>>) dst(%dma_wait3A_376 : memref<40x512xf32, #tpu.memory_space<hbm>>)
    %scan3A_377 = arith.constant 0 : i32
    %scan3A_378 = arith.constant 32 : i32
    %scan3A_379 = arith.addi %scan3A_377, %scan3A_378 : i32
    %scan3A_380 = arith.constant 1 : i32
    scf.for %scan3A_453 = %scan3A_377 to %scan3A_379 step %scan3A_380  : i32 {
      %mul3A_454 = arith.constant 16 : i32
      %mul3A_455 = arith.muli %scan3A_453, %mul3A_454 : i32
      %get3A = arith.index_cast %mul3A_455 : i32 to index
      %get3A_456 = tpu.vector_load %arg4[%get3A] {strides = array<i32>} : memref<512xi32, #tpu.memory_space<vmem>>, vector<16xi32>,
      %sub3A = arith.constant 760 : i32
      %sub3A_457 = vector.broadcast %sub3A : i32 to vector<16xi32>
      %sub3A_458 = arith.subi %get3A_456, %sub3A_457 : vector<16xi32>
      %mul3A_459 = arith.constant 16 : i32
      %mul3A_460 = arith.muli %scan3A_453, %mul3A_459 : i32
      %add3A_461 = vector.broadcast %mul3A_460 : i32 to vector<16xi32>
      %add3A_462 = arith.addi %add3A_461, %iota3A : vector<16xi32>
      %ge3A = arith.constant 760 : i32
      %ge3A_463 = vector.broadcast %ge3A : i32 to vector<16xi32>
      %ge3A_464 = arith.cmpi sge, %get3A_456, %ge3A_463 : vector<16xi32>
      %lt3A = arith.constant 800 : i32
      %lt3A_465 = vector.broadcast %lt3A : i32 to vector<16xi32>
      %lt3A_466 = arith.cmpi slt, %get3A_456, %lt3A_465 : vector<16xi32>
      %and3A = arith.andi %ge3A_464, %lt3A_466 : vector<16xi1>
      tpu.vector_store_idx %arg6[%sub3A_458, %add3A_462], %broadcast_in_dim3A_3 masked %and3A : memref<40x512xf32, #tpu.memory_space<vmem>>[vector<16xi32>, vector<16xi32>], vector<16xf32>, vector<16xi1>
    }
    %scan3A_381 = arith.constant 32 : i32
    %scan3A_382 = arith.constant 0 : i32
    %scan3A_383 = arith.constant 32 : i32
    %scan3A_384 = arith.addi %scan3A_382, %scan3A_383 : i32
    %scan3A_385 = arith.constant 1 : i32
    scf.for %scan3A_453 = %scan3A_382 to %scan3A_384 step %scan3A_385  : i32 {
      %mul3A_454 = arith.constant 16 : i32
      %mul3A_455 = arith.muli %scan3A_453, %mul3A_454 : i32
      %get3A = arith.index_cast %mul3A_455 : i32 to index
      %get3A_456 = tpu.vector_load %arg4[%get3A] {strides = array<i32>} : memref<512xi32, #tpu.memory_space<vmem>>, vector<16xi32>,
      %sub3A = arith.constant 840 : i32
      %sub3A_457 = vector.broadcast %sub3A : i32 to vector<16xi32>
      %sub3A_458 = arith.subi %get3A_456, %sub3A_457 : vector<16xi32>
      %mul3A_459 = arith.constant 16 : i32
      %mul3A_460 = arith.muli %scan3A_453, %mul3A_459 : i32
      %add3A_461 = vector.broadcast %mul3A_460 : i32 to vector<16xi32>
      %add3A_462 = arith.addi %add3A_461, %iota3A : vector<16xi32>
      %ge3A = arith.constant 840 : i32
      %ge3A_463 = vector.broadcast %ge3A : i32 to vector<16xi32>
      %ge3A_464 = arith.cmpi sge, %get3A_456, %ge3A_463 : vector<16xi32>
      %lt3A = arith.constant 880 : i32
      %lt3A_465 = vector.broadcast %lt3A : i32 to vector<16xi32>
      %lt3A_466 = arith.cmpi slt, %get3A_456, %lt3A_465 : vector<16xi32>
      %and3A = arith.andi %ge3A_464, %lt3A_466 : vector<16xi1>
      tpu.vector_store_idx %arg6[%sub3A_458, %add3A_462], %broadcast_in_dim3A_5 masked %and3A : memref<40x512xf32, #tpu.memory_space<vmem>>[vector<16xi32>, vector<16xi32>], vector<16xf32>, vector<16xi1>
    }
    %scan3A_386 = arith.constant 32 : i32
    %dma_start3A_387 = arith.constant 840 : i32
    %dma_start3A_388 = tpu.memref_slice %arg3[%dma_start3A_387, %mul3A_2] : memref<1000x16384xf32, #tpu.memory_space<hbm>> -> memref<40x512xf32, #tpu.memory_space<hbm>>
    %dma_start3A_389 = arith.constant 840 : i32
    %dma_start3A_390 = tpu.memref_slice %arg3[%dma_start3A_389, %mul3A_2] : memref<1000x16384xf32, #tpu.memory_space<hbm>> -> memref<40x512xf32, #tpu.memory_space<hbm>>
    tpu.enqueue_dma source(%arg6 : memref<40x512xf32, #tpu.memory_space<vmem>>) target(%dma_start3A_390 : memref<40x512xf32, #tpu.memory_space<hbm>>) target_semaphore(%arg8 : memref<!tpu.dma_semaphore, #tpu.memory_space<semaphore_mem>>)
    %dma_wait3A_391 = arith.constant 800 : i32
    %dma_wait3A_392 = tpu.memref_slice %arg3[%dma_wait3A_391, %mul3A_2] : memref<1000x16384xf32, #tpu.memory_space<hbm>> -> memref<40x512xf32, #tpu.memory_space<hbm>>
    %dma_wait3A_393 = arith.constant 800 : i32
    %dma_wait3A_394 = tpu.memref_slice %arg3[%dma_wait3A_393, %mul3A_2] : memref<1000x16384xf32, #tpu.memory_space<hbm>> -> memref<40x512xf32, #tpu.memory_space<hbm>>
    tpu.wait_dma2 semaphore(%arg7 : memref<!tpu.dma_semaphore, #tpu.memory_space<semaphore_mem>>) src(%arg5 : memref<40x512xf32, #tpu.memory_space<vmem>>) dst(%dma_wait3A_394 : memref<40x512xf32, #tpu.memory_space<hbm>>)
    %scan3A_395 = arith.constant 0 : i32
    %scan3A_396 = arith.constant 32 : i32
    %scan3A_397 = arith.addi %scan3A_395, %scan3A_396 : i32
    %scan3A_398 = arith.constant 1 : i32
    scf.for %scan3A_453 = %scan3A_395 to %scan3A_397 step %scan3A_398  : i32 {
      %mul3A_454 = arith.constant 16 : i32
      %mul3A_455 = arith.muli %scan3A_453, %mul3A_454 : i32
      %get3A = arith.index_cast %mul3A_455 : i32 to index
      %get3A_456 = tpu.vector_load %arg4[%get3A] {strides = array<i32>} : memref<512xi32, #tpu.memory_space<vmem>>, vector<16xi32>,
      %sub3A = arith.constant 800 : i32
      %sub3A_457 = vector.broadcast %sub3A : i32 to vector<16xi32>
      %sub3A_458 = arith.subi %get3A_456, %sub3A_457 : vector<16xi32>
      %mul3A_459 = arith.constant 16 : i32
      %mul3A_460 = arith.muli %scan3A_453, %mul3A_459 : i32
      %add3A_461 = vector.broadcast %mul3A_460 : i32 to vector<16xi32>
      %add3A_462 = arith.addi %add3A_461, %iota3A : vector<16xi32>
      %ge3A = arith.constant 800 : i32
      %ge3A_463 = vector.broadcast %ge3A : i32 to vector<16xi32>
      %ge3A_464 = arith.cmpi sge, %get3A_456, %ge3A_463 : vector<16xi32>
      %lt3A = arith.constant 840 : i32
      %lt3A_465 = vector.broadcast %lt3A : i32 to vector<16xi32>
      %lt3A_466 = arith.cmpi slt, %get3A_456, %lt3A_465 : vector<16xi32>
      %and3A = arith.andi %ge3A_464, %lt3A_466 : vector<16xi1>
      tpu.vector_store_idx %arg5[%sub3A_458, %add3A_462], %broadcast_in_dim3A_3 masked %and3A : memref<40x512xf32, #tpu.memory_space<vmem>>[vector<16xi32>, vector<16xi32>], vector<16xf32>, vector<16xi1>
    }
    %scan3A_399 = arith.constant 32 : i32
    %scan3A_400 = arith.constant 0 : i32
    %scan3A_401 = arith.constant 32 : i32
    %scan3A_402 = arith.addi %scan3A_400, %scan3A_401 : i32
    %scan3A_403 = arith.constant 1 : i32
    scf.for %scan3A_453 = %scan3A_400 to %scan3A_402 step %scan3A_403  : i32 {
      %mul3A_454 = arith.constant 16 : i32
      %mul3A_455 = arith.muli %scan3A_453, %mul3A_454 : i32
      %get3A = arith.index_cast %mul3A_455 : i32 to index
      %get3A_456 = tpu.vector_load %arg4[%get3A] {strides = array<i32>} : memref<512xi32, #tpu.memory_space<vmem>>, vector<16xi32>,
      %sub3A = arith.constant 880 : i32
      %sub3A_457 = vector.broadcast %sub3A : i32 to vector<16xi32>
      %sub3A_458 = arith.subi %get3A_456, %sub3A_457 : vector<16xi32>
      %mul3A_459 = arith.constant 16 : i32
      %mul3A_460 = arith.muli %scan3A_453, %mul3A_459 : i32
      %add3A_461 = vector.broadcast %mul3A_460 : i32 to vector<16xi32>
      %add3A_462 = arith.addi %add3A_461, %iota3A : vector<16xi32>
      %ge3A = arith.constant 880 : i32
      %ge3A_463 = vector.broadcast %ge3A : i32 to vector<16xi32>
      %ge3A_464 = arith.cmpi sge, %get3A_456, %ge3A_463 : vector<16xi32>
      %lt3A = arith.constant 920 : i32
      %lt3A_465 = vector.broadcast %lt3A : i32 to vector<16xi32>
      %lt3A_466 = arith.cmpi slt, %get3A_456, %lt3A_465 : vector<16xi32>
      %and3A = arith.andi %ge3A_464, %lt3A_466 : vector<16xi1>
      tpu.vector_store_idx %arg5[%sub3A_458, %add3A_462], %broadcast_in_dim3A_5 masked %and3A : memref<40x512xf32, #tpu.memory_space<vmem>>[vector<16xi32>, vector<16xi32>], vector<16xf32>, vector<16xi1>
    }
    %scan3A_404 = arith.constant 32 : i32
    %dma_start3A_405 = arith.constant 880 : i32
    %dma_start3A_406 = tpu.memref_slice %arg3[%dma_start3A_405, %mul3A_2] : memref<1000x16384xf32, #tpu.memory_space<hbm>> -> memref<40x512xf32, #tpu.memory_space<hbm>>
    %dma_start3A_407 = arith.constant 880 : i32
    %dma_start3A_408 = tpu.memref_slice %arg3[%dma_start3A_407, %mul3A_2] : memref<1000x16384xf32, #tpu.memory_space<hbm>> -> memref<40x512xf32, #tpu.memory_space<hbm>>
    tpu.enqueue_dma source(%arg5 : memref<40x512xf32, #tpu.memory_space<vmem>>) target(%dma_start3A_408 : memref<40x512xf32, #tpu.memory_space<hbm>>) target_semaphore(%arg7 : memref<!tpu.dma_semaphore, #tpu.memory_space<semaphore_mem>>)
    %dma_wait3A_409 = arith.constant 840 : i32
    %dma_wait3A_410 = tpu.memref_slice %arg3[%dma_wait3A_409, %mul3A_2] : memref<1000x16384xf32, #tpu.memory_space<hbm>> -> memref<40x512xf32, #tpu.memory_space<hbm>>
    %dma_wait3A_411 = arith.constant 840 : i32
    %dma_wait3A_412 = tpu.memref_slice %arg3[%dma_wait3A_411, %mul3A_2] : memref<1000x16384xf32, #tpu.memory_space<hbm>> -> memref<40x512xf32, #tpu.memory_space<hbm>>
    tpu.wait_dma2 semaphore(%arg8 : memref<!tpu.dma_semaphore, #tpu.memory_space<semaphore_mem>>) src(%arg6 : memref<40x512xf32, #tpu.memory_space<vmem>>) dst(%dma_wait3A_412 : memref<40x512xf32, #tpu.memory_space<hbm>>)
    %scan3A_413 = arith.constant 0 : i32
    %scan3A_414 = arith.constant 32 : i32
    %scan3A_415 = arith.addi %scan3A_413, %scan3A_414 : i32
    %scan3A_416 = arith.constant 1 : i32
    scf.for %scan3A_453 = %scan3A_413 to %scan3A_415 step %scan3A_416  : i32 {
      %mul3A_454 = arith.constant 16 : i32
      %mul3A_455 = arith.muli %scan3A_453, %mul3A_454 : i32
      %get3A = arith.index_cast %mul3A_455 : i32 to index
      %get3A_456 = tpu.vector_load %arg4[%get3A] {strides = array<i32>} : memref<512xi32, #tpu.memory_space<vmem>>, vector<16xi32>,
      %sub3A = arith.constant 840 : i32
      %sub3A_457 = vector.broadcast %sub3A : i32 to vector<16xi32>
      %sub3A_458 = arith.subi %get3A_456, %sub3A_457 : vector<16xi32>
      %mul3A_459 = arith.constant 16 : i32
      %mul3A_460 = arith.muli %scan3A_453, %mul3A_459 : i32
      %add3A_461 = vector.broadcast %mul3A_460 : i32 to vector<16xi32>
      %add3A_462 = arith.addi %add3A_461, %iota3A : vector<16xi32>
      %ge3A = arith.constant 840 : i32
      %ge3A_463 = vector.broadcast %ge3A : i32 to vector<16xi32>
      %ge3A_464 = arith.cmpi sge, %get3A_456, %ge3A_463 : vector<16xi32>
      %lt3A = arith.constant 880 : i32
      %lt3A_465 = vector.broadcast %lt3A : i32 to vector<16xi32>
      %lt3A_466 = arith.cmpi slt, %get3A_456, %lt3A_465 : vector<16xi32>
      %and3A = arith.andi %ge3A_464, %lt3A_466 : vector<16xi1>
      tpu.vector_store_idx %arg6[%sub3A_458, %add3A_462], %broadcast_in_dim3A_3 masked %and3A : memref<40x512xf32, #tpu.memory_space<vmem>>[vector<16xi32>, vector<16xi32>], vector<16xf32>, vector<16xi1>
    }
    %scan3A_417 = arith.constant 32 : i32
    %scan3A_418 = arith.constant 0 : i32
    %scan3A_419 = arith.constant 32 : i32
    %scan3A_420 = arith.addi %scan3A_418, %scan3A_419 : i32
    %scan3A_421 = arith.constant 1 : i32
    scf.for %scan3A_453 = %scan3A_418 to %scan3A_420 step %scan3A_421  : i32 {
      %mul3A_454 = arith.constant 16 : i32
      %mul3A_455 = arith.muli %scan3A_453, %mul3A_454 : i32
      %get3A = arith.index_cast %mul3A_455 : i32 to index
      %get3A_456 = tpu.vector_load %arg4[%get3A] {strides = array<i32>} : memref<512xi32, #tpu.memory_space<vmem>>, vector<16xi32>,
      %sub3A = arith.constant 920 : i32
      %sub3A_457 = vector.broadcast %sub3A : i32 to vector<16xi32>
      %sub3A_458 = arith.subi %get3A_456, %sub3A_457 : vector<16xi32>
      %mul3A_459 = arith.constant 16 : i32
      %mul3A_460 = arith.muli %scan3A_453, %mul3A_459 : i32
      %add3A_461 = vector.broadcast %mul3A_460 : i32 to vector<16xi32>
      %add3A_462 = arith.addi %add3A_461, %iota3A : vector<16xi32>
      %ge3A = arith.constant 920 : i32
      %ge3A_463 = vector.broadcast %ge3A : i32 to vector<16xi32>
      %ge3A_464 = arith.cmpi sge, %get3A_456, %ge3A_463 : vector<16xi32>
      %lt3A = arith.constant 960 : i32
      %lt3A_465 = vector.broadcast %lt3A : i32 to vector<16xi32>
      %lt3A_466 = arith.cmpi slt, %get3A_456, %lt3A_465 : vector<16xi32>
      %and3A = arith.andi %ge3A_464, %lt3A_466 : vector<16xi1>
      tpu.vector_store_idx %arg6[%sub3A_458, %add3A_462], %broadcast_in_dim3A_5 masked %and3A : memref<40x512xf32, #tpu.memory_space<vmem>>[vector<16xi32>, vector<16xi32>], vector<16xf32>, vector<16xi1>
    }
    %scan3A_422 = arith.constant 32 : i32
    %dma_start3A_423 = arith.constant 920 : i32
    %dma_start3A_424 = tpu.memref_slice %arg3[%dma_start3A_423, %mul3A_2] : memref<1000x16384xf32, #tpu.memory_space<hbm>> -> memref<40x512xf32, #tpu.memory_space<hbm>>
    %dma_start3A_425 = arith.constant 920 : i32
    %dma_start3A_426 = tpu.memref_slice %arg3[%dma_start3A_425, %mul3A_2] : memref<1000x16384xf32, #tpu.memory_space<hbm>> -> memref<40x512xf32, #tpu.memory_space<hbm>>
    tpu.enqueue_dma source(%arg6 : memref<40x512xf32, #tpu.memory_space<vmem>>) target(%dma_start3A_426 : memref<40x512xf32, #tpu.memory_space<hbm>>) target_semaphore(%arg8 : memref<!tpu.dma_semaphore, #tpu.memory_space<semaphore_mem>>)
    %dma_wait3A_427 = arith.constant 880 : i32
    %dma_wait3A_428 = tpu.memref_slice %arg3[%dma_wait3A_427, %mul3A_2] : memref<1000x16384xf32, #tpu.memory_space<hbm>> -> memref<40x512xf32, #tpu.memory_space<hbm>>
    %dma_wait3A_429 = arith.constant 880 : i32
    %dma_wait3A_430 = tpu.memref_slice %arg3[%dma_wait3A_429, %mul3A_2] : memref<1000x16384xf32, #tpu.memory_space<hbm>> -> memref<40x512xf32, #tpu.memory_space<hbm>>
    tpu.wait_dma2 semaphore(%arg7 : memref<!tpu.dma_semaphore, #tpu.memory_space<semaphore_mem>>) src(%arg5 : memref<40x512xf32, #tpu.memory_space<vmem>>) dst(%dma_wait3A_430 : memref<40x512xf32, #tpu.memory_space<hbm>>)
    %scan3A_431 = arith.constant 0 : i32
    %scan3A_432 = arith.constant 32 : i32
    %scan3A_433 = arith.addi %scan3A_431, %scan3A_432 : i32
    %scan3A_434 = arith.constant 1 : i32
    scf.for %scan3A_453 = %scan3A_431 to %scan3A_433 step %scan3A_434  : i32 {
      %mul3A_454 = arith.constant 16 : i32
      %mul3A_455 = arith.muli %scan3A_453, %mul3A_454 : i32
      %get3A = arith.index_cast %mul3A_455 : i32 to index
      %get3A_456 = tpu.vector_load %arg4[%get3A] {strides = array<i32>} : memref<512xi32, #tpu.memory_space<vmem>>, vector<16xi32>,
      %sub3A = arith.constant 880 : i32
      %sub3A_457 = vector.broadcast %sub3A : i32 to vector<16xi32>
      %sub3A_458 = arith.subi %get3A_456, %sub3A_457 : vector<16xi32>
      %mul3A_459 = arith.constant 16 : i32
      %mul3A_460 = arith.muli %scan3A_453, %mul3A_459 : i32
      %add3A_461 = vector.broadcast %mul3A_460 : i32 to vector<16xi32>
      %add3A_462 = arith.addi %add3A_461, %iota3A : vector<16xi32>
      %ge3A = arith.constant 880 : i32
      %ge3A_463 = vector.broadcast %ge3A : i32 to vector<16xi32>
      %ge3A_464 = arith.cmpi sge, %get3A_456, %ge3A_463 : vector<16xi32>
      %lt3A = arith.constant 920 : i32
      %lt3A_465 = vector.broadcast %lt3A : i32 to vector<16xi32>
      %lt3A_466 = arith.cmpi slt, %get3A_456, %lt3A_465 : vector<16xi32>
      %and3A = arith.andi %ge3A_464, %lt3A_466 : vector<16xi1>
      tpu.vector_store_idx %arg5[%sub3A_458, %add3A_462], %broadcast_in_dim3A_3 masked %and3A : memref<40x512xf32, #tpu.memory_space<vmem>>[vector<16xi32>, vector<16xi32>], vector<16xf32>, vector<16xi1>
    }
    %scan3A_435 = arith.constant 32 : i32
    %scan3A_436 = arith.constant 0 : i32
    %scan3A_437 = arith.constant 32 : i32
    %scan3A_438 = arith.addi %scan3A_436, %scan3A_437 : i32
    %scan3A_439 = arith.constant 1 : i32
    scf.for %scan3A_453 = %scan3A_436 to %scan3A_438 step %scan3A_439  : i32 {
      %mul3A_454 = arith.constant 16 : i32
      %mul3A_455 = arith.muli %scan3A_453, %mul3A_454 : i32
      %get3A = arith.index_cast %mul3A_455 : i32 to index
      %get3A_456 = tpu.vector_load %arg4[%get3A] {strides = array<i32>} : memref<512xi32, #tpu.memory_space<vmem>>, vector<16xi32>,
      %sub3A = arith.constant 960 : i32
      %sub3A_457 = vector.broadcast %sub3A : i32 to vector<16xi32>
      %sub3A_458 = arith.subi %get3A_456, %sub3A_457 : vector<16xi32>
      %mul3A_459 = arith.constant 16 : i32
      %mul3A_460 = arith.muli %scan3A_453, %mul3A_459 : i32
      %add3A_461 = vector.broadcast %mul3A_460 : i32 to vector<16xi32>
      %add3A_462 = arith.addi %add3A_461, %iota3A : vector<16xi32>
      %ge3A = arith.constant 960 : i32
      %ge3A_463 = vector.broadcast %ge3A : i32 to vector<16xi32>
      %ge3A_464 = arith.cmpi sge, %get3A_456, %ge3A_463 : vector<16xi32>
      %lt3A = arith.constant 1000 : i32
      %lt3A_465 = vector.broadcast %lt3A : i32 to vector<16xi32>
      %lt3A_466 = arith.cmpi slt, %get3A_456, %lt3A_465 : vector<16xi32>
      %and3A = arith.andi %ge3A_464, %lt3A_466 : vector<16xi1>
      tpu.vector_store_idx %arg5[%sub3A_458, %add3A_462], %broadcast_in_dim3A_5 masked %and3A : memref<40x512xf32, #tpu.memory_space<vmem>>[vector<16xi32>, vector<16xi32>], vector<16xf32>, vector<16xi1>
    }
    %scan3A_440 = arith.constant 32 : i32
    %dma_start3A_441 = arith.constant 960 : i32
    %dma_start3A_442 = tpu.memref_slice %arg3[%dma_start3A_441, %mul3A_2] : memref<1000x16384xf32, #tpu.memory_space<hbm>> -> memref<40x512xf32, #tpu.memory_space<hbm>>
    %dma_start3A_443 = arith.constant 960 : i32
    %dma_start3A_444 = tpu.memref_slice %arg3[%dma_start3A_443, %mul3A_2] : memref<1000x16384xf32, #tpu.memory_space<hbm>> -> memref<40x512xf32, #tpu.memory_space<hbm>>
    tpu.enqueue_dma source(%arg5 : memref<40x512xf32, #tpu.memory_space<vmem>>) target(%dma_start3A_444 : memref<40x512xf32, #tpu.memory_space<hbm>>) target_semaphore(%arg7 : memref<!tpu.dma_semaphore, #tpu.memory_space<semaphore_mem>>)
    %dma_wait3A_445 = arith.constant 960 : i32
    %dma_wait3A_446 = tpu.memref_slice %arg3[%dma_wait3A_445, %mul3A_2] : memref<1000x16384xf32, #tpu.memory_space<hbm>> -> memref<40x512xf32, #tpu.memory_space<hbm>>
    %dma_wait3A_447 = arith.constant 960 : i32
    %dma_wait3A_448 = tpu.memref_slice %arg3[%dma_wait3A_447, %mul3A_2] : memref<1000x16384xf32, #tpu.memory_space<hbm>> -> memref<40x512xf32, #tpu.memory_space<hbm>>
    tpu.wait_dma2 semaphore(%arg7 : memref<!tpu.dma_semaphore, #tpu.memory_space<semaphore_mem>>) src(%arg5 : memref<40x512xf32, #tpu.memory_space<vmem>>) dst(%dma_wait3A_448 : memref<40x512xf32, #tpu.memory_space<hbm>>)
    %dma_wait3A_449 = arith.constant 920 : i32
    %dma_wait3A_450 = tpu.memref_slice %arg3[%dma_wait3A_449, %mul3A_2] : memref<1000x16384xf32, #tpu.memory_space<hbm>> -> memref<40x512xf32, #tpu.memory_space<hbm>>
    %dma_wait3A_451 = arith.constant 920 : i32
    %dma_wait3A_452 = tpu.memref_slice %arg3[%dma_wait3A_451, %mul3A_2] : memref<1000x16384xf32, #tpu.memory_space<hbm>> -> memref<40x512xf32, #tpu.memory_space<hbm>>
    tpu.wait_dma2 semaphore(%arg8 : memref<!tpu.dma_semaphore, #tpu.memory_space<semaphore_mem>>) src(%arg6 : memref<40x512xf32, #tpu.memory_space<vmem>>) dst(%dma_wait3A_452 : memref<40x512xf32, #tpu.memory_space<hbm>>)
    return
  }
}

</mosaic_0001>

<sc_bundles>
// kernel: _onehot_sc.3.cloned.1.call-start
scs
__scs_entry_jumppad:
0x0: {  	(pc) =	sbr.rel $0x88, $3  }
0x1: {  	(tag) =	ssettag $0x0;
	lr =	simm.s32 $0x1  }
0x2: {  	[smem:$0x3FA0] =	sst lr;
	_ =	strace $0xD0000000  }
0x3: {  	_ = 	snop  }
0x4: {  	_ = 	snop  }
0x5: {  	_ = 	snop  }
0x6: {  	_ = 	snop  }
0x7: {  	_ = 	snop  }
__scs_overlays_trampoline_lowered:
0x8: {  	[smem:$0x3FAF] =	sst s0  }
0x9: {  	[smem:$0x3FB0] =	sst s1  }
0xa: {  	[smem:$0x3FB1] =	sst s2  }
0xb: {  	[smem:$0x3FB2] =	sst s3  }
0xc: {  	[smem:$0x3FB3] =	sst s4  }
0xd: {  	[smem:$0x3FB4] =	sst s5  }
0xe: {  	[smem:$0x3FB5] =	sst s6  }
0xf: {  	[smem:$0x3FB6] =	sst s7  }
0x10: {  	[smem:$0x3FB7] =	sst s8  }
0x11: {  	[smem:$0x3FB8] =	sst s9;
	s0 =	simm.s32 @!p0 $0x0  }
0x12: {  	s1 =	sld [smem:$0x3F9E];
	s0 =	simm.s32 @p0 $0x1  }
0x13: {  	[smem:$0x3FB9] =	sst s0;
	s0 =	simm.s32 @!p1 $0x0  }
0x14: {  	s2 =	sld [smem:$0x3F9D];
	s0 =	simm.s32 @p1 $0x1  }
0x15: {  	[smem:$0x3FBA] =	sst s0;
	s0 =	simm.s32 @!p2 $0x0  }
0x16: {  	s3 =	sld [smem:$0x3FDB];
	s0 =	simm.s32 @p2 $0x1  }
0x17: {  	s4 =	simm.s32 $0x1BF5;
	[smem:$0x3FBC] =	sst s0  }
0x18: {  	s0 =	sld [smem:$0x3F9F];
	_ =	swait.ge [sflag:s4], $0x0  }
0x19: {  	s7 =	sld [smem:$0x3FA0]  }
0x1a: {  	s8 =	sadd.s32 $0xFFFFE003, lr  }
0x1b: {  	s9 =	sadd.s32 $0xFFFFFEF7, lr;
	s5 =	simm.s32 $0xFFFFFFFF;
	p2 =	slt.u32 s8, $0xFFFFF086  }
0x1c: {  	p1 =	slt.u32 s9, $0xF7A;
	s5 =	simm.s32 @!p2 $0x0  }
0x1d: {  	s5 =	simm.s32 @p1 $0x1;
	p0 =	seq.s32 s7, s2  }
0x1e: {  	s7 =	smul.u32 @!p0 $0xF7A, s2;
	p2 =	seq.s32 @!p0 s5, $0x0  }
0x1f: {  	s9 =	smul.u32 $0xF7A, s1;
	s8 =	simm.s32 @!p0 $0x1BF5;
	p2 =	por !p2, p0  }
0x20: {  	[sflag:s8] =	ssyncset.s32 @!p0 $0xFFFFF086;
	s6 =	sadd.s32 @!p0 s3, s7;
	s7 =	simm.s32 @!p0 $0x108  }
0x21: {  	s3 =	sadd.s32 s3, s9;
	s6 =	sadd.s32 @!p0 $0x88, s6;
	s7 =	simm.s32 @p2 $0x1082  }
0x22: {  	[simem:s7], [sflag:s8] =	dma.local @!p0 [hbm:s6], $0xF7A  }
0x23: {  	s9 =	sor.u32 $0xD0000000, s2;
	s6 =	simm.s32 $0x108;
	_ =	swait.ge @!p0 [sflag:s8], $0x0  }
0x24: {  	s3 =	sadd.s32 $0x88, s3;
	s6 =	simm.s32 @!p1 $0x1082;
	[sflag:s4] =	ssyncset.s32 $0xFFFFF086  }
0x25: {  	[simem:s6], [sflag:s4] =	dma.local [hbm:s3], $0xF7A  }
0x26: {  	[smem:$0x3FA0] =	sst s1;
	(tag) =	ssettag s2;
	_ =	strace s9  }
0x27: {  	s1 =	sld [smem:$0x3FB0]  }
0x28: {  	s2 =	sld [smem:$0x3FB1]  }
0x29: {  	s4 =	sld [smem:$0x3FB3]  }
0x2a: {  	p0 =	seq.s32 s5, $0x0;
	s5 =	sld [smem:$0x3FB4]  }
0x2b: {  	s6 =	sld [smem:$0x3FB5]  }
0x2c: {  	s7 =	sld [smem:$0x3FB6]  }
0x2d: {  	s3 =	simm.s32 $0x108;
	s8 =	sld [smem:$0x3FB7]  }
0x2e: {  	s3 =	simm.s32 @!p0 $0x1082;
	s9 =	sld [smem:$0x3FB8]  }
0x2f: {  	lr =	sadd.s32 s0, s3;
	s0 =	sld [smem:$0x3FAF]  }
0x30: {  	s3 =	sld [smem:$0x3FB2]  }
0x31: {  	[smem:$0x3FBB] =	sst s10  }
0x32: {  	s10 =	sld [smem:$0x3FB9];
	_ =	sdelay $0x3  }
0x33: {  	p0 =	seq.s32 s10, $0x1;
	s10 =	sld [smem:$0x3FBB];
	_ =	sdelay $0x3  }
0x34: {  	[smem:$0x3FBB] =	sst s10  }
0x35: {  	s10 =	sld [smem:$0x3FBA];
	_ =	sdelay $0x3  }
0x36: {  	p1 =	seq.s32 s10, $0x1;
	s10 =	sld [smem:$0x3FBB];
	_ =	sdelay $0x3  }
0x37: {  	[smem:$0x3FBB] =	sst s10  }
0x38: {  	s10 =	sld [smem:$0x3FBC]  }
0x39: {  	_ = 	snop;
	(pc) =	sbr.ind lr, $3  }
0x3a: {  	_ = 	snop  }
0x3b: {  	_ = 	snop  }
0x3c: {  	p2 =	seq.s32 s10, $0x1;
	s10 =	sld [smem:$0x3FBB]  }
0x3d: {  	_ =	shalt  }
0x3e: {  	_ =	shalt  }
0x3f: {  	_ =	shalt  }
0x40: {  	_ =	shalt  }
0x41: {  	_ =	shalt  }
0x42: {  	_ =	shalt  }
0x43: {  	_ =	shalt  }
0x44: {  	_ =	shalt  }
0x45: {  	_ =	shalt  }
0x46: {  	_ =	shalt  }
0x47: {  	_ =	shalt  }
0x48: {  	_ =	shalt  }
0x49: {  	_ =	shalt  }
0x4a: {  	_ =	shalt  }
0x4b: {  	_ =	shalt  }
0x4c: {  	_ =	shalt  }
0x4d: {  	_ =	shalt  }
0x4e: {  	_ =	shalt  }
0x4f: {  	_ =	shalt  }
0x50: {  	_ =	shalt  }
0x51: {  	_ =	shalt  }
0x52: {  	_ =	shalt  }
0x53: {  	_ =	shalt  }
0x54: {  	_ =	shalt  }
0x55: {  	_ =	shalt  }
0x56: {  	_ =	shalt  }
0x57: {  	_ =	shalt  }
0x58: {  	_ =	shalt  }
0x59: {  	_ =	shalt  }
0x5a: {  	_ =	shalt  }
0x5b: {  	_ =	shalt  }
0x5c: {  	_ =	shalt  }
0x5d: {  	_ =	shalt  }
0x5e: {  	_ =	shalt  }
0x5f: {  	_ =	shalt  }
0x60: {  	_ =	shalt  }
0x61: {  	_ =	shalt  }
0x62: {  	_ =	shalt  }
0x63: {  	_ =	shalt  }
0x64: {  	_ =	shalt  }
0x65: {  	_ =	shalt  }
0x66: {  	_ =	shalt  }
0x67: {  	_ =	shalt  }
0x68: {  	_ =	shalt  }
0x69: {  	_ =	shalt  }
0x6a: {  	_ =	shalt  }
0x6b: {  	_ =	shalt  }
0x6c: {  	_ =	shalt  }
0x6d: {  	_ =	shalt  }
0x6e: {  	_ =	shalt  }
0x6f: {  	_ =	shalt  }
0x70: {  	_ =	shalt  }
0x71: {  	_ =	shalt  }
0x72: {  	_ =	shalt  }
0x73: {  	_ =	shalt  }
0x74: {  	_ =	shalt  }
0x75: {  	_ =	shalt  }
0x76: {  	_ =	shalt  }
0x77: {  	_ =	shalt  }
0x78: {  	_ =	shalt  }
0x79: {  	_ =	shalt  }
0x7a: {  	_ =	shalt  }
0x7b: {  	_ =	shalt  }
0x7c: {  	_ =	shalt  }
0x7d: {  	_ =	shalt  }
0x7e: {  	_ =	shalt  }
0x7f: {  	_ =	shalt  }
0x80: {  	_ =	shalt  }
0x81: {  	_ =	shalt  }
0x82: {  	_ =	shalt  }
0x83: {  	_ =	shalt  }
0x84: {  	_ =	shalt  }
0x85: {  	_ =	shalt  }
0x86: {  	_ =	shalt  }
0x87: {  	_ =	shalt  }
.Lfunc_end0:
.L_simem_size_0:
called_computation_lowered:
.L_overlay_start_0:
0x88: {  	s2 =	sld [smem:$0x3FD9]  }
0x89: {  	s3 =	sld [smem:$0x3FFE];
	_ =	sdelay $0x1  }
0x8a: {  	s1 =	srdreg.scid  }
0x8b: {  	s0 =	sand.u32 $0x1, s1  }
0x8c: {  	s18 =	sshll.u32 s0, $0xA;
	s2 =	sadd.s32 s3, s2  }
0x8d: {  	s2 =	sadd.s32 s2, s18  }
0x8e: {  	[smem:$0x3FC7] =	sst s2  }
0x8f: {  	_ = 	snop  }
0x90: {  	s2 =	sld [smem:$0x3FC9]  }
0x91: {  	s19 =	sld [smem:$0x3FD0];
	(tm) =	ssettm $0x1  }
0x92: {  	s4 =	sld [smem:$0x3FFB];
	_ =	sdelay $0x3  }
0x93: {  	_ =	strace s4  }
0x94: {  	s4 =	sld [smem:$0x3FFC];
	_ =	sdelay $0x3  }
0x95: {  	_ =	strace s4  }
0x96: {  	s4 =	sld [smem:$0x3FFD];
	_ =	sdelay $0x3  }
0x97: {  	_ =	strace s4  }
0x98: {  	_ =	strace $0x8FFFFFFF  }
0x99: {  	s20 =	sld [smem:$0x3FDB];
	_ =	sdelay $0x1  }
0x9a: {  	s5 =	simm.s32 $_scs_section_size  }
0x9b: {  	s6 =	simm.s32 $_size__tile_overlayer_lowered;
	s7 =	simm.s32 $_tile_overlayer_lowered  }
0x9c: {  	s23 =	simm.s32 $0x1BFF;
	s22 =	sshll.u32 s7, $0x1;
	s4 =	sadd.s32 s5, s20  }
0x9d: {  	s8 =	simm.s32 $0x0;
	s21 =	sshll.u32 s6, $0x1;
	s6 =	sadd.s32 s22, s4  }
0x9e: {  	[timem:s8], [sflag:s23] =	dma.local [hbm:s6], s21  }
0x9f: {  	_ =	swait.ge [sflag:s23], s21  }
0xa0: {  	s5 =	ssub.s32 $0x0, s21;
	[sflag:s23] =	ssyncset.done $0x0  }
0xa1: {  	[sflag:s23] =	ssyncadd.s32 s5;
	_ =	sdelay $0x1  }
0xa2: {  	s24 =	simm.s32 $0x1B8B  }
0xa3: {  	_ =	swait.ge [sflag:s24], $0x1  }
0xa4: {  	[sflag:s24] =	ssyncset.done $0x0  }
0xa5: {  	s25 =	simm.s32 $0x1B8E;
	[sflag:s24] =	ssyncadd.s32 $0xFFFFFFFF  }
0xa6: {  	s26 =	simm.s32 $execute0_lowered;
	[smem:$0x3FD2] =	sst s25  }
0xa7: {  	s5 =	sshll.u32 s26, $0x1;
	_ =	strace $0x80000046;
	[dreg:$0x1] =	wrdreg $0xFFFFFFFF  }
0xa8: {  	s28 =	simm.s32 $_size_execute0_lowered;
	s4 =	sadd.s32 s4, s5;
	[dreg:$0x0] =	wrdreg $0x0  }
0xa9: {  	s5 =	sshll.u32 s28, $0x1;
	[dreg:$0x2] =	wrdreg s4  }
0xaa: {  	[dreg:$0x3] =	wrdreg s5  }
0xab: {  	[dreg:$0x4] =	wrdreg $0xC0  }
0xac: {  	_ =	task [dreg:s8], $0x5FFFF  }
0xad: {  	[dreg:$0x1] =	wrdreg $0xFFFFFFFF  }
0xae: {  	[dreg:$0x0] =	wrdreg $0x60  }
0xaf: {  	[dreg:$0x2] =	wrdreg s2  }
0xb0: {  	[dreg:$0x3] =	wrdreg s19  }
0xb1: {  	[dreg:$0x4] =	wrdreg $0x9  }
0xb2: {  	_ =	task.clear_ibuf [dreg:s8], $0x5FFFF;
	_ =	strace $0x90000046  }
0xb3: {  	s29 =	simm.s32 $0x9;
	_ =	strace $0x80000048  }
0xb4: {  	_ =	swait.ge [sflag:s29], $0x1  }
0xb5: {  	[sflag:s29] =	ssyncadd.s32 $0xFFFFFFFF  }
0xb6: {  	_ =	strace $0x90000048  }
0xb7: {  	_ =	sfence  }
0xb8: {  	s30 =	sld [smem:$0x0];
	_ =	sdelay $0x2  }
0xb9: {  	s31 =	sshll.u32 s1, $0xD;
	s1 =	sshrl.u32 s1, $0x2  }
0xba: {  	s3 =	sand.u32 $0x4000, s31;
	s1 =	sadd.s32 s1, s30  }
0xbb: {  	s0 =	sor.u32 s3, s0;
	s1 =	sshll.u32 s1, $0x11  }
0xbc: {  	s0 =	sor.u32 s1, s0  }
0xbd: {  	s0 =	sadd.s32 $0x8F2B, s0  }
0xbe: {  	[sflag:s0] =	ssyncadd.remote.s32 $0x1  }
0xbf: {  	_ =	sfence.sel $0xFFFF  }
0xc0: {  	[dreg:$0x0] =	wrdreg $0xFFFFFFFF;
	(pc) =	sbr.abs _section_cstart, $3  }
0xc1: {  	[dreg:$0x1] =	wrdreg $0xFFFFFFFF  }
0xc2: {  	_ =	task.clear_ibuf [dreg:s8], $0x2FFFF;
	_ =	strace $0x9FFFFFFF  }
0xc3: {  	(tm) =	ssettm $0x7FFFFFFF  }
tec
execute0_lowered:
.L_overlay_start_1:
0x0: {  	(tag) =	ssettag $0x1  }
0x1: {  	s0 =	rddreg [dreg:$0x0]  }
0x2: {  	s1 =	rddreg [dreg:$0x1]  }
0x3: {  	s2 =	srdreg.scid;
	s3 =	stileid.u32;
	s5 =	simm.s32 $0x0  }
0x4: {  	s31 =	simm.s32 $0x3;
	s6 =	simm.s32 $0x2;
	s7 =	simm.s32 $0x0  }
0x5: {  	s2 =	sand.u32 $0x1, s2;
	s3 =	sshll.u32 s3, $0xA;
	[smem:$0x7FF] =	sst s5  }
0x6: {  	s5 =	simm.s32 $0x1;
	s4 =	sshll.u32 s2, $0x9;
	s2 =	ssub.s32 $0x2, s2  }
0x7: {  	_ =	strace $0x80000047;
	s3 =	sor.u32 s4, s3;
	s17 =	sshrl.u32 s2, $0x1  }
0x8: {  	s18 =	sshrl.u32 s3, $0x3;
	s2 =	ssub.s32 s2, s17;
	s4 =	sadd.s32 s1, s3  }
0x9: {  	s1 =	simm.s32 $0x1000;
	s3 =	simm.s32 $0x5200;
	s0 =	sadd.s32 s0, s18  }
0xa: {  	s19 =	sadd.s32 $0x14000, s4;
	s20 =	sadd.s32 $0x28000, s4;
	[dreg:$0x3] =	wrdreg s0  }
0xb: {  	s21 =	sadd.s32 $0x3C000, s4;
	s22 =	sadd.s32 $0x50000, s4;
	[dreg:$0x4] =	wrdreg s19  }
0xc: {  	s23 =	sadd.s32 $0x64000, s4;
	s24 =	sadd.s32 $0x78000, s4;
	[dreg:$0x5] =	wrdreg s20  }
0xd: {  	s25 =	sadd.s32 $0x8C000, s4;
	s26 =	sadd.s32 $0xA0000, s4;
	[dreg:$0x6] =	wrdreg s21  }
0xe: {  	s13 =	sadd.s32 $0xB4000, s4;
	s14 =	sadd.s32 $0xC8000, s4;
	[dreg:$0x7] =	wrdreg s22  }
0xf: {  	s15 =	sadd.s32 $0xDC000, s4;
	s16 =	sadd.s32 $0xF0000, s4;
	[dreg:$0x8] =	wrdreg s23  }
0x10: {  	s17 =	sadd.s32 $0x104000, s4;
	s18 =	sadd.s32 $0x118000, s4;
	[dreg:$0x9] =	wrdreg s24  }
0x11: {  	s28 =	sadd.s32 $0x1B8000, s4;
	s29 =	sadd.s32 $0x1CC000, s4;
	[dreg:$0xa] =	wrdreg s25  }
0x12: {  	s30 =	sadd.s32 $0x1E0000, s4;
	[dreg:$0xb] =	wrdreg s26;
	s19 =	sadd.s32 $0x12C000, s4  }
0x13: {  	s20 =	sadd.s32 $0x140000, s4;
	s21 =	sadd.s32 $0x154000, s4;
	s22 =	sadd.s32 $0x168000, s4  }
0x14: {  	s23 =	sadd.s32 $0x17C000, s4;
	s24 =	sadd.s32 $0x190000, s4;
	s25 =	smax.u32 s2, $0x1  }
0x15: {  	v0 =	vimm.f32 $0.0e+00;
	v1 =	vlaneseq.u32;
	v2 =	vimm.f32 $1.000000000e+00;
	s26 =	sadd.s32 $0x1A4000, s4;
	s0 =	simm.s32 $0x200;
	s2 =	simm.s32 $0x20000  }
.LBB2_1:
0x16: {  	s9 =	simm.s32 $0x0  }
0x17: {  	s8 =	sand.u32 $0x7000, s9;
	s9 =	sand.u32 $0x380, s9  }
0x18: {  	s8 =	sor.u32 s9, s8  }
0x19: {  	[tilespmem:s8+$0xE70] =	vst v0  }
0x1a: {  	[tilespmem:s8+$0x200] =	vst v0  }
0x1b: {  	[tilespmem:s8+$0x210] =	vst v0  }
0x1c: {  	[tilespmem:s8+$0x220] =	vst v0  }
0x1d: {  	[tilespmem:s8+$0x230] =	vst v0  }
0x1e: {  	[tilespmem:s8+$0x240] =	vst v0  }
0x1f: {  	[tilespmem:s8+$0x250] =	vst v0  }
0x20: {  	[tilespmem:s8+$0x260] =	vst v0  }
0x21: {  	[tilespmem:s8+$0x270] =	vst v0  }
0x22: {  	[tilespmem:s8+$0x600] =	vst v0  }
0x23: {  	[tilespmem:s8+$0x610] =	vst v0  }
0x24: {  	[tilespmem:s8+$0x620] =	vst v0  }
0x25: {  	[tilespmem:s8+$0x630] =	vst v0  }
0x26: {  	[tilespmem:s8+$0x640] =	vst v0  }
0x27: {  	[tilespmem:s8+$0x650] =	vst v0  }
0x28: {  	[tilespmem:s8+$0x660] =	vst v0  }
0x29: {  	[tilespmem:s8+$0x670] =	vst v0  }
0x2a: {  	[tilespmem:s8+$0xA00] =	vst v0  }
0x2b: {  	[tilespmem:s8+$0xA10] =	vst v0  }
0x2c: {  	[tilespmem:s8+$0xA20] =	vst v0  }
0x2d: {  	[tilespmem:s8+$0xA30] =	vst v0  }
0x2e: {  	[tilespmem:s8+$0xA40] =	vst v0  }
0x2f: {  	[tilespmem:s8+$0xA50] =	vst v0  }
0x30: {  	[tilespmem:s8+$0xA60] =	vst v0  }
0x31: {  	[tilespmem:s8+$0xA70] =	vst v0  }
0x32: {  	[tilespmem:s8+$0xE00] =	vst v0  }
0x33: {  	[tilespmem:s8+$0xE10] =	vst v0  }
0x34: {  	[tilespmem:s8+$0xE20] =	vst v0  }
0x35: {  	[tilespmem:s8+$0xE30] =	vst v0  }
0x36: {  	s10 =	simm.s32 $0x200;
	s9 =	simm.s32 $0x80;
	[tilespmem:s8+$0xE40] =	vst v0  }
0x37: {  	s11 =	sand.u32 $0x7000, s10;
	s10 =	simm.s32 $0x400;
	s12 =	sand.u32 $0x380, s9;
	[tilespmem:s8+$0xE50] =	vst v0  }
.LBB2_2:
0x38: {  	p0 =	sne.s32 s10, $0x4E00;
	[tilespmem:s8+$0xE60] =	vst v0;
	s8 =	sor.u32 s12, s11  }
0x39: {  	[tilespmem:s8+$0xE70] =	vst v0  }
0x3a: {  	[tilespmem:s8+$0x200] =	vst v0  }
0x3b: {  	[tilespmem:s8+$0x210] =	vst v0  }
0x3c: {  	[tilespmem:s8+$0x220] =	vst v0  }
0x3d: {  	[tilespmem:s8+$0x230] =	vst v0  }
0x3e: {  	[tilespmem:s8+$0x240] =	vst v0  }
0x3f: {  	[tilespmem:s8+$0x250] =	vst v0  }
0x40: {  	[tilespmem:s8+$0x260] =	vst v0  }
0x41: {  	[tilespmem:s8+$0x270] =	vst v0  }
0x42: {  	[tilespmem:s8+$0x600] =	vst v0  }
0x43: {  	[tilespmem:s8+$0x610] =	vst v0  }
0x44: {  	[tilespmem:s8+$0x620] =	vst v0  }
0x45: {  	[tilespmem:s8+$0x630] =	vst v0  }
0x46: {  	[tilespmem:s8+$0x640] =	vst v0  }
0x47: {  	[tilespmem:s8+$0x650] =	vst v0  }
0x48: {  	[tilespmem:s8+$0x660] =	vst v0  }
0x49: {  	[tilespmem:s8+$0x670] =	vst v0  }
0x4a: {  	[tilespmem:s8+$0xA00] =	vst v0  }
0x4b: {  	[tilespmem:s8+$0xA10] =	vst v0  }
0x4c: {  	[tilespmem:s8+$0xA20] =	vst v0  }
0x4d: {  	[tilespmem:s8+$0xA30] =	vst v0  }
0x4e: {  	[tilespmem:s8+$0xA40] =	vst v0  }
0x4f: {  	[tilespmem:s8+$0xA50] =	vst v0  }
0x50: {  	[tilespmem:s8+$0xA60] =	vst v0  }
0x51: {  	[tilespmem:s8+$0xA70] =	vst v0  }
0x52: {  	[tilespmem:s8+$0xE00] =	vst v0  }
.Ltmp0:
0x53: {  	[tilespmem:s8+$0xE10] =	vst v0;
	(pc) =	sbr.rel @p0 .LBB2_2-.Ltmp0, $4  }
0x54: {  	[tilespmem:s8+$0xE20] =	vst v0  }
0x55: {  	[tilespmem:s8+$0xE30] =	vst v0  }
0x56: {  	s9 =	sadd.s32 $0x80, s9;
	[tilespmem:s8+$0xE40] =	vst v0  }
0x57: {  	s11 =	sand.u32 $0x7000, s10;
	s10 =	sadd.s32 $0x200, s10;
	s12 =	sand.u32 $0x380, s9;
	[tilespmem:s8+$0xE50] =	vst v0  }
0x58: {  	s9 =	sor.u32 s12, s11;
	[tilespmem:s8+$0xE60] =	vst v0  }
0x59: {  	[tilespmem:s9+$0xE70] =	vst v0  }
0x5a: {  	[tilespmem:s9+$0x200] =	vst v0  }
0x5b: {  	[tilespmem:s9+$0x210] =	vst v0  }
0x5c: {  	[tilespmem:s9+$0x220] =	vst v0  }
0x5d: {  	[tilespmem:s9+$0x230] =	vst v0  }
0x5e: {  	[tilespmem:s9+$0x240] =	vst v0  }
0x5f: {  	[tilespmem:s9+$0x250] =	vst v0  }
0x60: {  	[tilespmem:s9+$0x260] =	vst v0  }
0x61: {  	[tilespmem:s9+$0x270] =	vst v0  }
0x62: {  	[tilespmem:s9+$0x600] =	vst v0  }
0x63: {  	[tilespmem:s9+$0x610] =	vst v0  }
0x64: {  	[tilespmem:s9+$0x620] =	vst v0  }
0x65: {  	[tilespmem:s9+$0x630] =	vst v0  }
0x66: {  	[tilespmem:s9+$0x640] =	vst v0  }
0x67: {  	[tilespmem:s9+$0x650] =	vst v0  }
0x68: {  	[tilespmem:s9+$0x660] =	vst v0  }
0x69: {  	[tilespmem:s9+$0x670] =	vst v0  }
0x6a: {  	[tilespmem:s9+$0xA00] =	vst v0  }
0x6b: {  	[tilespmem:s9+$0xA10] =	vst v0  }
0x6c: {  	[tilespmem:s9+$0xA20] =	vst v0  }
0x6d: {  	[tilespmem:s9+$0xA30] =	vst v0  }
0x6e: {  	[tilespmem:s9+$0xA40] =	vst v0  }
0x6f: {  	[tilespmem:s9+$0xA50] =	vst v0  }
0x70: {  	[tilespmem:s9+$0xA60] =	vst v0  }
0x71: {  	[tilespmem:s9+$0xA70] =	vst v0  }
0x72: {  	[tilespmem:s9+$0xE00] =	vst v0  }
0x73: {  	[tilespmem:s9+$0xE10] =	vst v0  }
0x74: {  	[tilespmem:s9+$0xE20] =	vst v0  }
0x75: {  	[tilespmem:s9+$0xE30] =	vst v0  }
0x76: {  	s11 =	simm.s32 $0x0;
	[tilespmem:s9+$0xE40] =	vst v0  }
0x77: {  	[tilespmem:s9+$0xE50] =	vst v0;
	s10 =	sand.u32 $0x7000, s11;
	s8 =	sand.u32 $0x380, s11  }
0x78: {  	[tilespmem:s9+$0xE60] =	vst v0;
	s8 =	sor.u32 s8, s10  }
0x79: {  	[tilespmem:s8+$0x5E70] =	vst v0  }
0x7a: {  	[tilespmem:s8+$0x5200] =	vst v0  }
0x7b: {  	[tilespmem:s8+$0x5210] =	vst v0  }
0x7c: {  	[tilespmem:s8+$0x5220] =	vst v0  }
0x7d: {  	[tilespmem:s8+$0x5230] =	vst v0  }
0x7e: {  	[tilespmem:s8+$0x5240] =	vst v0  }
0x7f: {  	[tilespmem:s8+$0x5250] =	vst v0  }
0x80: {  	[tilespmem:s8+$0x5260] =	vst v0  }
0x81: {  	[tilespmem:s8+$0x5270] =	vst v0  }
0x82: {  	[tilespmem:s8+$0x5600] =	vst v0  }
0x83: {  	[tilespmem:s8+$0x5610] =	vst v0  }
0x84: {  	[tilespmem:s8+$0x5620] =	vst v0  }
0x85: {  	[tilespmem:s8+$0x5630] =	vst v0  }
0x86: {  	[tilespmem:s8+$0x5640] =	vst v0  }
0x87: {  	[tilespmem:s8+$0x5650] =	vst v0  }
0x88: {  	[tilespmem:s8+$0x5660] =	vst v0  }
0x89: {  	[tilespmem:s8+$0x5670] =	vst v0  }
0x8a: {  	[tilespmem:s8+$0x5A00] =	vst v0  }
0x8b: {  	[tilespmem:s8+$0x5A10] =	vst v0  }
0x8c: {  	[tilespmem:s8+$0x5A20] =	vst v0  }
0x8d: {  	[tilespmem:s8+$0x5A30] =	vst v0  }
0x8e: {  	[tilespmem:s8+$0x5A40] =	vst v0  }
0x8f: {  	[tilespmem:s8+$0x5A50] =	vst v0  }
0x90: {  	[tilespmem:s8+$0x5A60] =	vst v0  }
0x91: {  	[tilespmem:s8+$0x5A70] =	vst v0  }
0x92: {  	[tilespmem:s8+$0x5E00] =	vst v0  }
0x93: {  	[tilespmem:s8+$0x5E10] =	vst v0  }
0x94: {  	[tilespmem:s8+$0x5E20] =	vst v0  }
0x95: {  	[tilespmem:s8+$0x5E30] =	vst v0  }
0x96: {  	s12 =	simm.s32 $0x200;
	s9 =	simm.s32 $0x80;
	[tilespmem:s8+$0x5E40] =	vst v0  }
0x97: {  	s11 =	sand.u32 $0x7000, s12;
	s12 =	sand.u32 $0x380, s9;
	s10 =	simm.s32 $0x400;
	[tilespmem:s8+$0x5E50] =	vst v0  }
.LBB2_4:
0x98: {  	p0 =	sne.s32 s10, $0x4E00;
	[tilespmem:s8+$0x5E60] =	vst v0;
	s8 =	sor.u32 s12, s11  }
0x99: {  	[tilespmem:s8+$0x5E70] =	vst v0  }
0x9a: {  	[tilespmem:s8+$0x5200] =	vst v0  }
0x9b: {  	[tilespmem:s8+$0x5210] =	vst v0  }
0x9c: {  	[tilespmem:s8+$0x5220] =	vst v0  }
0x9d: {  	[tilespmem:s8+$0x5230] =	vst v0  }
0x9e: {  	[tilespmem:s8+$0x5240] =	vst v0  }
0x9f: {  	[tilespmem:s8+$0x5250] =	vst v0  }
0xa0: {  	[tilespmem:s8+$0x5260] =	vst v0  }
0xa1: {  	[tilespmem:s8+$0x5270] =	vst v0  }
0xa2: {  	[tilespmem:s8+$0x5600] =	vst v0  }
0xa3: {  	[tilespmem:s8+$0x5610] =	vst v0  }
0xa4: {  	[tilespmem:s8+$0x5620] =	vst v0  }
0xa5: {  	[tilespmem:s8+$0x5630] =	vst v0  }
0xa6: {  	[tilespmem:s8+$0x5640] =	vst v0  }
0xa7: {  	[tilespmem:s8+$0x5650] =	vst v0  }
0xa8: {  	[tilespmem:s8+$0x5660] =	vst v0  }
0xa9: {  	[tilespmem:s8+$0x5670] =	vst v0  }
0xaa: {  	[tilespmem:s8+$0x5A00] =	vst v0  }
0xab: {  	[tilespmem:s8+$0x5A10] =	vst v0  }
0xac: {  	[tilespmem:s8+$0x5A20] =	vst v0  }
0xad: {  	[tilespmem:s8+$0x5A30] =	vst v0  }
0xae: {  	[tilespmem:s8+$0x5A40] =	vst v0  }
0xaf: {  	[tilespmem:s8+$0x5A50] =	vst v0  }
0xb0: {  	[tilespmem:s8+$0x5A60] =	vst v0  }
0xb1: {  	[tilespmem:s8+$0x5A70] =	vst v0  }
0xb2: {  	[tilespmem:s8+$0x5E00] =	vst v0  }
.Ltmp1:
0xb3: {  	[tilespmem:s8+$0x5E10] =	vst v0;
	(pc) =	sbr.rel @p0 .LBB2_4-.Ltmp1, $4  }
0xb4: {  	[tilespmem:s8+$0x5E20] =	vst v0  }
0xb5: {  	[tilespmem:s8+$0x5E30] =	vst v0  }
0xb6: {  	s9 =	sadd.s32 $0x80, s9;
	[tilespmem:s8+$0x5E40] =	vst v0  }
0xb7: {  	s11 =	sand.u32 $0x7000, s10;
	s10 =	sadd.s32 $0x200, s10;
	s12 =	sand.u32 $0x380, s9;
	[tilespmem:s8+$0x5E50] =	vst v0  }
0xb8: {  	s9 =	sor.u32 s12, s11;
	[tilespmem:s8+$0x5E60] =	vst v0  }
0xb9: {  	[tilespmem:s9+$0x5E70] =	vst v0  }
0xba: {  	[tilespmem:s9+$0x5200] =	vst v0  }
0xbb: {  	[tilespmem:s9+$0x5210] =	vst v0  }
0xbc: {  	[tilespmem:s9+$0x5220] =	vst v0  }
0xbd: {  	[tilespmem:s9+$0x5230] =	vst v0  }
0xbe: {  	[tilespmem:s9+$0x5240] =	vst v0  }
0xbf: {  	[tilespmem:s9+$0x5250] =	vst v0  }
0xc0: {  	[tilespmem:s9+$0x5260] =	vst v0  }
0xc1: {  	[tilespmem:s9+$0x5270] =	vst v0  }
0xc2: {  	[tilespmem:s9+$0x5600] =	vst v0  }
0xc3: {  	[tilespmem:s9+$0x5610] =	vst v0  }
0xc4: {  	[tilespmem:s9+$0x5620] =	vst v0  }
0xc5: {  	[tilespmem:s9+$0x5630] =	vst v0  }
0xc6: {  	[tilespmem:s9+$0x5640] =	vst v0  }
0xc7: {  	[tilespmem:s9+$0x5650] =	vst v0  }
0xc8: {  	[tilespmem:s9+$0x5660] =	vst v0  }
0xc9: {  	[tilespmem:s9+$0x5670] =	vst v0  }
0xca: {  	[tilespmem:s9+$0x5A00] =	vst v0  }
0xcb: {  	[tilespmem:s9+$0x5A10] =	vst v0  }
0xcc: {  	[tilespmem:s9+$0x5A20] =	vst v0  }
0xcd: {  	[tilespmem:s9+$0x5A30] =	vst v0  }
0xce: {  	[tilespmem:s9+$0x5A40] =	vst v0  }
0xcf: {  	[tilespmem:s9+$0x5A50] =	vst v0  }
0xd0: {  	[tilespmem:s9+$0x5A60] =	vst v0  }
0xd1: {  	[tilespmem:s9+$0x5A70] =	vst v0  }
0xd2: {  	[tilespmem:s9+$0x5E00] =	vst v0  }
0xd3: {  	[tilespmem:s9+$0x5E10] =	vst v0  }
0xd4: {  	[tilespmem:s9+$0x5E20] =	vst v0  }
0xd5: {  	[tilespmem:s9+$0x5E30] =	vst v0  }
0xd6: {  	[tilespmem:s9+$0x5E40] =	vst v0  }
0xd7: {  	[tilespmem:s9+$0x5E50] =	vst v0  }
0xd8: {  	s8 =	simm.s32 $0x0;
	s12 =	rddreg [dreg:$0x3];
	[tilespmem:s9+$0x5E60] =	vst v0  }
0xd9: {  	[tilespmem:s8], [sflag:$0x3] =	stream.linear.gather [hbm4b:s12+s8], $0x200, $0x38;
	[tilespmem:$0xA200] =	vst v63  }
0xda: {  	_ =	swait.ge [sflag:s31], $0x200  }
0xdb: {  	[sflag:s31] =	ssyncset.done $0x0  }
0xdc: {  	[sflag:s31] =	ssyncadd.s32 $0xFFFFFE00  }
0xdd: {  	s10 =	simm.s32 $0x0;
	s9 =	simm.s32 $0x10;
	v3 =	vld [tilespmem:s8+$0x0]  }
.LBB2_6:
0xde: {  	p0 =	sne.s32 s9, $0x1F0;
	_ =	sdelay $0x1  }
0xdf: {  	v4 =	vmov s8  }
0xe0: {  	v5 =	vor.u32 s8, v1;
	s8 =	smov.u32 s9;
	v4 =	vshll.u32 v4, $0x3  }
0xe1: {  	v5 =	vand.u32 $0x7F, v5;
	v4 =	vand.u32 $0xC00, v4;
	v6 =	vshll.u32 v3, $0x9  }
0xe2: {  	v4 =	vor.u32 v4, v5;
	v7 =	vshll.u32 v3, $0x7;
	v6 =	vand.u32 $0xFFFFF000, v6  }
0xe3: {  	vm0 =	vlt.u32 v3, $0x28;
	v3 =	vand.u32 $0x380, v7;
	v4 =	vor.u32 v6, v4  }
0xe4: {  	v3 =	vor.u32 v3, v4;
	_ =	sdelay $0x1  }
.Ltmp2:
0xe5: {  	(pc) =	sbr.rel @p0 .LBB2_6-.Ltmp2, $3  }
0xe6: {  	_ =	sdelay $0x1  }
0xe7: {  	s10 =	sadd.s32 $0x10, s10;
	[tilespmem:v3+s0+$0x0] =	vst.idx.msk vm0, v2  }
0xe8: {  	s9 =	sadd.s32 $0x10, s9;
	v3 =	vld [tilespmem:s10+$0x0]  }
0xe9: {  	_ =	sdelay $0x1  }
0xea: {  	v4 =	vmov s8  }
0xeb: {  	v5 =	vor.u32 s8, v1;
	v4 =	vshll.u32 v4, $0x3  }
0xec: {  	v5 =	vand.u32 $0x7F, v5;
	v4 =	vand.u32 $0xC00, v4;
	v6 =	vshll.u32 v3, $0x9  }
0xed: {  	v4 =	vor.u32 v4, v5;
	v7 =	vshll.u32 v3, $0x7;
	v6 =	vand.u32 $0xFFFFF000, v6  }
0xee: {  	vm0 =	vlt.u32 v3, $0x28;
	v3 =	vand.u32 $0x380, v7;
	v4 =	vor.u32 v6, v4  }
0xef: {  	v3 =	vor.u32 v3, v4;
	_ =	sdelay $0x4  }
0xf0: {  	s8 =	simm.s32 $0x0;
	[tilespmem:v3+s0+$0x0] =	vst.idx.msk vm0, v2  }
0xf1: {  	[hbm4b:s4+s1] =	stream.strided.scatter [tilespmem:s0], [sflag:$0x1], $0x5000, s2, s1, $0x38;
	[tilespmem:$0xA200] =	vst v63  }
0xf2: {  	s9 =	simm.s32 $0x10;
	s10 =	simm.s32 $0x0;
	v3 =	vld [tilespmem:s8+$0x0]  }
.LBB2_8:
0xf3: {  	p0 =	sne.s32 s9, $0x1F0;
	_ =	sdelay $0x2  }
0xf4: {  	v4 =	vmov s8  }
0xf5: {  	v4 =	vshll.u32 v4, $0x3;
	v5 =	vshll.u32 v3, $0x9  }
0xf6: {  	v4 =	vand.u32 $0xC00, v4;
	v6 =	vshll.u32 v3, $0x7;
	v5 =	vand.u32 $0xFFFFF000, v5  }
0xf7: {  	v7 =	vor.u32 s8, v1;
	s8 =	smov.u32 s9;
	v4 =	vor.u32 v4, v5;
	v5 =	vand.u32 $0x380, v6  }
0xf8: {  	v3 =	vadd.s32 $0xFFFFFFD8, v3;
	v6 =	vand.u32 $0x7F, v7;
	v4 =	vor.u32 v5, v4  }
0xf9: {  	vm0 =	vlt.u32 v3, $0x28;
	v3 =	vor.u32 v6, v4  }
0xfa: {  	v3 =	vadd.s32 $0xFFFFB000, v3;
	_ =	sdelay $0x1  }
.Ltmp3:
0xfb: {  	(pc) =	sbr.rel @p0 .LBB2_8-.Ltmp3, $3  }
0xfc: {  	_ =	sdelay $0x1  }
0xfd: {  	s10 =	sadd.s32 $0x10, s10;
	[tilespmem:v3+s3+$0x0] =	vst.idx.msk vm0, v2  }
0xfe: {  	s9 =	sadd.s32 $0x10, s9;
	v3 =	vld [tilespmem:s10+$0x0]  }
0xff: {  	_ =	sdelay $0x2  }
0x100: {  	v4 =	vmov s8  }
0x101: {  	v4 =	vshll.u32 v4, $0x3;
	v5 =	vshll.u32 v3, $0x9  }
0x102: {  	v4 =	vand.u32 $0xC00, v4;
	v6 =	vshll.u32 v3, $0x7;
	v5 =	vand.u32 $0xFFFFF000, v5  }
0x103: {  	v7 =	vor.u32 s8, v1;
	v4 =	vor.u32 v4, v5;
	v5 =	vand.u32 $0x380, v6  }
0x104: {  	v63 =	vand.u32 $0x7F, v7;
	v3 =	vadd.s32 $0xFFFFFFD8, v3;
	v4 =	vor.u32 v5, v4  }
0x105: {  	vm0 =	vlt.u32 v3, $0x28;
	v3 =	vor.u32 v63, v4  }
0x106: {  	v3 =	vadd.s32 $0xFFFFB000, v3;
	_ =	sdelay $0x4  }
0x107: {  	s12 =	rddreg [dreg:$0x4];
	[tilespmem:v3+s3+$0x0] =	vst.idx.msk vm0, v2  }
0x108: {  	[hbm4b:s12+s1] =	stream.strided.scatter [tilespmem:s3], [sflag:$0x2], $0x5000, s2, s1, $0x38;
	[tilespmem:$0xA200] =	vst v63  }
0x109: {  	_ =	swait.ge [sflag:s5], $0x5000  }
0x10a: {  	[sflag:s5] =	ssyncset.done $0x0  }
0x10b: {  	s8 =	simm.s32 $0x0;
	[sflag:s5] =	ssyncadd.s32 $0xFFFFB000  }
0x10c: {  	s9 =	simm.s32 $0x10;
	s10 =	simm.s32 $0x0;
	s11 =	simm.s32 $0x0;
	v3 =	vld [tilespmem:s8+$0x0]  }
.LBB2_10:
0x10d: {  	p0 =	sne.s32 s9, $0x1F0;
	_ =	sdelay $0x1  }
0x10e: {  	v4 =	vmov s10  }
0x10f: {  	v5 =	vor.u32 s10, v1;
	s10 =	smov.u32 s9;
	v4 =	vshll.u32 v4, $0x3  }
0x110: {  	v5 =	vand.u32 $0x7F, v5;
	v4 =	vand.u32 $0xC00, v4;
	v6 =	vshll.u32 v3, $0x9  }
0x111: {  	v4 =	vor.u32 v4, v5;
	v7 =	vshll.u32 v3, $0x7;
	v6 =	vand.u32 $0xFFFFF000, v6  }
0x112: {  	vm0 =	vlt.u32 v3, $0x28;
	v3 =	vand.u32 $0x380, v7;
	v4 =	vor.u32 v6, v4  }
0x113: {  	v3 =	vor.u32 v3, v4;
	_ =	sdelay $0x1  }
.Ltmp4:
0x114: {  	(pc) =	sbr.rel @p0 .LBB2_10-.Ltmp4, $3  }
0x115: {  	_ =	sdelay $0x1  }
0x116: {  	s11 =	sadd.s32 $0x10, s11;
	[tilespmem:v3+s0+$0x0] =	vst.idx.msk vm0, v0  }
0x117: {  	s9 =	sadd.s32 $0x10, s9;
	v3 =	vld [tilespmem:s11+$0x0]  }
0x118: {  	_ =	sdelay $0x1  }
0x119: {  	v4 =	vmov s10  }
0x11a: {  	v5 =	vor.u32 s10, v1;
	v4 =	vshll.u32 v4, $0x3  }
0x11b: {  	v5 =	vand.u32 $0x7F, v5;
	v4 =	vand.u32 $0xC00, v4;
	v6 =	vshll.u32 v3, $0x9  }
0x11c: {  	v4 =	vor.u32 v4, v5;
	v7 =	vshll.u32 v3, $0x7;
	v6 =	vand.u32 $0xFFFFF000, v6  }
0x11d: {  	vm0 =	vlt.u32 v3, $0x28;
	v3 =	vand.u32 $0x380, v7;
	v4 =	vor.u32 v6, v4  }
0x11e: {  	v3 =	vor.u32 v3, v4;
	_ =	sdelay $0x4  }
0x11f: {  	[tilespmem:v3+s0+$0x0] =	vst.idx.msk vm0, v0  }
0x120: {  	s9 =	simm.s32 $0x10;
	s10 =	simm.s32 $0x0;
	v3 =	vld [tilespmem:s8+$0x0]  }
.LBB2_12:
0x121: {  	p0 =	sne.s32 s9, $0x1F0;
	_ =	sdelay $0x2  }
0x122: {  	v4 =	vmov s8  }
0x123: {  	v4 =	vshll.u32 v4, $0x3;
	v5 =	vshll.u32 v3, $0x9  }
0x124: {  	v4 =	vand.u32 $0xC00, v4;
	v6 =	vshll.u32 v3, $0x7;
	v5 =	vand.u32 $0xFFFFF000, v5  }
0x125: {  	v7 =	vor.u32 s8, v1;
	s8 =	smov.u32 s9;
	v4 =	vor.u32 v4, v5;
	v5 =	vand.u32 $0x380, v6  }
0x126: {  	v3 =	vadd.s32 $0xFFFFFFB0, v3;
	v6 =	vand.u32 $0x7F, v7;
	v4 =	vor.u32 v5, v4  }
0x127: {  	vm0 =	vlt.u32 v3, $0x28;
	v3 =	vor.u32 v6, v4  }
0x128: {  	v3 =	vadd.s32 $0xFFFF6000, v3;
	_ =	sdelay $0x1  }
.Ltmp5:
0x129: {  	(pc) =	sbr.rel @p0 .LBB2_12-.Ltmp5, $3  }
0x12a: {  	_ =	sdelay $0x1  }
0x12b: {  	s10 =	sadd.s32 $0x10, s10;
	[tilespmem:v3+s0+$0x0] =	vst.idx.msk vm0, v2  }
0x12c: {  	s9 =	sadd.s32 $0x10, s9;
	v3 =	vld [tilespmem:s10+$0x0]  }
0x12d: {  	_ =	sdelay $0x2  }
0x12e: {  	v4 =	vmov s8  }
0x12f: {  	v4 =	vshll.u32 v4, $0x3;
	v5 =	vshll.u32 v3, $0x9  }
0x130: {  	v4 =	vand.u32 $0xC00, v4;
	v6 =	vshll.u32 v3, $0x7;
	v5 =	vand.u32 $0xFFFFF000, v5  }
0x131: {  	v7 =	vor.u32 s8, v1;
	v4 =	vor.u32 v4, v5;
	v5 =	vand.u32 $0x380, v6  }
0x132: {  	v63 =	vand.u32 $0x7F, v7;
	v3 =	vadd.s32 $0xFFFFFFB0, v3;
	v4 =	vor.u32 v5, v4  }
0x133: {  	vm0 =	vlt.u32 v3, $0x28;
	v3 =	vor.u32 v63, v4  }
0x134: {  	v3 =	vadd.s32 $0xFFFF6000, v3;
	_ =	sdelay $0x4  }
0x135: {  	s12 =	rddreg [dreg:$0x5];
	[tilespmem:v3+s0+$0x0] =	vst.idx.msk vm0, v2  }
0x136: {  	[hbm4b:s12+s1] =	stream.strided.scatter [tilespmem:s0], [sflag:$0x1], $0x5000, s2, s1, $0x38;
	[tilespmem:$0xA200] =	vst v63  }
0x137: {  	_ =	swait.ge [sflag:s6], $0x5000  }
0x138: {  	[sflag:s6] =	ssyncset.done $0x0  }
0x139: {  	s8 =	simm.s32 $0x0;
	[sflag:s6] =	ssyncadd.s32 $0xFFFFB000  }
0x13a: {  	s10 =	simm.s32 $0x10;
	s9 =	simm.s32 $0x0;
	s11 =	simm.s32 $0x0;
	v3 =	vld [tilespmem:s8+$0x0]  }
.LBB2_14:
0x13b: {  	p0 =	sne.s32 s10, $0x1F0;
	_ =	sdelay $0x2  }
0x13c: {  	v4 =	vmov s9  }
0x13d: {  	v4 =	vshll.u32 v4, $0x3;
	v5 =	vshll.u32 v3, $0x9  }
0x13e: {  	v4 =	vand.u32 $0xC00, v4;
	v6 =	vshll.u32 v3, $0x7;
	v5 =	vand.u32 $0xFFFFF000, v5  }
0x13f: {  	v7 =	vor.u32 s9, v1;
	s9 =	smov.u32 s10;
	v4 =	vor.u32 v4, v5;
	v5 =	vand.u32 $0x380, v6  }
0x140: {  	v3 =	vadd.s32 $0xFFFFFFD8, v3;
	v6 =	vand.u32 $0x7F, v7;
	v4 =	vor.u32 v5, v4  }
0x141: {  	vm0 =	vlt.u32 v3, $0x28;
	v3 =	vor.u32 v6, v4  }
0x142: {  	v3 =	vadd.s32 $0xFFFFB000, v3;
	_ =	sdelay $0x1  }
.Ltmp6:
0x143: {  	(pc) =	sbr.rel @p0 .LBB2_14-.Ltmp6, $3  }
0x144: {  	_ =	sdelay $0x1  }
0x145: {  	s11 =	sadd.s32 $0x10, s11;
	[tilespmem:v3+s3+$0x0] =	vst.idx.msk vm0, v0  }
0x146: {  	s10 =	sadd.s32 $0x10, s10;
	v3 =	vld [tilespmem:s11+$0x0]  }
0x147: {  	_ =	sdelay $0x2  }
0x148: {  	v4 =	vmov s9  }
0x149: {  	v4 =	vshll.u32 v4, $0x3;
	v5 =	vshll.u32 v3, $0x9  }
0x14a: {  	v4 =	vand.u32 $0xC00, v4;
	v6 =	vshll.u32 v3, $0x7;
	v5 =	vand.u32 $0xFFFFF000, v5  }
0x14b: {  	v7 =	vor.u32 s9, v1;
	v4 =	vor.u32 v4, v5;
	v5 =	vand.u32 $0x380, v6  }
0x14c: {  	v63 =	vand.u32 $0x7F, v7;
	v3 =	vadd.s32 $0xFFFFFFD8, v3;
	v4 =	vor.u32 v5, v4  }
0x14d: {  	vm0 =	vlt.u32 v3, $0x28;
	v3 =	vor.u32 v63, v4  }
0x14e: {  	v3 =	vadd.s32 $0xFFFFB000, v3;
	_ =	sdelay $0x4  }
0x14f: {  	[tilespmem:v3+s3+$0x0] =	vst.idx.msk vm0, v0  }
0x150: {  	s9 =	simm.s32 $0x10;
	s10 =	simm.s32 $0x0;
	v3 =	vld [tilespmem:s8+$0x0]  }
.LBB2_16:
0x151: {  	p0 =	sne.s32 s9, $0x1F0;
	_ =	sdelay $0x2  }
0x152: {  	v4 =	vmov s8  }
0x153: {  	v4 =	vshll.u32 v4, $0x3;
	v5 =	vshll.u32 v3, $0x9  }
0x154: {  	v4 =	vand.u32 $0xC00, v4;
	v6 =	vshll.u32 v3, $0x7;
	v5 =	vand.u32 $0xFFFFF000, v5  }
0x155: {  	v7 =	vor.u32 s8, v1;
	s8 =	smov.u32 s9;
	v4 =	vor.u32 v4, v5;
	v5 =	vand.u32 $0x380, v6  }
0x156: {  	v3 =	vadd.s32 $0xFFFFFF88, v3;
	v6 =	vand.u32 $0x7F, v7;
	v4 =	vor.u32 v5, v4  }
0x157: {  	vm0 =	vlt.u32 v3, $0x28;
	v3 =	vor.u32 v6, v4  }
0x158: {  	v3 =	vadd.s32 $0xFFFF1000, v3;
	_ =	sdelay $0x1  }
.Ltmp7:
0x159: {  	(pc) =	sbr.rel @p0 .LBB2_16-.Ltmp7, $3  }
0x15a: {  	_ =	sdelay $0x1  }
0x15b: {  	s10 =	sadd.s32 $0x10, s10;
	[tilespmem:v3+s3+$0x0] =	vst.idx.msk vm0, v2  }
0x15c: {  	s9 =	sadd.s32 $0x10, s9;
	v3 =	vld [tilespmem:s10+$0x0]  }
0x15d: {  	_ =	sdelay $0x2  }
0x15e: {  	v4 =	vmov s8  }
0x15f: {  	v4 =	vshll.u32 v4, $0x3;
	v5 =	vshll.u32 v3, $0x9  }
0x160: {  	v4 =	vand.u32 $0xC00, v4;
	v6 =	vshll.u32 v3, $0x7;
	v5 =	vand.u32 $0xFFFFF000, v5  }
0x161: {  	v7 =	vor.u32 s8, v1;
	v4 =	vor.u32 v4, v5;
	v5 =	vand.u32 $0x380, v6  }
0x162: {  	v63 =	vand.u32 $0x7F, v7;
	v3 =	vadd.s32 $0xFFFFFF88, v3;
	v4 =	vor.u32 v5, v4  }
0x163: {  	vm0 =	vlt.u32 v3, $0x28;
	v3 =	vor.u32 v63, v4  }
0x164: {  	v3 =	vadd.s32 $0xFFFF1000, v3;
	_ =	sdelay $0x4  }
0x165: {  	s12 =	rddreg [dreg:$0x6];
	[tilespmem:v3+s3+$0x0] =	vst.idx.msk vm0, v2  }
0x166: {  	[hbm4b:s12+s1] =	stream.strided.scatter [tilespmem:s3], [sflag:$0x2], $0x5000, s2, s1, $0x38;
	[tilespmem:$0xA200] =	vst v63  }
0x167: {  	_ =	swait.ge [sflag:s5], $0x5000  }
0x168: {  	[sflag:s5] =	ssyncset.done $0x0  }
0x169: {  	s8 =	simm.s32 $0x0;
	[sflag:s5] =	ssyncadd.s32 $0xFFFFB000  }
0x16a: {  	s10 =	simm.s32 $0x10;
	s9 =	simm.s32 $0x0;
	s11 =	simm.s32 $0x0;
	v3 =	vld [tilespmem:s8+$0x0]  }
.LBB2_18:
0x16b: {  	p0 =	sne.s32 s10, $0x1F0;
	_ =	sdelay $0x2  }
0x16c: {  	v4 =	vmov s9  }
0x16d: {  	v4 =	vshll.u32 v4, $0x3;
	v5 =	vshll.u32 v3, $0x9  }
0x16e: {  	v4 =	vand.u32 $0xC00, v4;
	v6 =	vshll.u32 v3, $0x7;
	v5 =	vand.u32 $0xFFFFF000, v5  }
0x16f: {  	v7 =	vor.u32 s9, v1;
	s9 =	smov.u32 s10;
	v4 =	vor.u32 v4, v5;
	v5 =	vand.u32 $0x380, v6  }
0x170: {  	v3 =	vadd.s32 $0xFFFFFFB0, v3;
	v6 =	vand.u32 $0x7F, v7;
	v4 =	vor.u32 v5, v4  }
0x171: {  	vm0 =	vlt.u32 v3, $0x28;
	v3 =	vor.u32 v6, v4  }
0x172: {  	v3 =	vadd.s32 $0xFFFF6000, v3;
	_ =	sdelay $0x1  }
.Ltmp8:
0x173: {  	(pc) =	sbr.rel @p0 .LBB2_18-.Ltmp8, $3  }
0x174: {  	_ =	sdelay $0x1  }
0x175: {  	s11 =	sadd.s32 $0x10, s11;
	[tilespmem:v3+s0+$0x0] =	vst.idx.msk vm0, v0  }
0x176: {  	s10 =	sadd.s32 $0x10, s10;
	v3 =	vld [tilespmem:s11+$0x0]  }
0x177: {  	_ =	sdelay $0x2  }
0x178: {  	v4 =	vmov s9  }
0x179: {  	v4 =	vshll.u32 v4, $0x3;
	v5 =	vshll.u32 v3, $0x9  }
0x17a: {  	v4 =	vand.u32 $0xC00, v4;
	v6 =	vshll.u32 v3, $0x7;
	v5 =	vand.u32 $0xFFFFF000, v5  }
0x17b: {  	v7 =	vor.u32 s9, v1;
	v4 =	vor.u32 v4, v5;
	v5 =	vand.u32 $0x380, v6  }
0x17c: {  	v63 =	vand.u32 $0x7F, v7;
	v3 =	vadd.s32 $0xFFFFFFB0, v3;
	v4 =	vor.u32 v5, v4  }
0x17d: {  	vm0 =	vlt.u32 v3, $0x28;
	v3 =	vor.u32 v63, v4  }
0x17e: {  	v3 =	vadd.s32 $0xFFFF6000, v3;
	_ =	sdelay $0x4  }
0x17f: {  	[tilespmem:v3+s0+$0x0] =	vst.idx.msk vm0, v0  }
0x180: {  	s9 =	simm.s32 $0x10;
	s10 =	simm.s32 $0x0;
	v3 =	vld [tilespmem:s8+$0x0]  }
.LBB2_20:
0x181: {  	p0 =	sne.s32 s9, $0x1F0;
	_ =	sdelay $0x2  }
0x182: {  	v4 =	vmov s8  }
0x183: {  	v4 =	vshll.u32 v4, $0x3;
	v5 =	vshll.u32 v3, $0x9  }
0x184: {  	v4 =	vand.u32 $0xC00, v4;
	v6 =	vshll.u32 v3, $0x7;
	v5 =	vand.u32 $0xFFFFF000, v5  }
0x185: {  	v7 =	vor.u32 s8, v1;
	s8 =	smov.u32 s9;
	v4 =	vor.u32 v4, v5;
	v5 =	vand.u32 $0x380, v6  }
0x186: {  	v3 =	vadd.s32 $0xFFFFFF60, v3;
	v6 =	vand.u32 $0x7F, v7;
	v4 =	vor.u32 v5, v4  }
0x187: {  	vm0 =	vlt.u32 v3, $0x28;
	v3 =	vor.u32 v6, v4  }
0x188: {  	v3 =	vadd.s32 $0xFFFEC000, v3;
	_ =	sdelay $0x1  }
.Ltmp9:
0x189: {  	(pc) =	sbr.rel @p0 .LBB2_20-.Ltmp9, $3  }
0x18a: {  	_ =	sdelay $0x1  }
0x18b: {  	s10 =	sadd.s32 $0x10, s10;
	[tilespmem:v3+s0+$0x0] =	vst.idx.msk vm0, v2  }
0x18c: {  	s9 =	sadd.s32 $0x10, s9;
	v3 =	vld [tilespmem:s10+$0x0]  }
0x18d: {  	_ =	sdelay $0x2  }
0x18e: {  	v4 =	vmov s8  }
0x18f: {  	v4 =	vshll.u32 v4, $0x3;
	v5 =	vshll.u32 v3, $0x9  }
0x190: {  	v4 =	vand.u32 $0xC00, v4;
	v6 =	vshll.u32 v3, $0x7;
	v5 =	vand.u32 $0xFFFFF000, v5  }
0x191: {  	v7 =	vor.u32 s8, v1;
	v4 =	vor.u32 v4, v5;
	v5 =	vand.u32 $0x380, v6  }
0x192: {  	v63 =	vand.u32 $0x7F, v7;
	v3 =	vadd.s32 $0xFFFFFF60, v3;
	v4 =	vor.u32 v5, v4  }
0x193: {  	vm0 =	vlt.u32 v3, $0x28;
	v3 =	vor.u32 v63, v4  }
0x194: {  	v3 =	vadd.s32 $0xFFFEC000, v3;
	_ =	sdelay $0x4  }
0x195: {  	s12 =	rddreg [dreg:$0x7];
	[tilespmem:v3+s0+$0x0] =	vst.idx.msk vm0, v2  }
0x196: {  	[hbm4b:s12+s1] =	stream.strided.scatter [tilespmem:s0], [sflag:$0x1], $0x5000, s2, s1, $0x38;
	[tilespmem:$0xA200] =	vst v63  }
0x197: {  	_ =	swait.ge [sflag:s6], $0x5000  }
0x198: {  	[sflag:s6] =	ssyncset.done $0x0  }
0x199: {  	s8 =	simm.s32 $0x0;
	[sflag:s6] =	ssyncadd.s32 $0xFFFFB000  }
0x19a: {  	s10 =	simm.s32 $0x10;
	s9 =	simm.s32 $0x0;
	s11 =	simm.s32 $0x0;
	v3 =	vld [tilespmem:s8+$0x0]  }
.LBB2_22:
0x19b: {  	p0 =	sne.s32 s10, $0x1F0;
	_ =	sdelay $0x2  }
0x19c: {  	v4 =	vmov s9  }
0x19d: {  	v4 =	vshll.u32 v4, $0x3;
	v5 =	vshll.u32 v3, $0x9  }
0x19e: {  	v4 =	vand.u32 $0xC00, v4;
	v6 =	vshll.u32 v3, $0x7;
	v5 =	vand.u32 $0xFFFFF000, v5  }
0x19f: {  	v7 =	vor.u32 s9, v1;
	s9 =	smov.u32 s10;
	v4 =	vor.u32 v4, v5;
	v5 =	vand.u32 $0x380, v6  }
0x1a0: {  	v3 =	vadd.s32 $0xFFFFFF88, v3;
	v6 =	vand.u32 $0x7F, v7;
	v4 =	vor.u32 v5, v4  }
0x1a1: {  	vm0 =	vlt.u32 v3, $0x28;
	v3 =	vor.u32 v6, v4  }
0x1a2: {  	v3 =	vadd.s32 $0xFFFF1000, v3;
	_ =	sdelay $0x1  }
.Ltmp10:
0x1a3: {  	(pc) =	sbr.rel @p0 .LBB2_22-.Ltmp10, $3  }
0x1a4: {  	_ =	sdelay $0x1  }
0x1a5: {  	s11 =	sadd.s32 $0x10, s11;
	[tilespmem:v3+s3+$0x0] =	vst.idx.msk vm0, v0  }
0x1a6: {  	s10 =	sadd.s32 $0x10, s10;
	v3 =	vld [tilespmem:s11+$0x0]  }
0x1a7: {  	_ =	sdelay $0x2  }
0x1a8: {  	v4 =	vmov s9  }
0x1a9: {  	v4 =	vshll.u32 v4, $0x3;
	v5 =	vshll.u32 v3, $0x9  }
0x1aa: {  	v4 =	vand.u32 $0xC00, v4;
	v6 =	vshll.u32 v3, $0x7;
	v5 =	vand.u32 $0xFFFFF000, v5  }
0x1ab: {  	v7 =	vor.u32 s9, v1;
	v4 =	vor.u32 v4, v5;
	v5 =	vand.u32 $0x380, v6  }
0x1ac: {  	v63 =	vand.u32 $0x7F, v7;
	v3 =	vadd.s32 $0xFFFFFF88, v3;
	v4 =	vor.u32 v5, v4  }
0x1ad: {  	vm0 =	vlt.u32 v3, $0x28;
	v3 =	vor.u32 v63, v4  }
0x1ae: {  	v3 =	vadd.s32 $0xFFFF1000, v3;
	_ =	sdelay $0x4  }
0x1af: {  	[tilespmem:v3+s3+$0x0] =	vst.idx.msk vm0, v0  }
0x1b0: {  	s9 =	simm.s32 $0x10;
	s10 =	simm.s32 $0x0;
	v3 =	vld [tilespmem:s8+$0x0]  }
.LBB2_24:
0x1b1: {  	p0 =	sne.s32 s9, $0x1F0;
	_ =	sdelay $0x2  }
0x1b2: {  	v4 =	vmov s8  }
0x1b3: {  	v4 =	vshll.u32 v4, $0x3;
	v5 =	vshll.u32 v3, $0x9  }
0x1b4: {  	v4 =	vand.u32 $0xC00, v4;
	v6 =	vshll.u32 v3, $0x7;
	v5 =	vand.u32 $0xFFFFF000, v5  }
0x1b5: {  	v7 =	vor.u32 s8, v1;
	s8 =	smov.u32 s9;
	v4 =	vor.u32 v4, v5;
	v5 =	vand.u32 $0x380, v6  }
0x1b6: {  	v3 =	vadd.s32 $0xFFFFFF38, v3;
	v6 =	vand.u32 $0x7F, v7;
	v4 =	vor.u32 v5, v4  }
0x1b7: {  	vm0 =	vlt.u32 v3, $0x28;
	v3 =	vor.u32 v6, v4  }
0x1b8: {  	v3 =	vadd.s32 $0xFFFE7000, v3;
	_ =	sdelay $0x1  }
.Ltmp11:
0x1b9: {  	(pc) =	sbr.rel @p0 .LBB2_24-.Ltmp11, $3  }
0x1ba: {  	_ =	sdelay $0x1  }
0x1bb: {  	s10 =	sadd.s32 $0x10, s10;
	[tilespmem:v3+s3+$0x0] =	vst.idx.msk vm0, v2  }
0x1bc: {  	s9 =	sadd.s32 $0x10, s9;
	v3 =	vld [tilespmem:s10+$0x0]  }
0x1bd: {  	_ =	sdelay $0x2  }
0x1be: {  	v4 =	vmov s8  }
0x1bf: {  	v4 =	vshll.u32 v4, $0x3;
	v5 =	vshll.u32 v3, $0x9  }
0x1c0: {  	v4 =	vand.u32 $0xC00, v4;
	v6 =	vshll.u32 v3, $0x7;
	v5 =	vand.u32 $0xFFFFF000, v5  }
0x1c1: {  	v7 =	vor.u32 s8, v1;
	v4 =	vor.u32 v4, v5;
	v5 =	vand.u32 $0x380, v6  }
0x1c2: {  	v63 =	vand.u32 $0x7F, v7;
	v3 =	vadd.s32 $0xFFFFFF38, v3;
	v4 =	vor.u32 v5, v4  }
0x1c3: {  	vm0 =	vlt.u32 v3, $0x28;
	v3 =	vor.u32 v63, v4  }
0x1c4: {  	v3 =	vadd.s32 $0xFFFE7000, v3;
	_ =	sdelay $0x4  }
0x1c5: {  	s12 =	rddreg [dreg:$0x8];
	[tilespmem:v3+s3+$0x0] =	vst.idx.msk vm0, v2  }
0x1c6: {  	[hbm4b:s12+s1] =	stream.strided.scatter [tilespmem:s3], [sflag:$0x2], $0x5000, s2, s1, $0x38;
	[tilespmem:$0xA200] =	vst v63  }
0x1c7: {  	_ =	swait.ge [sflag:s5], $0x5000  }
0x1c8: {  	[sflag:s5] =	ssyncset.done $0x0  }
0x1c9: {  	s8 =	simm.s32 $0x0;
	[sflag:s5] =	ssyncadd.s32 $0xFFFFB000  }
0x1ca: {  	s10 =	simm.s32 $0x10;
	s9 =	simm.s32 $0x0;
	s11 =	simm.s32 $0x0;
	v3 =	vld [tilespmem:s8+$0x0]  }
.LBB2_26:
0x1cb: {  	p0 =	sne.s32 s10, $0x1F0;
	_ =	sdelay $0x2  }
0x1cc: {  	v4 =	vmov s9  }
0x1cd: {  	v4 =	vshll.u32 v4, $0x3;
	v5 =	vshll.u32 v3, $0x9  }
0x1ce: {  	v4 =	vand.u32 $0xC00, v4;
	v6 =	vshll.u32 v3, $0x7;
	v5 =	vand.u32 $0xFFFFF000, v5  }
0x1cf: {  	v7 =	vor.u32 s9, v1;
	s9 =	smov.u32 s10;
	v4 =	vor.u32 v4, v5;
	v5 =	vand.u32 $0x380, v6  }
0x1d0: {  	v3 =	vadd.s32 $0xFFFFFF60, v3;
	v6 =	vand.u32 $0x7F, v7;
	v4 =	vor.u32 v5, v4  }
0x1d1: {  	vm0 =	vlt.u32 v3, $0x28;
	v3 =	vor.u32 v6, v4  }
0x1d2: {  	v3 =	vadd.s32 $0xFFFEC000, v3;
	_ =	sdelay $0x1  }
.Ltmp12:
0x1d3: {  	(pc) =	sbr.rel @p0 .LBB2_26-.Ltmp12, $3  }
0x1d4: {  	_ =	sdelay $0x1  }
0x1d5: {  	s11 =	sadd.s32 $0x10, s11;
	[tilespmem:v3+s0+$0x0] =	vst.idx.msk vm0, v0  }
0x1d6: {  	s10 =	sadd.s32 $0x10, s10;
	v3 =	vld [tilespmem:s11+$0x0]  }
0x1d7: {  	_ =	sdelay $0x2  }
0x1d8: {  	v4 =	vmov s9  }
0x1d9: {  	v4 =	vshll.u32 v4, $0x3;
	v5 =	vshll.u32 v3, $0x9  }
0x1da: {  	v4 =	vand.u32 $0xC00, v4;
	v6 =	vshll.u32 v3, $0x7;
	v5 =	vand.u32 $0xFFFFF000, v5  }
0x1db: {  	v7 =	vor.u32 s9, v1;
	v4 =	vor.u32 v4, v5;
	v5 =	vand.u32 $0x380, v6  }
0x1dc: {  	v63 =	vand.u32 $0x7F, v7;
	v3 =	vadd.s32 $0xFFFFFF60, v3;
	v4 =	vor.u32 v5, v4  }
0x1dd: {  	vm0 =	vlt.u32 v3, $0x28;
	v3 =	vor.u32 v63, v4  }
0x1de: {  	v3 =	vadd.s32 $0xFFFEC000, v3;
	_ =	sdelay $0x4  }
0x1df: {  	[tilespmem:v3+s0+$0x0] =	vst.idx.msk vm0, v0  }
0x1e0: {  	s9 =	simm.s32 $0x10;
	s10 =	simm.s32 $0x0;
	v3 =	vld [tilespmem:s8+$0x0]  }
.LBB2_28:
0x1e1: {  	p0 =	sne.s32 s9, $0x1F0;
	_ =	sdelay $0x2  }
0x1e2: {  	v4 =	vmov s8  }
0x1e3: {  	v4 =	vshll.u32 v4, $0x3;
	v5 =	vshll.u32 v3, $0x9  }
0x1e4: {  	v4 =	vand.u32 $0xC00, v4;
	v6 =	vshll.u32 v3, $0x7;
	v5 =	vand.u32 $0xFFFFF000, v5  }
0x1e5: {  	v7 =	vor.u32 s8, v1;
	s8 =	smov.u32 s9;
	v4 =	vor.u32 v4, v5;
	v5 =	vand.u32 $0x380, v6  }
0x1e6: {  	v3 =	vadd.s32 $0xFFFFFF10, v3;
	v6 =	vand.u32 $0x7F, v7;
	v4 =	vor.u32 v5, v4  }
0x1e7: {  	vm0 =	vlt.u32 v3, $0x28;
	v3 =	vor.u32 v6, v4  }
0x1e8: {  	v3 =	vadd.s32 $0xFFFE2000, v3;
	_ =	sdelay $0x1  }
.Ltmp13:
0x1e9: {  	(pc) =	sbr.rel @p0 .LBB2_28-.Ltmp13, $3  }
0x1ea: {  	_ =	sdelay $0x1  }
0x1eb: {  	s10 =	sadd.s32 $0x10, s10;
	[tilespmem:v3+s0+$0x0] =	vst.idx.msk vm0, v2  }
0x1ec: {  	s9 =	sadd.s32 $0x10, s9;
	v3 =	vld [tilespmem:s10+$0x0]  }
0x1ed: {  	_ =	sdelay $0x2  }
0x1ee: {  	v4 =	vmov s8  }
0x1ef: {  	v4 =	vshll.u32 v4, $0x3;
	v5 =	vshll.u32 v3, $0x9  }
0x1f0: {  	v4 =	vand.u32 $0xC00, v4;
	v6 =	vshll.u32 v3, $0x7;
	v5 =	vand.u32 $0xFFFFF000, v5  }
0x1f1: {  	v7 =	vor.u32 s8, v1;
	v4 =	vor.u32 v4, v5;
	v5 =	vand.u32 $0x380, v6  }
0x1f2: {  	v63 =	vand.u32 $0x7F, v7;
	v3 =	vadd.s32 $0xFFFFFF10, v3;
	v4 =	vor.u32 v5, v4  }
0x1f3: {  	vm0 =	vlt.u32 v3, $0x28;
	v3 =	vor.u32 v63, v4  }
0x1f4: {  	v3 =	vadd.s32 $0xFFFE2000, v3;
	_ =	sdelay $0x4  }
0x1f5: {  	s12 =	rddreg [dreg:$0x9];
	[tilespmem:v3+s0+$0x0] =	vst.idx.msk vm0, v2  }
0x1f6: {  	[hbm4b:s12+s1] =	stream.strided.scatter [tilespmem:s0], [sflag:$0x1], $0x5000, s2, s1, $0x38;
	[tilespmem:$0xA200] =	vst v63  }
0x1f7: {  	_ =	swait.ge [sflag:s6], $0x5000  }
0x1f8: {  	[sflag:s6] =	ssyncset.done $0x0  }
0x1f9: {  	s8 =	simm.s32 $0x0;
	[sflag:s6] =	ssyncadd.s32 $0xFFFFB000  }
0x1fa: {  	s10 =	simm.s32 $0x10;
	s9 =	simm.s32 $0x0;
	s11 =	simm.s32 $0x0;
	v3 =	vld [tilespmem:s8+$0x0]  }
.LBB2_30:
0x1fb: {  	p0 =	sne.s32 s10, $0x1F0;
	_ =	sdelay $0x2  }
0x1fc: {  	v4 =	vmov s9  }
0x1fd: {  	v4 =	vshll.u32 v4, $0x3;
	v5 =	vshll.u32 v3, $0x9  }
0x1fe: {  	v4 =	vand.u32 $0xC00, v4;
	v6 =	vshll.u32 v3, $0x7;
	v5 =	vand.u32 $0xFFFFF000, v5  }
0x1ff: {  	v7 =	vor.u32 s9, v1;
	s9 =	smov.u32 s10;
	v4 =	vor.u32 v4, v5;
	v5 =	vand.u32 $0x380, v6  }
0x200: {  	v3 =	vadd.s32 $0xFFFFFF38, v3;
	v6 =	vand.u32 $0x7F, v7;
	v4 =	vor.u32 v5, v4  }
0x201: {  	vm0 =	vlt.u32 v3, $0x28;
	v3 =	vor.u32 v6, v4  }
0x202: {  	v3 =	vadd.s32 $0xFFFE7000, v3;
	_ =	sdelay $0x1  }
.Ltmp14:
0x203: {  	(pc) =	sbr.rel @p0 .LBB2_30-.Ltmp14, $3  }
0x204: {  	_ =	sdelay $0x1  }
0x205: {  	s11 =	sadd.s32 $0x10, s11;
	[tilespmem:v3+s3+$0x0] =	vst.idx.msk vm0, v0  }
0x206: {  	s10 =	sadd.s32 $0x10, s10;
	v3 =	vld [tilespmem:s11+$0x0]  }
0x207: {  	_ =	sdelay $0x2  }
0x208: {  	v4 =	vmov s9  }
0x209: {  	v4 =	vshll.u32 v4, $0x3;
	v5 =	vshll.u32 v3, $0x9  }
0x20a: {  	v4 =	vand.u32 $0xC00, v4;
	v6 =	vshll.u32 v3, $0x7;
	v5 =	vand.u32 $0xFFFFF000, v5  }
0x20b: {  	v7 =	vor.u32 s9, v1;
	v4 =	vor.u32 v4, v5;
	v5 =	vand.u32 $0x380, v6  }
0x20c: {  	v63 =	vand.u32 $0x7F, v7;
	v3 =	vadd.s32 $0xFFFFFF38, v3;
	v4 =	vor.u32 v5, v4  }
0x20d: {  	vm0 =	vlt.u32 v3, $0x28;
	v3 =	vor.u32 v63, v4  }
0x20e: {  	v3 =	vadd.s32 $0xFFFE7000, v3;
	_ =	sdelay $0x4  }
0x20f: {  	[tilespmem:v3+s3+$0x0] =	vst.idx.msk vm0, v0  }
0x210: {  	s9 =	simm.s32 $0x10;
	s10 =	simm.s32 $0x0;
	v3 =	vld [tilespmem:s8+$0x0]  }
.LBB2_32:
0x211: {  	p0 =	sne.s32 s9, $0x1F0;
	_ =	sdelay $0x2  }
0x212: {  	v4 =	vmov s8  }
0x213: {  	v4 =	vshll.u32 v4, $0x3;
	v5 =	vshll.u32 v3, $0x9  }
0x214: {  	v4 =	vand.u32 $0xC00, v4;
	v6 =	vshll.u32 v3, $0x7;
	v5 =	vand.u32 $0xFFFFF000, v5  }
0x215: {  	v7 =	vor.u32 s8, v1;
	s8 =	smov.u32 s9;
	v4 =	vor.u32 v4, v5;
	v5 =	vand.u32 $0x380, v6  }
0x216: {  	v3 =	vadd.s32 $0xFFFFFEE8, v3;
	v6 =	vand.u32 $0x7F, v7;
	v4 =	vor.u32 v5, v4  }
0x217: {  	vm0 =	vlt.u32 v3, $0x28;
	v3 =	vor.u32 v6, v4  }
0x218: {  	v3 =	vadd.s32 $0xFFFDD000, v3;
	_ =	sdelay $0x1  }
.Ltmp15:
0x219: {  	(pc) =	sbr.rel @p0 .LBB2_32-.Ltmp15, $3  }
0x21a: {  	_ =	sdelay $0x1  }
0x21b: {  	s10 =	sadd.s32 $0x10, s10;
	[tilespmem:v3+s3+$0x0] =	vst.idx.msk vm0, v2  }
0x21c: {  	s9 =	sadd.s32 $0x10, s9;
	v3 =	vld [tilespmem:s10+$0x0]  }
0x21d: {  	_ =	sdelay $0x2  }
0x21e: {  	v4 =	vmov s8  }
0x21f: {  	v4 =	vshll.u32 v4, $0x3;
	v5 =	vshll.u32 v3, $0x9  }
0x220: {  	v4 =	vand.u32 $0xC00, v4;
	v6 =	vshll.u32 v3, $0x7;
	v5 =	vand.u32 $0xFFFFF000, v5  }
0x221: {  	v7 =	vor.u32 s8, v1;
	v4 =	vor.u32 v4, v5;
	v5 =	vand.u32 $0x380, v6  }
0x222: {  	v63 =	vand.u32 $0x7F, v7;
	v3 =	vadd.s32 $0xFFFFFEE8, v3;
	v4 =	vor.u32 v5, v4  }
0x223: {  	vm0 =	vlt.u32 v3, $0x28;
	v3 =	vor.u32 v63, v4  }
0x224: {  	v3 =	vadd.s32 $0xFFFDD000, v3;
	_ =	sdelay $0x4  }
0x225: {  	s12 =	rddreg [dreg:$0xa];
	[tilespmem:v3+s3+$0x0] =	vst.idx.msk vm0, v2  }
0x226: {  	[hbm4b:s12+s1] =	stream.strided.scatter [tilespmem:s3], [sflag:$0x2], $0x5000, s2, s1, $0x38;
	[tilespmem:$0xA200] =	vst v63  }
0x227: {  	_ =	swait.ge [sflag:s5], $0x5000  }
0x228: {  	[sflag:s5] =	ssyncset.done $0x0  }
0x229: {  	s8 =	simm.s32 $0x0;
	[sflag:s5] =	ssyncadd.s32 $0xFFFFB000  }
0x22a: {  	s10 =	simm.s32 $0x10;
	s9 =	simm.s32 $0x0;
	s11 =	simm.s32 $0x0;
	v3 =	vld [tilespmem:s8+$0x0]  }
.LBB2_34:
0x22b: {  	p0 =	sne.s32 s10, $0x1F0;
	_ =	sdelay $0x2  }
0x22c: {  	v4 =	vmov s9  }
0x22d: {  	v4 =	vshll.u32 v4, $0x3;
	v5 =	vshll.u32 v3, $0x9  }
0x22e: {  	v4 =	vand.u32 $0xC00, v4;
	v6 =	vshll.u32 v3, $0x7;
	v5 =	vand.u32 $0xFFFFF000, v5  }
0x22f: {  	v7 =	vor.u32 s9, v1;
	s9 =	smov.u32 s10;
	v4 =	vor.u32 v4, v5;
	v5 =	vand.u32 $0x380, v6  }
0x230: {  	v3 =	vadd.s32 $0xFFFFFF10, v3;
	v6 =	vand.u32 $0x7F, v7;
	v4 =	vor.u32 v5, v4  }
0x231: {  	vm0 =	vlt.u32 v3, $0x28;
	v3 =	vor.u32 v6, v4  }
0x232: {  	v3 =	vadd.s32 $0xFFFE2000, v3;
	_ =	sdelay $0x1  }
.Ltmp16:
0x233: {  	(pc) =	sbr.rel @p0 .LBB2_34-.Ltmp16, $3  }
0x234: {  	_ =	sdelay $0x1  }
0x235: {  	s11 =	sadd.s32 $0x10, s11;
	[tilespmem:v3+s0+$0x0] =	vst.idx.msk vm0, v0  }
0x236: {  	s10 =	sadd.s32 $0x10, s10;
	v3 =	vld [tilespmem:s11+$0x0]  }
0x237: {  	_ =	sdelay $0x2  }
0x238: {  	v4 =	vmov s9  }
0x239: {  	v4 =	vshll.u32 v4, $0x3;
	v5 =	vshll.u32 v3, $0x9  }
0x23a: {  	v4 =	vand.u32 $0xC00, v4;
	v6 =	vshll.u32 v3, $0x7;
	v5 =	vand.u32 $0xFFFFF000, v5  }
0x23b: {  	v7 =	vor.u32 s9, v1;
	v4 =	vor.u32 v4, v5;
	v5 =	vand.u32 $0x380, v6  }
0x23c: {  	v63 =	vand.u32 $0x7F, v7;
	v3 =	vadd.s32 $0xFFFFFF10, v3;
	v4 =	vor.u32 v5, v4  }
0x23d: {  	vm0 =	vlt.u32 v3, $0x28;
	v3 =	vor.u32 v63, v4  }
0x23e: {  	v3 =	vadd.s32 $0xFFFE2000, v3;
	_ =	sdelay $0x4  }
0x23f: {  	[tilespmem:v3+s0+$0x0] =	vst.idx.msk vm0, v0  }
0x240: {  	s9 =	simm.s32 $0x10;
	s10 =	simm.s32 $0x0;
	v3 =	vld [tilespmem:s8+$0x0]  }
.LBB2_36:
0x241: {  	p0 =	sne.s32 s9, $0x1F0;
	_ =	sdelay $0x2  }
0x242: {  	v4 =	vmov s8  }
0x243: {  	v4 =	vshll.u32 v4, $0x3;
	v5 =	vshll.u32 v3, $0x9  }
0x244: {  	v4 =	vand.u32 $0xC00, v4;
	v6 =	vshll.u32 v3, $0x7;
	v5 =	vand.u32 $0xFFFFF000, v5  }
0x245: {  	v7 =	vor.u32 s8, v1;
	s8 =	smov.u32 s9;
	v4 =	vor.u32 v4, v5;
	v5 =	vand.u32 $0x380, v6  }
0x246: {  	v3 =	vadd.s32 $0xFFFFFEC0, v3;
	v6 =	vand.u32 $0x7F, v7;
	v4 =	vor.u32 v5, v4  }
0x247: {  	vm0 =	vlt.u32 v3, $0x28;
	v3 =	vor.u32 v6, v4  }
0x248: {  	v3 =	vadd.s32 $0xFFFD8000, v3;
	_ =	sdelay $0x1  }
.Ltmp17:
0x249: {  	(pc) =	sbr.rel @p0 .LBB2_36-.Ltmp17, $3  }
0x24a: {  	_ =	sdelay $0x1  }
0x24b: {  	s10 =	sadd.s32 $0x10, s10;
	[tilespmem:v3+s0+$0x0] =	vst.idx.msk vm0, v2  }
0x24c: {  	s9 =	sadd.s32 $0x10, s9;
	v3 =	vld [tilespmem:s10+$0x0]  }
0x24d: {  	_ =	sdelay $0x2  }
0x24e: {  	v4 =	vmov s8  }
0x24f: {  	v4 =	vshll.u32 v4, $0x3;
	v5 =	vshll.u32 v3, $0x9  }
0x250: {  	v4 =	vand.u32 $0xC00, v4;
	v6 =	vshll.u32 v3, $0x7;
	v5 =	vand.u32 $0xFFFFF000, v5  }
0x251: {  	v7 =	vor.u32 s8, v1;
	v4 =	vor.u32 v4, v5;
	v5 =	vand.u32 $0x380, v6  }
0x252: {  	v63 =	vand.u32 $0x7F, v7;
	v3 =	vadd.s32 $0xFFFFFEC0, v3;
	v4 =	vor.u32 v5, v4  }
0x253: {  	vm0 =	vlt.u32 v3, $0x28;
	v3 =	vor.u32 v63, v4  }
0x254: {  	v3 =	vadd.s32 $0xFFFD8000, v3;
	_ =	sdelay $0x4  }
0x255: {  	s12 =	rddreg [dreg:$0xb];
	[tilespmem:v3+s0+$0x0] =	vst.idx.msk vm0, v2  }
0x256: {  	[hbm4b:s12+s1] =	stream.strided.scatter [tilespmem:s0], [sflag:$0x1], $0x5000, s2, s1, $0x38;
	[tilespmem:$0xA200] =	vst v63  }
0x257: {  	_ =	swait.ge [sflag:s6], $0x5000  }
0x258: {  	[sflag:s6] =	ssyncset.done $0x0  }
0x259: {  	s8 =	simm.s32 $0x0;
	[sflag:s6] =	ssyncadd.s32 $0xFFFFB000  }
0x25a: {  	s10 =	simm.s32 $0x10;
	s9 =	simm.s32 $0x0;
	s11 =	simm.s32 $0x0;
	v3 =	vld [tilespmem:s8+$0x0]  }
.LBB2_38:
0x25b: {  	p0 =	sne.s32 s10, $0x1F0;
	_ =	sdelay $0x2  }
0x25c: {  	v4 =	vmov s9  }
0x25d: {  	v4 =	vshll.u32 v4, $0x3;
	v5 =	vshll.u32 v3, $0x9  }
0x25e: {  	v4 =	vand.u32 $0xC00, v4;
	v6 =	vshll.u32 v3, $0x7;
	v5 =	vand.u32 $0xFFFFF000, v5  }
0x25f: {  	v7 =	vor.u32 s9, v1;
	s9 =	smov.u32 s10;
	v4 =	vor.u32 v4, v5;
	v5 =	vand.u32 $0x380, v6  }
0x260: {  	v3 =	vadd.s32 $0xFFFFFEE8, v3;
	v6 =	vand.u32 $0x7F, v7;
	v4 =	vor.u32 v5, v4  }
0x261: {  	vm0 =	vlt.u32 v3, $0x28;
	v3 =	vor.u32 v6, v4  }
0x262: {  	v3 =	vadd.s32 $0xFFFDD000, v3;
	_ =	sdelay $0x1  }
.Ltmp18:
0x263: {  	(pc) =	sbr.rel @p0 .LBB2_38-.Ltmp18, $3  }
0x264: {  	_ =	sdelay $0x1  }
0x265: {  	s11 =	sadd.s32 $0x10, s11;
	[tilespmem:v3+s3+$0x0] =	vst.idx.msk vm0, v0  }
0x266: {  	s10 =	sadd.s32 $0x10, s10;
	v3 =	vld [tilespmem:s11+$0x0]  }
0x267: {  	_ =	sdelay $0x2  }
0x268: {  	v4 =	vmov s9  }
0x269: {  	v4 =	vshll.u32 v4, $0x3;
	v5 =	vshll.u32 v3, $0x9  }
0x26a: {  	v4 =	vand.u32 $0xC00, v4;
	v6 =	vshll.u32 v3, $0x7;
	v5 =	vand.u32 $0xFFFFF000, v5  }
0x26b: {  	v7 =	vor.u32 s9, v1;
	v4 =	vor.u32 v4, v5;
	v5 =	vand.u32 $0x380, v6  }
0x26c: {  	v63 =	vand.u32 $0x7F, v7;
	v3 =	vadd.s32 $0xFFFFFEE8, v3;
	v4 =	vor.u32 v5, v4  }
0x26d: {  	vm0 =	vlt.u32 v3, $0x28;
	v3 =	vor.u32 v63, v4  }
0x26e: {  	v3 =	vadd.s32 $0xFFFDD000, v3;
	_ =	sdelay $0x4  }
0x26f: {  	[tilespmem:v3+s3+$0x0] =	vst.idx.msk vm0, v0  }
0x270: {  	s9 =	simm.s32 $0x10;
	s10 =	simm.s32 $0x0;
	v3 =	vld [tilespmem:s8+$0x0]  }
.LBB2_40:
0x271: {  	p0 =	sne.s32 s9, $0x1F0;
	_ =	sdelay $0x2  }
0x272: {  	v4 =	vmov s8  }
0x273: {  	v4 =	vshll.u32 v4, $0x3;
	v5 =	vshll.u32 v3, $0x9  }
0x274: {  	v4 =	vand.u32 $0xC00, v4;
	v6 =	vshll.u32 v3, $0x7;
	v5 =	vand.u32 $0xFFFFF000, v5  }
0x275: {  	v7 =	vor.u32 s8, v1;
	s8 =	smov.u32 s9;
	v4 =	vor.u32 v4, v5;
	v5 =	vand.u32 $0x380, v6  }
0x276: {  	v3 =	vadd.s32 $0xFFFFFE98, v3;
	v6 =	vand.u32 $0x7F, v7;
	v4 =	vor.u32 v5, v4  }
0x277: {  	vm0 =	vlt.u32 v3, $0x28;
	v3 =	vor.u32 v6, v4  }
0x278: {  	v3 =	vadd.s32 $0xFFFD3000, v3;
	_ =	sdelay $0x1  }
.Ltmp19:
0x279: {  	(pc) =	sbr.rel @p0 .LBB2_40-.Ltmp19, $3  }
0x27a: {  	_ =	sdelay $0x1  }
0x27b: {  	s10 =	sadd.s32 $0x10, s10;
	[tilespmem:v3+s3+$0x0] =	vst.idx.msk vm0, v2  }
0x27c: {  	s9 =	sadd.s32 $0x10, s9;
	v3 =	vld [tilespmem:s10+$0x0]  }
0x27d: {  	_ =	sdelay $0x2  }
0x27e: {  	v4 =	vmov s8  }
0x27f: {  	v4 =	vshll.u32 v4, $0x3;
	v5 =	vshll.u32 v3, $0x9  }
0x280: {  	v4 =	vand.u32 $0xC00, v4;
	v6 =	vshll.u32 v3, $0x7;
	v5 =	vand.u32 $0xFFFFF000, v5  }
0x281: {  	v7 =	vor.u32 s8, v1;
	v4 =	vor.u32 v4, v5;
	v5 =	vand.u32 $0x380, v6  }
0x282: {  	v63 =	vand.u32 $0x7F, v7;
	v3 =	vadd.s32 $0xFFFFFE98, v3;
	v4 =	vor.u32 v5, v4  }
0x283: {  	vm0 =	vlt.u32 v3, $0x28;
	v3 =	vor.u32 v63, v4  }
0x284: {  	v3 =	vadd.s32 $0xFFFD3000, v3;
	_ =	sdelay $0x4  }
0x285: {  	[tilespmem:v3+s3+$0x0] =	vst.idx.msk vm0, v2  }
0x286: {  	[hbm4b:s13+s1] =	stream.strided.scatter [tilespmem:s3], [sflag:$0x2], $0x5000, s2, s1, $0x38;
	[tilespmem:$0xA200] =	vst v63  }
0x287: {  	_ =	swait.ge [sflag:s5], $0x5000  }
0x288: {  	[sflag:s5] =	ssyncset.done $0x0  }
0x289: {  	s8 =	simm.s32 $0x0;
	[sflag:s5] =	ssyncadd.s32 $0xFFFFB000  }
0x28a: {  	s10 =	simm.s32 $0x10;
	s9 =	simm.s32 $0x0;
	s11 =	simm.s32 $0x0;
	v3 =	vld [tilespmem:s8+$0x0]  }
.LBB2_42:
0x28b: {  	p0 =	sne.s32 s10, $0x1F0;
	_ =	sdelay $0x2  }
0x28c: {  	v4 =	vmov s9  }
0x28d: {  	v4 =	vshll.u32 v4, $0x3;
	v5 =	vshll.u32 v3, $0x9  }
0x28e: {  	v4 =	vand.u32 $0xC00, v4;
	v6 =	vshll.u32 v3, $0x7;
	v5 =	vand.u32 $0xFFFFF000, v5  }
0x28f: {  	v7 =	vor.u32 s9, v1;
	s9 =	smov.u32 s10;
	v4 =	vor.u32 v4, v5;
	v5 =	vand.u32 $0x380, v6  }
0x290: {  	v3 =	vadd.s32 $0xFFFFFEC0, v3;
	v6 =	vand.u32 $0x7F, v7;
	v4 =	vor.u32 v5, v4  }
0x291: {  	vm0 =	vlt.u32 v3, $0x28;
	v3 =	vor.u32 v6, v4  }
0x292: {  	v3 =	vadd.s32 $0xFFFD8000, v3;
	_ =	sdelay $0x1  }
.Ltmp20:
0x293: {  	(pc) =	sbr.rel @p0 .LBB2_42-.Ltmp20, $3  }
0x294: {  	_ =	sdelay $0x1  }
0x295: {  	s11 =	sadd.s32 $0x10, s11;
	[tilespmem:v3+s0+$0x0] =	vst.idx.msk vm0, v0  }
0x296: {  	s10 =	sadd.s32 $0x10, s10;
	v3 =	vld [tilespmem:s11+$0x0]  }
0x297: {  	_ =	sdelay $0x2  }
0x298: {  	v4 =	vmov s9  }
0x299: {  	v4 =	vshll.u32 v4, $0x3;
	v5 =	vshll.u32 v3, $0x9  }
0x29a: {  	v4 =	vand.u32 $0xC00, v4;
	v6 =	vshll.u32 v3, $0x7;
	v5 =	vand.u32 $0xFFFFF000, v5  }
0x29b: {  	v7 =	vor.u32 s9, v1;
	v4 =	vor.u32 v4, v5;
	v5 =	vand.u32 $0x380, v6  }
0x29c: {  	v63 =	vand.u32 $0x7F, v7;
	v3 =	vadd.s32 $0xFFFFFEC0, v3;
	v4 =	vor.u32 v5, v4  }
0x29d: {  	vm0 =	vlt.u32 v3, $0x28;
	v3 =	vor.u32 v63, v4  }
0x29e: {  	v3 =	vadd.s32 $0xFFFD8000, v3;
	_ =	sdelay $0x4  }
0x29f: {  	[tilespmem:v3+s0+$0x0] =	vst.idx.msk vm0, v0  }
0x2a0: {  	s9 =	simm.s32 $0x10;
	s10 =	simm.s32 $0x0;
	v3 =	vld [tilespmem:s8+$0x0]  }
.LBB2_44:
0x2a1: {  	p0 =	sne.s32 s9, $0x1F0;
	_ =	sdelay $0x2  }
0x2a2: {  	v4 =	vmov s8  }
0x2a3: {  	v4 =	vshll.u32 v4, $0x3;
	v5 =	vshll.u32 v3, $0x9  }
0x2a4: {  	v4 =	vand.u32 $0xC00, v4;
	v6 =	vshll.u32 v3, $0x7;
	v5 =	vand.u32 $0xFFFFF000, v5  }
0x2a5: {  	v7 =	vor.u32 s8, v1;
	s8 =	smov.u32 s9;
	v4 =	vor.u32 v4, v5;
	v5 =	vand.u32 $0x380, v6  }
0x2a6: {  	v3 =	vadd.s32 $0xFFFFFE70, v3;
	v6 =	vand.u32 $0x7F, v7;
	v4 =	vor.u32 v5, v4  }
0x2a7: {  	vm0 =	vlt.u32 v3, $0x28;
	v3 =	vor.u32 v6, v4  }
0x2a8: {  	v3 =	vadd.s32 $0xFFFCE000, v3;
	_ =	sdelay $0x1  }
.Ltmp21:
0x2a9: {  	(pc) =	sbr.rel @p0 .LBB2_44-.Ltmp21, $3  }
0x2aa: {  	_ =	sdelay $0x1  }
0x2ab: {  	s10 =	sadd.s32 $0x10, s10;
	[tilespmem:v3+s0+$0x0] =	vst.idx.msk vm0, v2  }
0x2ac: {  	s9 =	sadd.s32 $0x10, s9;
	v3 =	vld [tilespmem:s10+$0x0]  }
0x2ad: {  	_ =	sdelay $0x2  }
0x2ae: {  	v4 =	vmov s8  }
0x2af: {  	v4 =	vshll.u32 v4, $0x3;
	v5 =	vshll.u32 v3, $0x9  }
0x2b0: {  	v4 =	vand.u32 $0xC00, v4;
	v6 =	vshll.u32 v3, $0x7;
	v5 =	vand.u32 $0xFFFFF000, v5  }
0x2b1: {  	v7 =	vor.u32 s8, v1;
	v4 =	vor.u32 v4, v5;
	v5 =	vand.u32 $0x380, v6  }
0x2b2: {  	v63 =	vand.u32 $0x7F, v7;
	v3 =	vadd.s32 $0xFFFFFE70, v3;
	v4 =	vor.u32 v5, v4  }
0x2b3: {  	vm0 =	vlt.u32 v3, $0x28;
	v3 =	vor.u32 v63, v4  }
0x2b4: {  	v3 =	vadd.s32 $0xFFFCE000, v3;
	_ =	sdelay $0x4  }
0x2b5: {  	[tilespmem:v3+s0+$0x0] =	vst.idx.msk vm0, v2  }
0x2b6: {  	[hbm4b:s14+s1] =	stream.strided.scatter [tilespmem:s0], [sflag:$0x1], $0x5000, s2, s1, $0x38;
	[tilespmem:$0xA200] =	vst v63  }
0x2b7: {  	_ =	swait.ge [sflag:s6], $0x5000  }
0x2b8: {  	[sflag:s6] =	ssyncset.done $0x0  }
0x2b9: {  	s8 =	simm.s32 $0x0;
	[sflag:s6] =	ssyncadd.s32 $0xFFFFB000  }
0x2ba: {  	s10 =	simm.s32 $0x10;
	s9 =	simm.s32 $0x0;
	s11 =	simm.s32 $0x0;
	v3 =	vld [tilespmem:s8+$0x0]  }
.LBB2_46:
0x2bb: {  	p0 =	sne.s32 s10, $0x1F0;
	_ =	sdelay $0x2  }
0x2bc: {  	v4 =	vmov s9  }
0x2bd: {  	v4 =	vshll.u32 v4, $0x3;
	v5 =	vshll.u32 v3, $0x9  }
0x2be: {  	v4 =	vand.u32 $0xC00, v4;
	v6 =	vshll.u32 v3, $0x7;
	v5 =	vand.u32 $0xFFFFF000, v5  }
0x2bf: {  	v7 =	vor.u32 s9, v1;
	s9 =	smov.u32 s10;
	v4 =	vor.u32 v4, v5;
	v5 =	vand.u32 $0x380, v6  }
0x2c0: {  	v3 =	vadd.s32 $0xFFFFFE98, v3;
	v6 =	vand.u32 $0x7F, v7;
	v4 =	vor.u32 v5, v4  }
0x2c1: {  	vm0 =	vlt.u32 v3, $0x28;
	v3 =	vor.u32 v6, v4  }
0x2c2: {  	v3 =	vadd.s32 $0xFFFD3000, v3;
	_ =	sdelay $0x1  }
.Ltmp22:
0x2c3: {  	(pc) =	sbr.rel @p0 .LBB2_46-.Ltmp22, $3  }
0x2c4: {  	_ =	sdelay $0x1  }
0x2c5: {  	s11 =	sadd.s32 $0x10, s11;
	[tilespmem:v3+s3+$0x0] =	vst.idx.msk vm0, v0  }
0x2c6: {  	s10 =	sadd.s32 $0x10, s10;
	v3 =	vld [tilespmem:s11+$0x0]  }
0x2c7: {  	_ =	sdelay $0x2  }
0x2c8: {  	v4 =	vmov s9  }
0x2c9: {  	v4 =	vshll.u32 v4, $0x3;
	v5 =	vshll.u32 v3, $0x9  }
0x2ca: {  	v4 =	vand.u32 $0xC00, v4;
	v6 =	vshll.u32 v3, $0x7;
	v5 =	vand.u32 $0xFFFFF000, v5  }
0x2cb: {  	v7 =	vor.u32 s9, v1;
	v4 =	vor.u32 v4, v5;
	v5 =	vand.u32 $0x380, v6  }
0x2cc: {  	v63 =	vand.u32 $0x7F, v7;
	v3 =	vadd.s32 $0xFFFFFE98, v3;
	v4 =	vor.u32 v5, v4  }
0x2cd: {  	vm0 =	vlt.u32 v3, $0x28;
	v3 =	vor.u32 v63, v4  }
0x2ce: {  	v3 =	vadd.s32 $0xFFFD3000, v3;
	_ =	sdelay $0x4  }
0x2cf: {  	[tilespmem:v3+s3+$0x0] =	vst.idx.msk vm0, v0  }
0x2d0: {  	s9 =	simm.s32 $0x10;
	s10 =	simm.s32 $0x0;
	v3 =	vld [tilespmem:s8+$0x0]  }
.LBB2_48:
0x2d1: {  	p0 =	sne.s32 s9, $0x1F0;
	_ =	sdelay $0x2  }
0x2d2: {  	v4 =	vmov s8  }
0x2d3: {  	v4 =	vshll.u32 v4, $0x3;
	v5 =	vshll.u32 v3, $0x9  }
0x2d4: {  	v4 =	vand.u32 $0xC00, v4;
	v6 =	vshll.u32 v3, $0x7;
	v5 =	vand.u32 $0xFFFFF000, v5  }
0x2d5: {  	v7 =	vor.u32 s8, v1;
	s8 =	smov.u32 s9;
	v4 =	vor.u32 v4, v5;
	v5 =	vand.u32 $0x380, v6  }
0x2d6: {  	v3 =	vadd.s32 $0xFFFFFE48, v3;
	v6 =	vand.u32 $0x7F, v7;
	v4 =	vor.u32 v5, v4  }
0x2d7: {  	vm0 =	vlt.u32 v3, $0x28;
	v3 =	vor.u32 v6, v4  }
0x2d8: {  	v3 =	vadd.s32 $0xFFFC9000, v3;
	_ =	sdelay $0x1  }
.Ltmp23:
0x2d9: {  	(pc) =	sbr.rel @p0 .LBB2_48-.Ltmp23, $3  }
0x2da: {  	_ =	sdelay $0x1  }
0x2db: {  	s10 =	sadd.s32 $0x10, s10;
	[tilespmem:v3+s3+$0x0] =	vst.idx.msk vm0, v2  }
0x2dc: {  	s9 =	sadd.s32 $0x10, s9;
	v3 =	vld [tilespmem:s10+$0x0]  }
0x2dd: {  	_ =	sdelay $0x2  }
0x2de: {  	v4 =	vmov s8  }
0x2df: {  	v4 =	vshll.u32 v4, $0x3;
	v5 =	vshll.u32 v3, $0x9  }
0x2e0: {  	v4 =	vand.u32 $0xC00, v4;
	v6 =	vshll.u32 v3, $0x7;
	v5 =	vand.u32 $0xFFFFF000, v5  }
0x2e1: {  	v7 =	vor.u32 s8, v1;
	v4 =	vor.u32 v4, v5;
	v5 =	vand.u32 $0x380, v6  }
0x2e2: {  	v63 =	vand.u32 $0x7F, v7;
	v3 =	vadd.s32 $0xFFFFFE48, v3;
	v4 =	vor.u32 v5, v4  }
0x2e3: {  	vm0 =	vlt.u32 v3, $0x28;
	v3 =	vor.u32 v63, v4  }
0x2e4: {  	v3 =	vadd.s32 $0xFFFC9000, v3;
	_ =	sdelay $0x4  }
0x2e5: {  	[tilespmem:v3+s3+$0x0] =	vst.idx.msk vm0, v2  }
0x2e6: {  	[hbm4b:s15+s1] =	stream.strided.scatter [tilespmem:s3], [sflag:$0x2], $0x5000, s2, s1, $0x38;
	[tilespmem:$0xA200] =	vst v63  }
0x2e7: {  	_ =	swait.ge [sflag:s5], $0x5000  }
0x2e8: {  	[sflag:s5] =	ssyncset.done $0x0  }
0x2e9: {  	s8 =	simm.s32 $0x0;
	[sflag:s5] =	ssyncadd.s32 $0xFFFFB000  }
0x2ea: {  	s10 =	simm.s32 $0x10;
	s9 =	simm.s32 $0x0;
	s11 =	simm.s32 $0x0;
	v3 =	vld [tilespmem:s8+$0x0]  }
.LBB2_50:
0x2eb: {  	p0 =	sne.s32 s10, $0x1F0;
	_ =	sdelay $0x2  }
0x2ec: {  	v4 =	vmov s9  }
0x2ed: {  	v4 =	vshll.u32 v4, $0x3;
	v5 =	vshll.u32 v3, $0x9  }
0x2ee: {  	v4 =	vand.u32 $0xC00, v4;
	v6 =	vshll.u32 v3, $0x7;
	v5 =	vand.u32 $0xFFFFF000, v5  }
0x2ef: {  	v7 =	vor.u32 s9, v1;
	s9 =	smov.u32 s10;
	v4 =	vor.u32 v4, v5;
	v5 =	vand.u32 $0x380, v6  }
0x2f0: {  	v3 =	vadd.s32 $0xFFFFFE70, v3;
	v6 =	vand.u32 $0x7F, v7;
	v4 =	vor.u32 v5, v4  }
0x2f1: {  	vm0 =	vlt.u32 v3, $0x28;
	v3 =	vor.u32 v6, v4  }
0x2f2: {  	v3 =	vadd.s32 $0xFFFCE000, v3;
	_ =	sdelay $0x1  }
.Ltmp24:
0x2f3: {  	(pc) =	sbr.rel @p0 .LBB2_50-.Ltmp24, $3  }
0x2f4: {  	_ =	sdelay $0x1  }
0x2f5: {  	s11 =	sadd.s32 $0x10, s11;
	[tilespmem:v3+s0+$0x0] =	vst.idx.msk vm0, v0  }
0x2f6: {  	s10 =	sadd.s32 $0x10, s10;
	v3 =	vld [tilespmem:s11+$0x0]  }
0x2f7: {  	_ =	sdelay $0x2  }
0x2f8: {  	v4 =	vmov s9  }
0x2f9: {  	v4 =	vshll.u32 v4, $0x3;
	v5 =	vshll.u32 v3, $0x9  }
0x2fa: {  	v4 =	vand.u32 $0xC00, v4;
	v6 =	vshll.u32 v3, $0x7;
	v5 =	vand.u32 $0xFFFFF000, v5  }
0x2fb: {  	v7 =	vor.u32 s9, v1;
	v4 =	vor.u32 v4, v5;
	v5 =	vand.u32 $0x380, v6  }
0x2fc: {  	v63 =	vand.u32 $0x7F, v7;
	v3 =	vadd.s32 $0xFFFFFE70, v3;
	v4 =	vor.u32 v5, v4  }
0x2fd: {  	vm0 =	vlt.u32 v3, $0x28;
	v3 =	vor.u32 v63, v4  }
0x2fe: {  	v3 =	vadd.s32 $0xFFFCE000, v3;
	_ =	sdelay $0x4  }
0x2ff: {  	[tilespmem:v3+s0+$0x0] =	vst.idx.msk vm0, v0  }
0x300: {  	s9 =	simm.s32 $0x10;
	s10 =	simm.s32 $0x0;
	v3 =	vld [tilespmem:s8+$0x0]  }
.LBB2_52:
0x301: {  	p0 =	sne.s32 s9, $0x1F0;
	_ =	sdelay $0x2  }
0x302: {  	v4 =	vmov s8  }
0x303: {  	v4 =	vshll.u32 v4, $0x3;
	v5 =	vshll.u32 v3, $0x9  }
0x304: {  	v4 =	vand.u32 $0xC00, v4;
	v6 =	vshll.u32 v3, $0x7;
	v5 =	vand.u32 $0xFFFFF000, v5  }
0x305: {  	v7 =	vor.u32 s8, v1;
	s8 =	smov.u32 s9;
	v4 =	vor.u32 v4, v5;
	v5 =	vand.u32 $0x380, v6  }
0x306: {  	v3 =	vadd.s32 $0xFFFFFE20, v3;
	v6 =	vand.u32 $0x7F, v7;
	v4 =	vor.u32 v5, v4  }
0x307: {  	vm0 =	vlt.u32 v3, $0x28;
	v3 =	vor.u32 v6, v4  }
0x308: {  	v3 =	vadd.s32 $0xFFFC4000, v3;
	_ =	sdelay $0x1  }
.Ltmp25:
0x309: {  	(pc) =	sbr.rel @p0 .LBB2_52-.Ltmp25, $3  }
0x30a: {  	_ =	sdelay $0x1  }
0x30b: {  	s10 =	sadd.s32 $0x10, s10;
	[tilespmem:v3+s0+$0x0] =	vst.idx.msk vm0, v2  }
0x30c: {  	s9 =	sadd.s32 $0x10, s9;
	v3 =	vld [tilespmem:s10+$0x0]  }
0x30d: {  	_ =	sdelay $0x2  }
0x30e: {  	v4 =	vmov s8  }
0x30f: {  	v4 =	vshll.u32 v4, $0x3;
	v5 =	vshll.u32 v3, $0x9  }
0x310: {  	v4 =	vand.u32 $0xC00, v4;
	v6 =	vshll.u32 v3, $0x7;
	v5 =	vand.u32 $0xFFFFF000, v5  }
0x311: {  	v7 =	vor.u32 s8, v1;
	v4 =	vor.u32 v4, v5;
	v5 =	vand.u32 $0x380, v6  }
0x312: {  	v63 =	vand.u32 $0x7F, v7;
	v3 =	vadd.s32 $0xFFFFFE20, v3;
	v4 =	vor.u32 v5, v4  }
0x313: {  	vm0 =	vlt.u32 v3, $0x28;
	v3 =	vor.u32 v63, v4  }
0x314: {  	v3 =	vadd.s32 $0xFFFC4000, v3;
	_ =	sdelay $0x4  }
0x315: {  	[tilespmem:v3+s0+$0x0] =	vst.idx.msk vm0, v2  }
0x316: {  	[hbm4b:s16+s1] =	stream.strided.scatter [tilespmem:s0], [sflag:$0x1], $0x5000, s2, s1, $0x38;
	[tilespmem:$0xA200] =	vst v63  }
0x317: {  	_ =	swait.ge [sflag:s6], $0x5000  }
0x318: {  	[sflag:s6] =	ssyncset.done $0x0  }
0x319: {  	s8 =	simm.s32 $0x0;
	[sflag:s6] =	ssyncadd.s32 $0xFFFFB000  }
0x31a: {  	s10 =	simm.s32 $0x10;
	s9 =	simm.s32 $0x0;
	s11 =	simm.s32 $0x0;
	v3 =	vld [tilespmem:s8+$0x0]  }
.LBB2_54:
0x31b: {  	p0 =	sne.s32 s10, $0x1F0;
	_ =	sdelay $0x2  }
0x31c: {  	v4 =	vmov s9  }
0x31d: {  	v4 =	vshll.u32 v4, $0x3;
	v5 =	vshll.u32 v3, $0x9  }
0x31e: {  	v4 =	vand.u32 $0xC00, v4;
	v6 =	vshll.u32 v3, $0x7;
	v5 =	vand.u32 $0xFFFFF000, v5  }
0x31f: {  	v7 =	vor.u32 s9, v1;
	s9 =	smov.u32 s10;
	v4 =	vor.u32 v4, v5;
	v5 =	vand.u32 $0x380, v6  }
0x320: {  	v3 =	vadd.s32 $0xFFFFFE48, v3;
	v6 =	vand.u32 $0x7F, v7;
	v4 =	vor.u32 v5, v4  }
0x321: {  	vm0 =	vlt.u32 v3, $0x28;
	v3 =	vor.u32 v6, v4  }
0x322: {  	v3 =	vadd.s32 $0xFFFC9000, v3;
	_ =	sdelay $0x1  }
.Ltmp26:
0x323: {  	(pc) =	sbr.rel @p0 .LBB2_54-.Ltmp26, $3  }
0x324: {  	_ =	sdelay $0x1  }
0x325: {  	s11 =	sadd.s32 $0x10, s11;
	[tilespmem:v3+s3+$0x0] =	vst.idx.msk vm0, v0  }
0x326: {  	s10 =	sadd.s32 $0x10, s10;
	v3 =	vld [tilespmem:s11+$0x0]  }
0x327: {  	_ =	sdelay $0x2  }
0x328: {  	v4 =	vmov s9  }
0x329: {  	v4 =	vshll.u32 v4, $0x3;
	v5 =	vshll.u32 v3, $0x9  }
0x32a: {  	v4 =	vand.u32 $0xC00, v4;
	v6 =	vshll.u32 v3, $0x7;
	v5 =	vand.u32 $0xFFFFF000, v5  }
0x32b: {  	v7 =	vor.u32 s9, v1;
	v4 =	vor.u32 v4, v5;
	v5 =	vand.u32 $0x380, v6  }
0x32c: {  	v63 =	vand.u32 $0x7F, v7;
	v3 =	vadd.s32 $0xFFFFFE48, v3;
	v4 =	vor.u32 v5, v4  }
0x32d: {  	vm0 =	vlt.u32 v3, $0x28;
	v3 =	vor.u32 v63, v4  }
0x32e: {  	v3 =	vadd.s32 $0xFFFC9000, v3;
	_ =	sdelay $0x4  }
0x32f: {  	[tilespmem:v3+s3+$0x0] =	vst.idx.msk vm0, v0  }
0x330: {  	s9 =	simm.s32 $0x10;
	s10 =	simm.s32 $0x0;
	v3 =	vld [tilespmem:s8+$0x0]  }
.LBB2_56:
0x331: {  	p0 =	sne.s32 s9, $0x1F0;
	_ =	sdelay $0x2  }
0x332: {  	v4 =	vmov s8  }
0x333: {  	v4 =	vshll.u32 v4, $0x3;
	v5 =	vshll.u32 v3, $0x9  }
0x334: {  	v4 =	vand.u32 $0xC00, v4;
	v6 =	vshll.u32 v3, $0x7;
	v5 =	vand.u32 $0xFFFFF000, v5  }
0x335: {  	v7 =	vor.u32 s8, v1;
	s8 =	smov.u32 s9;
	v4 =	vor.u32 v4, v5;
	v5 =	vand.u32 $0x380, v6  }
0x336: {  	v3 =	vadd.s32 $0xFFFFFDF8, v3;
	v6 =	vand.u32 $0x7F, v7;
	v4 =	vor.u32 v5, v4  }
0x337: {  	vm0 =	vlt.u32 v3, $0x28;
	v3 =	vor.u32 v6, v4  }
0x338: {  	v3 =	vadd.s32 $0xFFFBF000, v3;
	_ =	sdelay $0x1  }
.Ltmp27:
0x339: {  	(pc) =	sbr.rel @p0 .LBB2_56-.Ltmp27, $3  }
0x33a: {  	_ =	sdelay $0x1  }
0x33b: {  	s10 =	sadd.s32 $0x10, s10;
	[tilespmem:v3+s3+$0x0] =	vst.idx.msk vm0, v2  }
0x33c: {  	s9 =	sadd.s32 $0x10, s9;
	v3 =	vld [tilespmem:s10+$0x0]  }
0x33d: {  	_ =	sdelay $0x2  }
0x33e: {  	v4 =	vmov s8  }
0x33f: {  	v4 =	vshll.u32 v4, $0x3;
	v5 =	vshll.u32 v3, $0x9  }
0x340: {  	v4 =	vand.u32 $0xC00, v4;
	v6 =	vshll.u32 v3, $0x7;
	v5 =	vand.u32 $0xFFFFF000, v5  }
0x341: {  	v7 =	vor.u32 s8, v1;
	v4 =	vor.u32 v4, v5;
	v5 =	vand.u32 $0x380, v6  }
0x342: {  	v63 =	vand.u32 $0x7F, v7;
	v3 =	vadd.s32 $0xFFFFFDF8, v3;
	v4 =	vor.u32 v5, v4  }
0x343: {  	vm0 =	vlt.u32 v3, $0x28;
	v3 =	vor.u32 v63, v4  }
0x344: {  	v3 =	vadd.s32 $0xFFFBF000, v3;
	_ =	sdelay $0x4  }
0x345: {  	[tilespmem:v3+s3+$0x0] =	vst.idx.msk vm0, v2  }
0x346: {  	[hbm4b:s17+s1] =	stream.strided.scatter [tilespmem:s3], [sflag:$0x2], $0x5000, s2, s1, $0x38;
	[tilespmem:$0xA200] =	vst v63  }
0x347: {  	_ =	swait.ge [sflag:s5], $0x5000  }
0x348: {  	[sflag:s5] =	ssyncset.done $0x0  }
0x349: {  	s8 =	simm.s32 $0x0;
	[sflag:s5] =	ssyncadd.s32 $0xFFFFB000  }
0x34a: {  	s10 =	simm.s32 $0x10;
	s9 =	simm.s32 $0x0;
	s11 =	simm.s32 $0x0;
	v3 =	vld [tilespmem:s8+$0x0]  }
.LBB2_58:
0x34b: {  	p0 =	sne.s32 s10, $0x1F0;
	_ =	sdelay $0x2  }
0x34c: {  	v4 =	vmov s9  }
0x34d: {  	v4 =	vshll.u32 v4, $0x3;
	v5 =	vshll.u32 v3, $0x9  }
0x34e: {  	v4 =	vand.u32 $0xC00, v4;
	v6 =	vshll.u32 v3, $0x7;
	v5 =	vand.u32 $0xFFFFF000, v5  }
0x34f: {  	v7 =	vor.u32 s9, v1;
	s9 =	smov.u32 s10;
	v4 =	vor.u32 v4, v5;
	v5 =	vand.u32 $0x380, v6  }
0x350: {  	v3 =	vadd.s32 $0xFFFFFE20, v3;
	v6 =	vand.u32 $0x7F, v7;
	v4 =	vor.u32 v5, v4  }
0x351: {  	vm0 =	vlt.u32 v3, $0x28;
	v3 =	vor.u32 v6, v4  }
0x352: {  	v3 =	vadd.s32 $0xFFFC4000, v3;
	_ =	sdelay $0x1  }
.Ltmp28:
0x353: {  	(pc) =	sbr.rel @p0 .LBB2_58-.Ltmp28, $3  }
0x354: {  	_ =	sdelay $0x1  }
0x355: {  	s11 =	sadd.s32 $0x10, s11;
	[tilespmem:v3+s0+$0x0] =	vst.idx.msk vm0, v0  }
0x356: {  	s10 =	sadd.s32 $0x10, s10;
	v3 =	vld [tilespmem:s11+$0x0]  }
0x357: {  	_ =	sdelay $0x2  }
0x358: {  	v4 =	vmov s9  }
0x359: {  	v4 =	vshll.u32 v4, $0x3;
	v5 =	vshll.u32 v3, $0x9  }
0x35a: {  	v4 =	vand.u32 $0xC00, v4;
	v6 =	vshll.u32 v3, $0x7;
	v5 =	vand.u32 $0xFFFFF000, v5  }
0x35b: {  	v7 =	vor.u32 s9, v1;
	v4 =	vor.u32 v4, v5;
	v5 =	vand.u32 $0x380, v6  }
0x35c: {  	v63 =	vand.u32 $0x7F, v7;
	v3 =	vadd.s32 $0xFFFFFE20, v3;
	v4 =	vor.u32 v5, v4  }
0x35d: {  	vm0 =	vlt.u32 v3, $0x28;
	v3 =	vor.u32 v63, v4  }
0x35e: {  	v3 =	vadd.s32 $0xFFFC4000, v3;
	_ =	sdelay $0x4  }
0x35f: {  	[tilespmem:v3+s0+$0x0] =	vst.idx.msk vm0, v0  }
0x360: {  	s9 =	simm.s32 $0x10;
	s10 =	simm.s32 $0x0;
	v3 =	vld [tilespmem:s8+$0x0]  }
.LBB2_60:
0x361: {  	p0 =	sne.s32 s9, $0x1F0;
	_ =	sdelay $0x2  }
0x362: {  	v4 =	vmov s8  }
0x363: {  	v4 =	vshll.u32 v4, $0x3;
	v5 =	vshll.u32 v3, $0x9  }
0x364: {  	v4 =	vand.u32 $0xC00, v4;
	v6 =	vshll.u32 v3, $0x7;
	v5 =	vand.u32 $0xFFFFF000, v5  }
0x365: {  	v7 =	vor.u32 s8, v1;
	s8 =	smov.u32 s9;
	v4 =	vor.u32 v4, v5;
	v5 =	vand.u32 $0x380, v6  }
0x366: {  	v3 =	vadd.s32 $0xFFFFFDD0, v3;
	v6 =	vand.u32 $0x7F, v7;
	v4 =	vor.u32 v5, v4  }
0x367: {  	vm0 =	vlt.u32 v3, $0x28;
	v3 =	vor.u32 v6, v4  }
0x368: {  	v3 =	vadd.s32 $0xFFFBA000, v3;
	_ =	sdelay $0x1  }
.Ltmp29:
0x369: {  	(pc) =	sbr.rel @p0 .LBB2_60-.Ltmp29, $3  }
0x36a: {  	_ =	sdelay $0x1  }
0x36b: {  	s10 =	sadd.s32 $0x10, s10;
	[tilespmem:v3+s0+$0x0] =	vst.idx.msk vm0, v2  }
0x36c: {  	s9 =	sadd.s32 $0x10, s9;
	v3 =	vld [tilespmem:s10+$0x0]  }
0x36d: {  	_ =	sdelay $0x2  }
0x36e: {  	v4 =	vmov s8  }
0x36f: {  	v4 =	vshll.u32 v4, $0x3;
	v5 =	vshll.u32 v3, $0x9  }
0x370: {  	v4 =	vand.u32 $0xC00, v4;
	v6 =	vshll.u32 v3, $0x7;
	v5 =	vand.u32 $0xFFFFF000, v5  }
0x371: {  	v7 =	vor.u32 s8, v1;
	v4 =	vor.u32 v4, v5;
	v5 =	vand.u32 $0x380, v6  }
0x372: {  	v63 =	vand.u32 $0x7F, v7;
	v3 =	vadd.s32 $0xFFFFFDD0, v3;
	v4 =	vor.u32 v5, v4  }
0x373: {  	vm0 =	vlt.u32 v3, $0x28;
	v3 =	vor.u32 v63, v4  }
0x374: {  	v3 =	vadd.s32 $0xFFFBA000, v3;
	_ =	sdelay $0x4  }
0x375: {  	[tilespmem:v3+s0+$0x0] =	vst.idx.msk vm0, v2  }
0x376: {  	[hbm4b:s18+s1] =	stream.strided.scatter [tilespmem:s0], [sflag:$0x1], $0x5000, s2, s1, $0x38;
	[tilespmem:$0xA200] =	vst v63  }
0x377: {  	_ =	swait.ge [sflag:s6], $0x5000  }
0x378: {  	[sflag:s6] =	ssyncset.done $0x0  }
0x379: {  	s8 =	simm.s32 $0x0;
	[sflag:s6] =	ssyncadd.s32 $0xFFFFB000  }
0x37a: {  	s10 =	simm.s32 $0x10;
	s9 =	simm.s32 $0x0;
	s11 =	simm.s32 $0x0;
	v3 =	vld [tilespmem:s8+$0x0]  }
.LBB2_62:
0x37b: {  	p0 =	sne.s32 s10, $0x1F0;
	_ =	sdelay $0x2  }
0x37c: {  	v4 =	vmov s9  }
0x37d: {  	v4 =	vshll.u32 v4, $0x3;
	v5 =	vshll.u32 v3, $0x9  }
0x37e: {  	v4 =	vand.u32 $0xC00, v4;
	v6 =	vshll.u32 v3, $0x7;
	v5 =	vand.u32 $0xFFFFF000, v5  }
0x37f: {  	v7 =	vor.u32 s9, v1;
	s9 =	smov.u32 s10;
	v4 =	vor.u32 v4, v5;
	v5 =	vand.u32 $0x380, v6  }
0x380: {  	v3 =	vadd.s32 $0xFFFFFDF8, v3;
	v6 =	vand.u32 $0x7F, v7;
	v4 =	vor.u32 v5, v4  }
0x381: {  	vm0 =	vlt.u32 v3, $0x28;
	v3 =	vor.u32 v6, v4  }
0x382: {  	v3 =	vadd.s32 $0xFFFBF000, v3;
	_ =	sdelay $0x1  }
.Ltmp30:
0x383: {  	(pc) =	sbr.rel @p0 .LBB2_62-.Ltmp30, $3  }
0x384: {  	_ =	sdelay $0x1  }
0x385: {  	s11 =	sadd.s32 $0x10, s11;
	[tilespmem:v3+s3+$0x0] =	vst.idx.msk vm0, v0  }
0x386: {  	s10 =	sadd.s32 $0x10, s10;
	v3 =	vld [tilespmem:s11+$0x0]  }
0x387: {  	_ =	sdelay $0x2  }
0x388: {  	v4 =	vmov s9  }
0x389: {  	v4 =	vshll.u32 v4, $0x3;
	v5 =	vshll.u32 v3, $0x9  }
0x38a: {  	v4 =	vand.u32 $0xC00, v4;
	v6 =	vshll.u32 v3, $0x7;
	v5 =	vand.u32 $0xFFFFF000, v5  }
0x38b: {  	v7 =	vor.u32 s9, v1;
	v4 =	vor.u32 v4, v5;
	v5 =	vand.u32 $0x380, v6  }
0x38c: {  	v63 =	vand.u32 $0x7F, v7;
	v3 =	vadd.s32 $0xFFFFFDF8, v3;
	v4 =	vor.u32 v5, v4  }
0x38d: {  	vm0 =	vlt.u32 v3, $0x28;
	v3 =	vor.u32 v63, v4  }
0x38e: {  	v3 =	vadd.s32 $0xFFFBF000, v3;
	_ =	sdelay $0x4  }
0x38f: {  	[tilespmem:v3+s3+$0x0] =	vst.idx.msk vm0, v0  }
0x390: {  	s9 =	simm.s32 $0x10;
	s10 =	simm.s32 $0x0;
	v3 =	vld [tilespmem:s8+$0x0]  }
.LBB2_64:
0x391: {  	p0 =	sne.s32 s9, $0x1F0;
	_ =	sdelay $0x2  }
0x392: {  	v4 =	vmov s8  }
0x393: {  	v4 =	vshll.u32 v4, $0x3;
	v5 =	vshll.u32 v3, $0x9  }
0x394: {  	v4 =	vand.u32 $0xC00, v4;
	v6 =	vshll.u32 v3, $0x7;
	v5 =	vand.u32 $0xFFFFF000, v5  }
0x395: {  	v7 =	vor.u32 s8, v1;
	s8 =	smov.u32 s9;
	v4 =	vor.u32 v4, v5;
	v5 =	vand.u32 $0x380, v6  }
0x396: {  	v3 =	vadd.s32 $0xFFFFFDA8, v3;
	v6 =	vand.u32 $0x7F, v7;
	v4 =	vor.u32 v5, v4  }
0x397: {  	vm0 =	vlt.u32 v3, $0x28;
	v3 =	vor.u32 v6, v4  }
0x398: {  	v3 =	vadd.s32 $0xFFFB5000, v3;
	_ =	sdelay $0x1  }
.Ltmp31:
0x399: {  	(pc) =	sbr.rel @p0 .LBB2_64-.Ltmp31, $3  }
0x39a: {  	_ =	sdelay $0x1  }
0x39b: {  	s10 =	sadd.s32 $0x10, s10;
	[tilespmem:v3+s3+$0x0] =	vst.idx.msk vm0, v2  }
0x39c: {  	s9 =	sadd.s32 $0x10, s9;
	v3 =	vld [tilespmem:s10+$0x0]  }
0x39d: {  	_ =	sdelay $0x2  }
0x39e: {  	v4 =	vmov s8  }
0x39f: {  	v4 =	vshll.u32 v4, $0x3;
	v5 =	vshll.u32 v3, $0x9  }
0x3a0: {  	v4 =	vand.u32 $0xC00, v4;
	v6 =	vshll.u32 v3, $0x7;
	v5 =	vand.u32 $0xFFFFF000, v5  }
0x3a1: {  	v7 =	vor.u32 s8, v1;
	v4 =	vor.u32 v4, v5;
	v5 =	vand.u32 $0x380, v6  }
0x3a2: {  	v63 =	vand.u32 $0x7F, v7;
	v3 =	vadd.s32 $0xFFFFFDA8, v3;
	v4 =	vor.u32 v5, v4  }
0x3a3: {  	vm0 =	vlt.u32 v3, $0x28;
	v3 =	vor.u32 v63, v4  }
0x3a4: {  	v3 =	vadd.s32 $0xFFFB5000, v3;
	_ =	sdelay $0x4  }
0x3a5: {  	[tilespmem:v3+s3+$0x0] =	vst.idx.msk vm0, v2  }
0x3a6: {  	[hbm4b:s19+s1] =	stream.strided.scatter [tilespmem:s3], [sflag:$0x2], $0x5000, s2, s1, $0x38;
	[tilespmem:$0xA200] =	vst v63  }
0x3a7: {  	_ =	swait.ge [sflag:s5], $0x5000  }
0x3a8: {  	[sflag:s5] =	ssyncset.done $0x0  }
0x3a9: {  	s8 =	simm.s32 $0x0;
	[sflag:s5] =	ssyncadd.s32 $0xFFFFB000  }
0x3aa: {  	s10 =	simm.s32 $0x10;
	s9 =	simm.s32 $0x0;
	s11 =	simm.s32 $0x0;
	v3 =	vld [tilespmem:s8+$0x0]  }
.LBB2_66:
0x3ab: {  	p0 =	sne.s32 s10, $0x1F0;
	_ =	sdelay $0x2  }
0x3ac: {  	v4 =	vmov s9  }
0x3ad: {  	v4 =	vshll.u32 v4, $0x3;
	v5 =	vshll.u32 v3, $0x9  }
0x3ae: {  	v4 =	vand.u32 $0xC00, v4;
	v6 =	vshll.u32 v3, $0x7;
	v5 =	vand.u32 $0xFFFFF000, v5  }
0x3af: {  	v7 =	vor.u32 s9, v1;
	s9 =	smov.u32 s10;
	v4 =	vor.u32 v4, v5;
	v5 =	vand.u32 $0x380, v6  }
0x3b0: {  	v3 =	vadd.s32 $0xFFFFFDD0, v3;
	v6 =	vand.u32 $0x7F, v7;
	v4 =	vor.u32 v5, v4  }
0x3b1: {  	vm0 =	vlt.u32 v3, $0x28;
	v3 =	vor.u32 v6, v4  }
0x3b2: {  	v3 =	vadd.s32 $0xFFFBA000, v3;
	_ =	sdelay $0x1  }
.Ltmp32:
0x3b3: {  	(pc) =	sbr.rel @p0 .LBB2_66-.Ltmp32, $3  }
0x3b4: {  	_ =	sdelay $0x1  }
0x3b5: {  	s11 =	sadd.s32 $0x10, s11;
	[tilespmem:v3+s0+$0x0] =	vst.idx.msk vm0, v0  }
0x3b6: {  	s10 =	sadd.s32 $0x10, s10;
	v3 =	vld [tilespmem:s11+$0x0]  }
0x3b7: {  	_ =	sdelay $0x2  }
0x3b8: {  	v4 =	vmov s9  }
0x3b9: {  	v4 =	vshll.u32 v4, $0x3;
	v5 =	vshll.u32 v3, $0x9  }
0x3ba: {  	v4 =	vand.u32 $0xC00, v4;
	v6 =	vshll.u32 v3, $0x7;
	v5 =	vand.u32 $0xFFFFF000, v5  }
0x3bb: {  	v7 =	vor.u32 s9, v1;
	v4 =	vor.u32 v4, v5;
	v5 =	vand.u32 $0x380, v6  }
0x3bc: {  	v63 =	vand.u32 $0x7F, v7;
	v3 =	vadd.s32 $0xFFFFFDD0, v3;
	v4 =	vor.u32 v5, v4  }
0x3bd: {  	vm0 =	vlt.u32 v3, $0x28;
	v3 =	vor.u32 v63, v4  }
0x3be: {  	v3 =	vadd.s32 $0xFFFBA000, v3;
	_ =	sdelay $0x4  }
0x3bf: {  	[tilespmem:v3+s0+$0x0] =	vst.idx.msk vm0, v0  }
0x3c0: {  	s9 =	simm.s32 $0x10;
	s10 =	simm.s32 $0x0;
	v3 =	vld [tilespmem:s8+$0x0]  }
.LBB2_68:
0x3c1: {  	p0 =	sne.s32 s9, $0x1F0;
	_ =	sdelay $0x2  }
0x3c2: {  	v4 =	vmov s8  }
0x3c3: {  	v4 =	vshll.u32 v4, $0x3;
	v5 =	vshll.u32 v3, $0x9  }
0x3c4: {  	v4 =	vand.u32 $0xC00, v4;
	v6 =	vshll.u32 v3, $0x7;
	v5 =	vand.u32 $0xFFFFF000, v5  }
0x3c5: {  	v7 =	vor.u32 s8, v1;
	s8 =	smov.u32 s9;
	v4 =	vor.u32 v4, v5;
	v5 =	vand.u32 $0x380, v6  }
0x3c6: {  	v3 =	vadd.s32 $0xFFFFFD80, v3;
	v6 =	vand.u32 $0x7F, v7;
	v4 =	vor.u32 v5, v4  }
0x3c7: {  	vm0 =	vlt.u32 v3, $0x28;
	v3 =	vor.u32 v6, v4  }
0x3c8: {  	v3 =	vadd.s32 $0xFFFB0000, v3;
	_ =	sdelay $0x1  }
.Ltmp33:
0x3c9: {  	(pc) =	sbr.rel @p0 .LBB2_68-.Ltmp33, $3  }
0x3ca: {  	_ =	sdelay $0x1  }
0x3cb: {  	s10 =	sadd.s32 $0x10, s10;
	[tilespmem:v3+s0+$0x0] =	vst.idx.msk vm0, v2  }
0x3cc: {  	s9 =	sadd.s32 $0x10, s9;
	v3 =	vld [tilespmem:s10+$0x0]  }
0x3cd: {  	_ =	sdelay $0x2  }
0x3ce: {  	v4 =	vmov s8  }
0x3cf: {  	v4 =	vshll.u32 v4, $0x3;
	v5 =	vshll.u32 v3, $0x9  }
0x3d0: {  	v4 =	vand.u32 $0xC00, v4;
	v6 =	vshll.u32 v3, $0x7;
	v5 =	vand.u32 $0xFFFFF000, v5  }
0x3d1: {  	v7 =	vor.u32 s8, v1;
	v4 =	vor.u32 v4, v5;
	v5 =	vand.u32 $0x380, v6  }
0x3d2: {  	v63 =	vand.u32 $0x7F, v7;
	v3 =	vadd.s32 $0xFFFFFD80, v3;
	v4 =	vor.u32 v5, v4  }
0x3d3: {  	vm0 =	vlt.u32 v3, $0x28;
	v3 =	vor.u32 v63, v4  }
0x3d4: {  	v3 =	vadd.s32 $0xFFFB0000, v3;
	_ =	sdelay $0x4  }
0x3d5: {  	[tilespmem:v3+s0+$0x0] =	vst.idx.msk vm0, v2  }
0x3d6: {  	[hbm4b:s20+s1] =	stream.strided.scatter [tilespmem:s0], [sflag:$0x1], $0x5000, s2, s1, $0x38;
	[tilespmem:$0xA200] =	vst v63  }
0x3d7: {  	_ =	swait.ge [sflag:s6], $0x5000  }
0x3d8: {  	[sflag:s6] =	ssyncset.done $0x0  }
0x3d9: {  	s8 =	simm.s32 $0x0;
	[sflag:s6] =	ssyncadd.s32 $0xFFFFB000  }
0x3da: {  	s10 =	simm.s32 $0x10;
	s9 =	simm.s32 $0x0;
	s11 =	simm.s32 $0x0;
	v3 =	vld [tilespmem:s8+$0x0]  }
.LBB2_70:
0x3db: {  	p0 =	sne.s32 s10, $0x1F0;
	_ =	sdelay $0x2  }
0x3dc: {  	v4 =	vmov s9  }
0x3dd: {  	v4 =	vshll.u32 v4, $0x3;
	v5 =	vshll.u32 v3, $0x9  }
0x3de: {  	v4 =	vand.u32 $0xC00, v4;
	v6 =	vshll.u32 v3, $0x7;
	v5 =	vand.u32 $0xFFFFF000, v5  }
0x3df: {  	v7 =	vor.u32 s9, v1;
	s9 =	smov.u32 s10;
	v4 =	vor.u32 v4, v5;
	v5 =	vand.u32 $0x380, v6  }
0x3e0: {  	v3 =	vadd.s32 $0xFFFFFDA8, v3;
	v6 =	vand.u32 $0x7F, v7;
	v4 =	vor.u32 v5, v4  }
0x3e1: {  	vm0 =	vlt.u32 v3, $0x28;
	v3 =	vor.u32 v6, v4  }
0x3e2: {  	v3 =	vadd.s32 $0xFFFB5000, v3;
	_ =	sdelay $0x1  }
.Ltmp34:
0x3e3: {  	(pc) =	sbr.rel @p0 .LBB2_70-.Ltmp34, $3  }
0x3e4: {  	_ =	sdelay $0x1  }
0x3e5: {  	s11 =	sadd.s32 $0x10, s11;
	[tilespmem:v3+s3+$0x0] =	vst.idx.msk vm0, v0  }
0x3e6: {  	s10 =	sadd.s32 $0x10, s10;
	v3 =	vld [tilespmem:s11+$0x0]  }
0x3e7: {  	_ =	sdelay $0x2  }
0x3e8: {  	v4 =	vmov s9  }
0x3e9: {  	v4 =	vshll.u32 v4, $0x3;
	v5 =	vshll.u32 v3, $0x9  }
0x3ea: {  	v4 =	vand.u32 $0xC00, v4;
	v6 =	vshll.u32 v3, $0x7;
	v5 =	vand.u32 $0xFFFFF000, v5  }
0x3eb: {  	v7 =	vor.u32 s9, v1;
	v4 =	vor.u32 v4, v5;
	v5 =	vand.u32 $0x380, v6  }
0x3ec: {  	v63 =	vand.u32 $0x7F, v7;
	v3 =	vadd.s32 $0xFFFFFDA8, v3;
	v4 =	vor.u32 v5, v4  }
0x3ed: {  	vm0 =	vlt.u32 v3, $0x28;
	v3 =	vor.u32 v63, v4  }
0x3ee: {  	v3 =	vadd.s32 $0xFFFB5000, v3;
	_ =	sdelay $0x4  }
0x3ef: {  	[tilespmem:v3+s3+$0x0] =	vst.idx.msk vm0, v0  }
0x3f0: {  	s9 =	simm.s32 $0x10;
	s10 =	simm.s32 $0x0;
	v3 =	vld [tilespmem:s8+$0x0]  }
.LBB2_72:
0x3f1: {  	p0 =	sne.s32 s9, $0x1F0;
	_ =	sdelay $0x2  }
0x3f2: {  	v4 =	vmov s8  }
0x3f3: {  	v4 =	vshll.u32 v4, $0x3;
	v5 =	vshll.u32 v3, $0x9  }
0x3f4: {  	v4 =	vand.u32 $0xC00, v4;
	v6 =	vshll.u32 v3, $0x7;
	v5 =	vand.u32 $0xFFFFF000, v5  }
0x3f5: {  	v7 =	vor.u32 s8, v1;
	s8 =	smov.u32 s9;
	v4 =	vor.u32 v4, v5;
	v5 =	vand.u32 $0x380, v6  }
0x3f6: {  	v3 =	vadd.s32 $0xFFFFFD58, v3;
	v6 =	vand.u32 $0x7F, v7;
	v4 =	vor.u32 v5, v4  }
0x3f7: {  	vm0 =	vlt.u32 v3, $0x28;
	v3 =	vor.u32 v6, v4  }
0x3f8: {  	v3 =	vadd.s32 $0xFFFAB000, v3;
	_ =	sdelay $0x1  }
.Ltmp35:
0x3f9: {  	(pc) =	sbr.rel @p0 .LBB2_72-.Ltmp35, $3  }
0x3fa: {  	_ =	sdelay $0x1  }
0x3fb: {  	s10 =	sadd.s32 $0x10, s10;
	[tilespmem:v3+s3+$0x0] =	vst.idx.msk vm0, v2  }
0x3fc: {  	s9 =	sadd.s32 $0x10, s9;
	v3 =	vld [tilespmem:s10+$0x0]  }
0x3fd: {  	_ =	sdelay $0x2  }
0x3fe: {  	v4 =	vmov s8  }
0x3ff: {  	v4 =	vshll.u32 v4, $0x3;
	v5 =	vshll.u32 v3, $0x9  }
0x400: {  	v4 =	vand.u32 $0xC00, v4;
	v6 =	vshll.u32 v3, $0x7;
	v5 =	vand.u32 $0xFFFFF000, v5  }
0x401: {  	v7 =	vor.u32 s8, v1;
	v4 =	vor.u32 v4, v5;
	v5 =	vand.u32 $0x380, v6  }
0x402: {  	v63 =	vand.u32 $0x7F, v7;
	v3 =	vadd.s32 $0xFFFFFD58, v3;
	v4 =	vor.u32 v5, v4  }
0x403: {  	vm0 =	vlt.u32 v3, $0x28;
	v3 =	vor.u32 v63, v4  }
0x404: {  	v3 =	vadd.s32 $0xFFFAB000, v3;
	_ =	sdelay $0x4  }
0x405: {  	[tilespmem:v3+s3+$0x0] =	vst.idx.msk vm0, v2  }
0x406: {  	[hbm4b:s21+s1] =	stream.strided.scatter [tilespmem:s3], [sflag:$0x2], $0x5000, s2, s1, $0x38;
	[tilespmem:$0xA200] =	vst v63  }
0x407: {  	_ =	swait.ge [sflag:s5], $0x5000  }
0x408: {  	[sflag:s5] =	ssyncset.done $0x0  }
0x409: {  	s8 =	simm.s32 $0x0;
	[sflag:s5] =	ssyncadd.s32 $0xFFFFB000  }
0x40a: {  	s10 =	simm.s32 $0x10;
	s9 =	simm.s32 $0x0;
	s11 =	simm.s32 $0x0;
	v3 =	vld [tilespmem:s8+$0x0]  }
.LBB2_74:
0x40b: {  	p0 =	sne.s32 s10, $0x1F0;
	_ =	sdelay $0x2  }
0x40c: {  	v4 =	vmov s9  }
0x40d: {  	v4 =	vshll.u32 v4, $0x3;
	v5 =	vshll.u32 v3, $0x9  }
0x40e: {  	v4 =	vand.u32 $0xC00, v4;
	v6 =	vshll.u32 v3, $0x7;
	v5 =	vand.u32 $0xFFFFF000, v5  }
0x40f: {  	v7 =	vor.u32 s9, v1;
	s9 =	smov.u32 s10;
	v4 =	vor.u32 v4, v5;
	v5 =	vand.u32 $0x380, v6  }
0x410: {  	v3 =	vadd.s32 $0xFFFFFD80, v3;
	v6 =	vand.u32 $0x7F, v7;
	v4 =	vor.u32 v5, v4  }
0x411: {  	vm0 =	vlt.u32 v3, $0x28;
	v3 =	vor.u32 v6, v4  }
0x412: {  	v3 =	vadd.s32 $0xFFFB0000, v3;
	_ =	sdelay $0x1  }
.Ltmp36:
0x413: {  	(pc) =	sbr.rel @p0 .LBB2_74-.Ltmp36, $3  }
0x414: {  	_ =	sdelay $0x1  }
0x415: {  	s11 =	sadd.s32 $0x10, s11;
	[tilespmem:v3+s0+$0x0] =	vst.idx.msk vm0, v0  }
0x416: {  	s10 =	sadd.s32 $0x10, s10;
	v3 =	vld [tilespmem:s11+$0x0]  }
0x417: {  	_ =	sdelay $0x2  }
0x418: {  	v4 =	vmov s9  }
0x419: {  	v4 =	vshll.u32 v4, $0x3;
	v5 =	vshll.u32 v3, $0x9  }
0x41a: {  	v4 =	vand.u32 $0xC00, v4;
	v6 =	vshll.u32 v3, $0x7;
	v5 =	vand.u32 $0xFFFFF000, v5  }
0x41b: {  	v7 =	vor.u32 s9, v1;
	v4 =	vor.u32 v4, v5;
	v5 =	vand.u32 $0x380, v6  }
0x41c: {  	v63 =	vand.u32 $0x7F, v7;
	v3 =	vadd.s32 $0xFFFFFD80, v3;
	v4 =	vor.u32 v5, v4  }
0x41d: {  	vm0 =	vlt.u32 v3, $0x28;
	v3 =	vor.u32 v63, v4  }
0x41e: {  	v3 =	vadd.s32 $0xFFFB0000, v3;
	_ =	sdelay $0x4  }
0x41f: {  	[tilespmem:v3+s0+$0x0] =	vst.idx.msk vm0, v0  }
0x420: {  	s9 =	simm.s32 $0x10;
	s10 =	simm.s32 $0x0;
	v3 =	vld [tilespmem:s8+$0x0]  }
.LBB2_76:
0x421: {  	p0 =	sne.s32 s9, $0x1F0;
	_ =	sdelay $0x2  }
0x422: {  	v4 =	vmov s8  }
0x423: {  	v4 =	vshll.u32 v4, $0x3;
	v5 =	vshll.u32 v3, $0x9  }
0x424: {  	v4 =	vand.u32 $0xC00, v4;
	v6 =	vshll.u32 v3, $0x7;
	v5 =	vand.u32 $0xFFFFF000, v5  }
0x425: {  	v7 =	vor.u32 s8, v1;
	s8 =	smov.u32 s9;
	v4 =	vor.u32 v4, v5;
	v5 =	vand.u32 $0x380, v6  }
0x426: {  	v3 =	vadd.s32 $0xFFFFFD30, v3;
	v6 =	vand.u32 $0x7F, v7;
	v4 =	vor.u32 v5, v4  }
0x427: {  	vm0 =	vlt.u32 v3, $0x28;
	v3 =	vor.u32 v6, v4  }
0x428: {  	v3 =	vadd.s32 $0xFFFA6000, v3;
	_ =	sdelay $0x1  }
.Ltmp37:
0x429: {  	(pc) =	sbr.rel @p0 .LBB2_76-.Ltmp37, $3  }
0x42a: {  	_ =	sdelay $0x1  }
0x42b: {  	s10 =	sadd.s32 $0x10, s10;
	[tilespmem:v3+s0+$0x0] =	vst.idx.msk vm0, v2  }
0x42c: {  	s9 =	sadd.s32 $0x10, s9;
	v3 =	vld [tilespmem:s10+$0x0]  }
0x42d: {  	_ =	sdelay $0x2  }
0x42e: {  	v4 =	vmov s8  }
0x42f: {  	v4 =	vshll.u32 v4, $0x3;
	v5 =	vshll.u32 v3, $0x9  }
0x430: {  	v4 =	vand.u32 $0xC00, v4;
	v6 =	vshll.u32 v3, $0x7;
	v5 =	vand.u32 $0xFFFFF000, v5  }
0x431: {  	v7 =	vor.u32 s8, v1;
	v4 =	vor.u32 v4, v5;
	v5 =	vand.u32 $0x380, v6  }
0x432: {  	v63 =	vand.u32 $0x7F, v7;
	v3 =	vadd.s32 $0xFFFFFD30, v3;
	v4 =	vor.u32 v5, v4  }
0x433: {  	vm0 =	vlt.u32 v3, $0x28;
	v3 =	vor.u32 v63, v4  }
0x434: {  	v3 =	vadd.s32 $0xFFFA6000, v3;
	_ =	sdelay $0x4  }
0x435: {  	[tilespmem:v3+s0+$0x0] =	vst.idx.msk vm0, v2  }
0x436: {  	[hbm4b:s22+s1] =	stream.strided.scatter [tilespmem:s0], [sflag:$0x1], $0x5000, s2, s1, $0x38;
	[tilespmem:$0xA200] =	vst v63  }
0x437: {  	_ =	swait.ge [sflag:s6], $0x5000  }
0x438: {  	[sflag:s6] =	ssyncset.done $0x0  }
0x439: {  	s8 =	simm.s32 $0x0;
	[sflag:s6] =	ssyncadd.s32 $0xFFFFB000  }
0x43a: {  	s10 =	simm.s32 $0x10;
	s9 =	simm.s32 $0x0;
	s11 =	simm.s32 $0x0;
	v3 =	vld [tilespmem:s8+$0x0]  }
.LBB2_78:
0x43b: {  	p0 =	sne.s32 s10, $0x1F0;
	_ =	sdelay $0x2  }
0x43c: {  	v4 =	vmov s9  }
0x43d: {  	v4 =	vshll.u32 v4, $0x3;
	v5 =	vshll.u32 v3, $0x9  }
0x43e: {  	v4 =	vand.u32 $0xC00, v4;
	v6 =	vshll.u32 v3, $0x7;
	v5 =	vand.u32 $0xFFFFF000, v5  }
0x43f: {  	v7 =	vor.u32 s9, v1;
	s9 =	smov.u32 s10;
	v4 =	vor.u32 v4, v5;
	v5 =	vand.u32 $0x380, v6  }
0x440: {  	v3 =	vadd.s32 $0xFFFFFD58, v3;
	v6 =	vand.u32 $0x7F, v7;
	v4 =	vor.u32 v5, v4  }
0x441: {  	vm0 =	vlt.u32 v3, $0x28;
	v3 =	vor.u32 v6, v4  }
0x442: {  	v3 =	vadd.s32 $0xFFFAB000, v3;
	_ =	sdelay $0x1  }
.Ltmp38:
0x443: {  	(pc) =	sbr.rel @p0 .LBB2_78-.Ltmp38, $3  }
0x444: {  	_ =	sdelay $0x1  }
0x445: {  	s11 =	sadd.s32 $0x10, s11;
	[tilespmem:v3+s3+$0x0] =	vst.idx.msk vm0, v0  }
0x446: {  	s10 =	sadd.s32 $0x10, s10;
	v3 =	vld [tilespmem:s11+$0x0]  }
0x447: {  	_ =	sdelay $0x2  }
0x448: {  	v4 =	vmov s9  }
0x449: {  	v4 =	vshll.u32 v4, $0x3;
	v5 =	vshll.u32 v3, $0x9  }
0x44a: {  	v4 =	vand.u32 $0xC00, v4;
	v6 =	vshll.u32 v3, $0x7;
	v5 =	vand.u32 $0xFFFFF000, v5  }
0x44b: {  	v7 =	vor.u32 s9, v1;
	v4 =	vor.u32 v4, v5;
	v5 =	vand.u32 $0x380, v6  }
0x44c: {  	v63 =	vand.u32 $0x7F, v7;
	v3 =	vadd.s32 $0xFFFFFD58, v3;
	v4 =	vor.u32 v5, v4  }
0x44d: {  	vm0 =	vlt.u32 v3, $0x28;
	v3 =	vor.u32 v63, v4  }
0x44e: {  	v3 =	vadd.s32 $0xFFFAB000, v3;
	_ =	sdelay $0x4  }
0x44f: {  	[tilespmem:v3+s3+$0x0] =	vst.idx.msk vm0, v0  }
0x450: {  	s9 =	simm.s32 $0x10;
	s10 =	simm.s32 $0x0;
	v3 =	vld [tilespmem:s8+$0x0]  }
.LBB2_80:
0x451: {  	p0 =	sne.s32 s9, $0x1F0;
	_ =	sdelay $0x2  }
0x452: {  	v4 =	vmov s8  }
0x453: {  	v4 =	vshll.u32 v4, $0x3;
	v5 =	vshll.u32 v3, $0x9  }
0x454: {  	v4 =	vand.u32 $0xC00, v4;
	v6 =	vshll.u32 v3, $0x7;
	v5 =	vand.u32 $0xFFFFF000, v5  }
0x455: {  	v7 =	vor.u32 s8, v1;
	s8 =	smov.u32 s9;
	v4 =	vor.u32 v4, v5;
	v5 =	vand.u32 $0x380, v6  }
0x456: {  	v3 =	vadd.s32 $0xFFFFFD08, v3;
	v6 =	vand.u32 $0x7F, v7;
	v4 =	vor.u32 v5, v4  }
0x457: {  	vm0 =	vlt.u32 v3, $0x28;
	v3 =	vor.u32 v6, v4  }
0x458: {  	v3 =	vadd.s32 $0xFFFA1000, v3;
	_ =	sdelay $0x1  }
.Ltmp39:
0x459: {  	(pc) =	sbr.rel @p0 .LBB2_80-.Ltmp39, $3  }
0x45a: {  	_ =	sdelay $0x1  }
0x45b: {  	s10 =	sadd.s32 $0x10, s10;
	[tilespmem:v3+s3+$0x0] =	vst.idx.msk vm0, v2  }
0x45c: {  	s9 =	sadd.s32 $0x10, s9;
	v3 =	vld [tilespmem:s10+$0x0]  }
0x45d: {  	_ =	sdelay $0x2  }
0x45e: {  	v4 =	vmov s8  }
0x45f: {  	v4 =	vshll.u32 v4, $0x3;
	v5 =	vshll.u32 v3, $0x9  }
0x460: {  	v4 =	vand.u32 $0xC00, v4;
	v6 =	vshll.u32 v3, $0x7;
	v5 =	vand.u32 $0xFFFFF000, v5  }
0x461: {  	v7 =	vor.u32 s8, v1;
	v4 =	vor.u32 v4, v5;
	v5 =	vand.u32 $0x380, v6  }
0x462: {  	v63 =	vand.u32 $0x7F, v7;
	v3 =	vadd.s32 $0xFFFFFD08, v3;
	v4 =	vor.u32 v5, v4  }
0x463: {  	vm0 =	vlt.u32 v3, $0x28;
	v3 =	vor.u32 v63, v4  }
0x464: {  	v3 =	vadd.s32 $0xFFFA1000, v3;
	_ =	sdelay $0x4  }
0x465: {  	[tilespmem:v3+s3+$0x0] =	vst.idx.msk vm0, v2  }
0x466: {  	[hbm4b:s23+s1] =	stream.strided.scatter [tilespmem:s3], [sflag:$0x2], $0x5000, s2, s1, $0x38;
	[tilespmem:$0xA200] =	vst v63  }
0x467: {  	_ =	swait.ge [sflag:s5], $0x5000  }
0x468: {  	[sflag:s5] =	ssyncset.done $0x0  }
0x469: {  	s8 =	simm.s32 $0x0;
	[sflag:s5] =	ssyncadd.s32 $0xFFFFB000  }
0x46a: {  	s10 =	simm.s32 $0x10;
	s9 =	simm.s32 $0x0;
	s11 =	simm.s32 $0x0;
	v3 =	vld [tilespmem:s8+$0x0]  }
.LBB2_82:
0x46b: {  	p0 =	sne.s32 s10, $0x1F0;
	_ =	sdelay $0x2  }
0x46c: {  	v4 =	vmov s9  }
0x46d: {  	v4 =	vshll.u32 v4, $0x3;
	v5 =	vshll.u32 v3, $0x9  }
0x46e: {  	v4 =	vand.u32 $0xC00, v4;
	v6 =	vshll.u32 v3, $0x7;
	v5 =	vand.u32 $0xFFFFF000, v5  }
0x46f: {  	v7 =	vor.u32 s9, v1;
	s9 =	smov.u32 s10;
	v4 =	vor.u32 v4, v5;
	v5 =	vand.u32 $0x380, v6  }
0x470: {  	v3 =	vadd.s32 $0xFFFFFD30, v3;
	v6 =	vand.u32 $0x7F, v7;
	v4 =	vor.u32 v5, v4  }
0x471: {  	vm0 =	vlt.u32 v3, $0x28;
	v3 =	vor.u32 v6, v4  }
0x472: {  	v3 =	vadd.s32 $0xFFFA6000, v3;
	_ =	sdelay $0x1  }
.Ltmp40:
0x473: {  	(pc) =	sbr.rel @p0 .LBB2_82-.Ltmp40, $3  }
0x474: {  	_ =	sdelay $0x1  }
0x475: {  	s11 =	sadd.s32 $0x10, s11;
	[tilespmem:v3+s0+$0x0] =	vst.idx.msk vm0, v0  }
0x476: {  	s10 =	sadd.s32 $0x10, s10;
	v3 =	vld [tilespmem:s11+$0x0]  }
0x477: {  	_ =	sdelay $0x2  }
0x478: {  	v4 =	vmov s9  }
0x479: {  	v4 =	vshll.u32 v4, $0x3;
	v5 =	vshll.u32 v3, $0x9  }
0x47a: {  	v4 =	vand.u32 $0xC00, v4;
	v6 =	vshll.u32 v3, $0x7;
	v5 =	vand.u32 $0xFFFFF000, v5  }
0x47b: {  	v7 =	vor.u32 s9, v1;
	v4 =	vor.u32 v4, v5;
	v5 =	vand.u32 $0x380, v6  }
0x47c: {  	v63 =	vand.u32 $0x7F, v7;
	v3 =	vadd.s32 $0xFFFFFD30, v3;
	v4 =	vor.u32 v5, v4  }
0x47d: {  	vm0 =	vlt.u32 v3, $0x28;
	v3 =	vor.u32 v63, v4  }
0x47e: {  	v3 =	vadd.s32 $0xFFFA6000, v3;
	_ =	sdelay $0x4  }
0x47f: {  	[tilespmem:v3+s0+$0x0] =	vst.idx.msk vm0, v0  }
0x480: {  	s9 =	simm.s32 $0x10;
	s10 =	simm.s32 $0x0;
	v3 =	vld [tilespmem:s8+$0x0]  }
.LBB2_84:
0x481: {  	p0 =	sne.s32 s9, $0x1F0;
	_ =	sdelay $0x2  }
0x482: {  	v4 =	vmov s8  }
0x483: {  	v4 =	vshll.u32 v4, $0x3;
	v5 =	vshll.u32 v3, $0x9  }
0x484: {  	v4 =	vand.u32 $0xC00, v4;
	v6 =	vshll.u32 v3, $0x7;
	v5 =	vand.u32 $0xFFFFF000, v5  }
0x485: {  	v7 =	vor.u32 s8, v1;
	s8 =	smov.u32 s9;
	v4 =	vor.u32 v4, v5;
	v5 =	vand.u32 $0x380, v6  }
0x486: {  	v3 =	vadd.s32 $0xFFFFFCE0, v3;
	v6 =	vand.u32 $0x7F, v7;
	v4 =	vor.u32 v5, v4  }
0x487: {  	vm0 =	vlt.u32 v3, $0x28;
	v3 =	vor.u32 v6, v4  }
0x488: {  	v3 =	vadd.s32 $0xFFF9C000, v3;
	_ =	sdelay $0x1  }
.Ltmp41:
0x489: {  	(pc) =	sbr.rel @p0 .LBB2_84-.Ltmp41, $3  }
0x48a: {  	_ =	sdelay $0x1  }
0x48b: {  	s10 =	sadd.s32 $0x10, s10;
	[tilespmem:v3+s0+$0x0] =	vst.idx.msk vm0, v2  }
0x48c: {  	s9 =	sadd.s32 $0x10, s9;
	v3 =	vld [tilespmem:s10+$0x0]  }
0x48d: {  	_ =	sdelay $0x2  }
0x48e: {  	v4 =	vmov s8  }
0x48f: {  	v4 =	vshll.u32 v4, $0x3;
	v5 =	vshll.u32 v3, $0x9  }
0x490: {  	v4 =	vand.u32 $0xC00, v4;
	v6 =	vshll.u32 v3, $0x7;
	v5 =	vand.u32 $0xFFFFF000, v5  }
0x491: {  	v7 =	vor.u32 s8, v1;
	v4 =	vor.u32 v4, v5;
	v5 =	vand.u32 $0x380, v6  }
0x492: {  	v63 =	vand.u32 $0x7F, v7;
	v3 =	vadd.s32 $0xFFFFFCE0, v3;
	v4 =	vor.u32 v5, v4  }
0x493: {  	vm0 =	vlt.u32 v3, $0x28;
	v3 =	vor.u32 v63, v4  }
0x494: {  	v3 =	vadd.s32 $0xFFF9C000, v3;
	_ =	sdelay $0x4  }
0x495: {  	[tilespmem:v3+s0+$0x0] =	vst.idx.msk vm0, v2  }
0x496: {  	[hbm4b:s24+s1] =	stream.strided.scatter [tilespmem:s0], [sflag:$0x1], $0x5000, s2, s1, $0x38;
	[tilespmem:$0xA200] =	vst v63  }
0x497: {  	_ =	swait.ge [sflag:s6], $0x5000  }
0x498: {  	[sflag:s6] =	ssyncset.done $0x0  }
0x499: {  	s8 =	simm.s32 $0x0;
	[sflag:s6] =	ssyncadd.s32 $0xFFFFB000  }
0x49a: {  	s10 =	simm.s32 $0x10;
	s9 =	simm.s32 $0x0;
	s11 =	simm.s32 $0x0;
	v3 =	vld [tilespmem:s8+$0x0]  }
.LBB2_86:
0x49b: {  	p0 =	sne.s32 s10, $0x1F0;
	_ =	sdelay $0x2  }
0x49c: {  	v4 =	vmov s9  }
0x49d: {  	v4 =	vshll.u32 v4, $0x3;
	v5 =	vshll.u32 v3, $0x9  }
0x49e: {  	v4 =	vand.u32 $0xC00, v4;
	v6 =	vshll.u32 v3, $0x7;
	v5 =	vand.u32 $0xFFFFF000, v5  }
0x49f: {  	v7 =	vor.u32 s9, v1;
	s9 =	smov.u32 s10;
	v4 =	vor.u32 v4, v5;
	v5 =	vand.u32 $0x380, v6  }
0x4a0: {  	v3 =	vadd.s32 $0xFFFFFD08, v3;
	v6 =	vand.u32 $0x7F, v7;
	v4 =	vor.u32 v5, v4  }
0x4a1: {  	vm0 =	vlt.u32 v3, $0x28;
	v3 =	vor.u32 v6, v4  }
0x4a2: {  	v3 =	vadd.s32 $0xFFFA1000, v3;
	_ =	sdelay $0x1  }
.Ltmp42:
0x4a3: {  	(pc) =	sbr.rel @p0 .LBB2_86-.Ltmp42, $3  }
0x4a4: {  	_ =	sdelay $0x1  }
0x4a5: {  	s11 =	sadd.s32 $0x10, s11;
	[tilespmem:v3+s3+$0x0] =	vst.idx.msk vm0, v0  }
0x4a6: {  	s10 =	sadd.s32 $0x10, s10;
	v3 =	vld [tilespmem:s11+$0x0]  }
0x4a7: {  	_ =	sdelay $0x2  }
0x4a8: {  	v4 =	vmov s9  }
0x4a9: {  	v4 =	vshll.u32 v4, $0x3;
	v5 =	vshll.u32 v3, $0x9  }
0x4aa: {  	v4 =	vand.u32 $0xC00, v4;
	v6 =	vshll.u32 v3, $0x7;
	v5 =	vand.u32 $0xFFFFF000, v5  }
0x4ab: {  	v7 =	vor.u32 s9, v1;
	v4 =	vor.u32 v4, v5;
	v5 =	vand.u32 $0x380, v6  }
0x4ac: {  	v63 =	vand.u32 $0x7F, v7;
	v3 =	vadd.s32 $0xFFFFFD08, v3;
	v4 =	vor.u32 v5, v4  }
0x4ad: {  	vm0 =	vlt.u32 v3, $0x28;
	v3 =	vor.u32 v63, v4  }
0x4ae: {  	v3 =	vadd.s32 $0xFFFA1000, v3;
	_ =	sdelay $0x4  }
0x4af: {  	[tilespmem:v3+s3+$0x0] =	vst.idx.msk vm0, v0  }
0x4b0: {  	s9 =	simm.s32 $0x10;
	s10 =	simm.s32 $0x0;
	v3 =	vld [tilespmem:s8+$0x0]  }
.LBB2_88:
0x4b1: {  	p0 =	sne.s32 s9, $0x1F0;
	_ =	sdelay $0x2  }
0x4b2: {  	v4 =	vmov s8  }
0x4b3: {  	v4 =	vshll.u32 v4, $0x3;
	v5 =	vshll.u32 v3, $0x9  }
0x4b4: {  	v4 =	vand.u32 $0xC00, v4;
	v6 =	vshll.u32 v3, $0x7;
	v5 =	vand.u32 $0xFFFFF000, v5  }
0x4b5: {  	v7 =	vor.u32 s8, v1;
	s8 =	smov.u32 s9;
	v4 =	vor.u32 v4, v5;
	v5 =	vand.u32 $0x380, v6  }
0x4b6: {  	v3 =	vadd.s32 $0xFFFFFCB8, v3;
	v6 =	vand.u32 $0x7F, v7;
	v4 =	vor.u32 v5, v4  }
0x4b7: {  	vm0 =	vlt.u32 v3, $0x28;
	v3 =	vor.u32 v6, v4  }
0x4b8: {  	v3 =	vadd.s32 $0xFFF97000, v3;
	_ =	sdelay $0x1  }
.Ltmp43:
0x4b9: {  	(pc) =	sbr.rel @p0 .LBB2_88-.Ltmp43, $3  }
0x4ba: {  	_ =	sdelay $0x1  }
0x4bb: {  	s10 =	sadd.s32 $0x10, s10;
	[tilespmem:v3+s3+$0x0] =	vst.idx.msk vm0, v2  }
0x4bc: {  	s9 =	sadd.s32 $0x10, s9;
	v3 =	vld [tilespmem:s10+$0x0]  }
0x4bd: {  	_ =	sdelay $0x2  }
0x4be: {  	v4 =	vmov s8  }
0x4bf: {  	v4 =	vshll.u32 v4, $0x3;
	v5 =	vshll.u32 v3, $0x9  }
0x4c0: {  	v4 =	vand.u32 $0xC00, v4;
	v6 =	vshll.u32 v3, $0x7;
	v5 =	vand.u32 $0xFFFFF000, v5  }
0x4c1: {  	v7 =	vor.u32 s8, v1;
	v4 =	vor.u32 v4, v5;
	v5 =	vand.u32 $0x380, v6  }
0x4c2: {  	v63 =	vand.u32 $0x7F, v7;
	v3 =	vadd.s32 $0xFFFFFCB8, v3;
	v4 =	vor.u32 v5, v4  }
0x4c3: {  	vm0 =	vlt.u32 v3, $0x28;
	v3 =	vor.u32 v63, v4  }
0x4c4: {  	v3 =	vadd.s32 $0xFFF97000, v3;
	_ =	sdelay $0x4  }
0x4c5: {  	[tilespmem:v3+s3+$0x0] =	vst.idx.msk vm0, v2  }
0x4c6: {  	[hbm4b:s26+s1] =	stream.strided.scatter [tilespmem:s3], [sflag:$0x2], $0x5000, s2, s1, $0x38;
	[tilespmem:$0xA200] =	vst v63  }
0x4c7: {  	_ =	swait.ge [sflag:s5], $0x5000  }
0x4c8: {  	[sflag:s5] =	ssyncset.done $0x0  }
0x4c9: {  	s8 =	simm.s32 $0x0;
	[sflag:s5] =	ssyncadd.s32 $0xFFFFB000  }
0x4ca: {  	s10 =	simm.s32 $0x10;
	s9 =	simm.s32 $0x0;
	s11 =	simm.s32 $0x0;
	v3 =	vld [tilespmem:s8+$0x0]  }
.LBB2_90:
0x4cb: {  	p0 =	sne.s32 s10, $0x1F0;
	_ =	sdelay $0x2  }
0x4cc: {  	v4 =	vmov s9  }
0x4cd: {  	v4 =	vshll.u32 v4, $0x3;
	v5 =	vshll.u32 v3, $0x9  }
0x4ce: {  	v4 =	vand.u32 $0xC00, v4;
	v6 =	vshll.u32 v3, $0x7;
	v5 =	vand.u32 $0xFFFFF000, v5  }
0x4cf: {  	v7 =	vor.u32 s9, v1;
	s9 =	smov.u32 s10;
	v4 =	vor.u32 v4, v5;
	v5 =	vand.u32 $0x380, v6  }
0x4d0: {  	v3 =	vadd.s32 $0xFFFFFCE0, v3;
	v6 =	vand.u32 $0x7F, v7;
	v4 =	vor.u32 v5, v4  }
0x4d1: {  	vm0 =	vlt.u32 v3, $0x28;
	v3 =	vor.u32 v6, v4  }
0x4d2: {  	v3 =	vadd.s32 $0xFFF9C000, v3;
	_ =	sdelay $0x1  }
.Ltmp44:
0x4d3: {  	(pc) =	sbr.rel @p0 .LBB2_90-.Ltmp44, $3  }
0x4d4: {  	_ =	sdelay $0x1  }
0x4d5: {  	s11 =	sadd.s32 $0x10, s11;
	[tilespmem:v3+s0+$0x0] =	vst.idx.msk vm0, v0  }
0x4d6: {  	s10 =	sadd.s32 $0x10, s10;
	v3 =	vld [tilespmem:s11+$0x0]  }
0x4d7: {  	_ =	sdelay $0x2  }
0x4d8: {  	v4 =	vmov s9  }
0x4d9: {  	v4 =	vshll.u32 v4, $0x3;
	v5 =	vshll.u32 v3, $0x9  }
0x4da: {  	v4 =	vand.u32 $0xC00, v4;
	v6 =	vshll.u32 v3, $0x7;
	v5 =	vand.u32 $0xFFFFF000, v5  }
0x4db: {  	v7 =	vor.u32 s9, v1;
	v4 =	vor.u32 v4, v5;
	v5 =	vand.u32 $0x380, v6  }
0x4dc: {  	v63 =	vand.u32 $0x7F, v7;
	v3 =	vadd.s32 $0xFFFFFCE0, v3;
	v4 =	vor.u32 v5, v4  }
0x4dd: {  	vm0 =	vlt.u32 v3, $0x28;
	v3 =	vor.u32 v63, v4  }
0x4de: {  	v3 =	vadd.s32 $0xFFF9C000, v3;
	_ =	sdelay $0x4  }
0x4df: {  	[tilespmem:v3+s0+$0x0] =	vst.idx.msk vm0, v0  }
0x4e0: {  	s9 =	simm.s32 $0x10;
	s10 =	simm.s32 $0x0;
	v3 =	vld [tilespmem:s8+$0x0]  }
.LBB2_92:
0x4e1: {  	p0 =	sne.s32 s9, $0x1F0;
	_ =	sdelay $0x2  }
0x4e2: {  	v4 =	vmov s8  }
0x4e3: {  	v4 =	vshll.u32 v4, $0x3;
	v5 =	vshll.u32 v3, $0x9  }
0x4e4: {  	v4 =	vand.u32 $0xC00, v4;
	v6 =	vshll.u32 v3, $0x7;
	v5 =	vand.u32 $0xFFFFF000, v5  }
0x4e5: {  	v7 =	vor.u32 s8, v1;
	s8 =	smov.u32 s9;
	v4 =	vor.u32 v4, v5;
	v5 =	vand.u32 $0x380, v6  }
0x4e6: {  	v3 =	vadd.s32 $0xFFFFFC90, v3;
	v6 =	vand.u32 $0x7F, v7;
	v4 =	vor.u32 v5, v4  }
0x4e7: {  	vm0 =	vlt.u32 v3, $0x28;
	v3 =	vor.u32 v6, v4  }
0x4e8: {  	v3 =	vadd.s32 $0xFFF92000, v3;
	_ =	sdelay $0x1  }
.Ltmp45:
0x4e9: {  	(pc) =	sbr.rel @p0 .LBB2_92-.Ltmp45, $3  }
0x4ea: {  	_ =	sdelay $0x1  }
0x4eb: {  	s10 =	sadd.s32 $0x10, s10;
	[tilespmem:v3+s0+$0x0] =	vst.idx.msk vm0, v2  }
0x4ec: {  	s9 =	sadd.s32 $0x10, s9;
	v3 =	vld [tilespmem:s10+$0x0]  }
0x4ed: {  	_ =	sdelay $0x2  }
0x4ee: {  	v4 =	vmov s8  }
0x4ef: {  	v4 =	vshll.u32 v4, $0x3;
	v5 =	vshll.u32 v3, $0x9  }
0x4f0: {  	v4 =	vand.u32 $0xC00, v4;
	v6 =	vshll.u32 v3, $0x7;
	v5 =	vand.u32 $0xFFFFF000, v5  }
0x4f1: {  	v7 =	vor.u32 s8, v1;
	v4 =	vor.u32 v4, v5;
	v5 =	vand.u32 $0x380, v6  }
0x4f2: {  	v63 =	vand.u32 $0x7F, v7;
	v3 =	vadd.s32 $0xFFFFFC90, v3;
	v4 =	vor.u32 v5, v4  }
0x4f3: {  	vm0 =	vlt.u32 v3, $0x28;
	v3 =	vor.u32 v63, v4  }
0x4f4: {  	v3 =	vadd.s32 $0xFFF92000, v3;
	_ =	sdelay $0x4  }
0x4f5: {  	[tilespmem:v3+s0+$0x0] =	vst.idx.msk vm0, v2  }
0x4f6: {  	[hbm4b:s28+s1] =	stream.strided.scatter [tilespmem:s0], [sflag:$0x1], $0x5000, s2, s1, $0x38;
	[tilespmem:$0xA200] =	vst v63  }
0x4f7: {  	_ =	swait.ge [sflag:s6], $0x5000  }
0x4f8: {  	[sflag:s6] =	ssyncset.done $0x0  }
0x4f9: {  	s8 =	simm.s32 $0x0;
	[sflag:s6] =	ssyncadd.s32 $0xFFFFB000  }
0x4fa: {  	s10 =	simm.s32 $0x10;
	s9 =	simm.s32 $0x0;
	s11 =	simm.s32 $0x0;
	v3 =	vld [tilespmem:s8+$0x0]  }
.LBB2_94:
0x4fb: {  	p0 =	sne.s32 s10, $0x1F0;
	_ =	sdelay $0x2  }
0x4fc: {  	v4 =	vmov s9  }
0x4fd: {  	v4 =	vshll.u32 v4, $0x3;
	v5 =	vshll.u32 v3, $0x9  }
0x4fe: {  	v4 =	vand.u32 $0xC00, v4;
	v6 =	vshll.u32 v3, $0x7;
	v5 =	vand.u32 $0xFFFFF000, v5  }
0x4ff: {  	v7 =	vor.u32 s9, v1;
	s9 =	smov.u32 s10;
	v4 =	vor.u32 v4, v5;
	v5 =	vand.u32 $0x380, v6  }
0x500: {  	v3 =	vadd.s32 $0xFFFFFCB8, v3;
	v6 =	vand.u32 $0x7F, v7;
	v4 =	vor.u32 v5, v4  }
0x501: {  	vm0 =	vlt.u32 v3, $0x28;
	v3 =	vor.u32 v6, v4  }
0x502: {  	v3 =	vadd.s32 $0xFFF97000, v3;
	_ =	sdelay $0x1  }
.Ltmp46:
0x503: {  	(pc) =	sbr.rel @p0 .LBB2_94-.Ltmp46, $3  }
0x504: {  	_ =	sdelay $0x1  }
0x505: {  	s11 =	sadd.s32 $0x10, s11;
	[tilespmem:v3+s3+$0x0] =	vst.idx.msk vm0, v0  }
0x506: {  	s10 =	sadd.s32 $0x10, s10;
	v3 =	vld [tilespmem:s11+$0x0]  }
0x507: {  	_ =	sdelay $0x2  }
0x508: {  	v4 =	vmov s9  }
0x509: {  	v4 =	vshll.u32 v4, $0x3;
	v5 =	vshll.u32 v3, $0x9  }
0x50a: {  	v4 =	vand.u32 $0xC00, v4;
	v6 =	vshll.u32 v3, $0x7;
	v5 =	vand.u32 $0xFFFFF000, v5  }
0x50b: {  	v7 =	vor.u32 s9, v1;
	v4 =	vor.u32 v4, v5;
	v5 =	vand.u32 $0x380, v6  }
0x50c: {  	v63 =	vand.u32 $0x7F, v7;
	v3 =	vadd.s32 $0xFFFFFCB8, v3;
	v4 =	vor.u32 v5, v4  }
0x50d: {  	vm0 =	vlt.u32 v3, $0x28;
	v3 =	vor.u32 v63, v4  }
0x50e: {  	v3 =	vadd.s32 $0xFFF97000, v3;
	_ =	sdelay $0x4  }
0x50f: {  	[tilespmem:v3+s3+$0x0] =	vst.idx.msk vm0, v0  }
0x510: {  	s9 =	simm.s32 $0x10;
	s10 =	simm.s32 $0x0;
	v3 =	vld [tilespmem:s8+$0x0]  }
.LBB2_96:
0x511: {  	p0 =	sne.s32 s9, $0x1F0;
	_ =	sdelay $0x2  }
0x512: {  	v4 =	vmov s8  }
0x513: {  	v4 =	vshll.u32 v4, $0x3;
	v5 =	vshll.u32 v3, $0x9  }
0x514: {  	v4 =	vand.u32 $0xC00, v4;
	v6 =	vshll.u32 v3, $0x7;
	v5 =	vand.u32 $0xFFFFF000, v5  }
0x515: {  	v7 =	vor.u32 s8, v1;
	s8 =	smov.u32 s9;
	v4 =	vor.u32 v4, v5;
	v5 =	vand.u32 $0x380, v6  }
0x516: {  	v3 =	vadd.s32 $0xFFFFFC68, v3;
	v6 =	vand.u32 $0x7F, v7;
	v4 =	vor.u32 v5, v4  }
0x517: {  	vm0 =	vlt.u32 v3, $0x28;
	v3 =	vor.u32 v6, v4  }
0x518: {  	v3 =	vadd.s32 $0xFFF8D000, v3;
	_ =	sdelay $0x1  }
.Ltmp47:
0x519: {  	(pc) =	sbr.rel @p0 .LBB2_96-.Ltmp47, $3  }
0x51a: {  	_ =	sdelay $0x1  }
0x51b: {  	s10 =	sadd.s32 $0x10, s10;
	[tilespmem:v3+s3+$0x0] =	vst.idx.msk vm0, v2  }
0x51c: {  	s9 =	sadd.s32 $0x10, s9;
	v3 =	vld [tilespmem:s10+$0x0]  }
0x51d: {  	_ =	sdelay $0x2  }
0x51e: {  	v4 =	vmov s8  }
0x51f: {  	v4 =	vshll.u32 v4, $0x3;
	v5 =	vshll.u32 v3, $0x9  }
0x520: {  	v4 =	vand.u32 $0xC00, v4;
	v6 =	vshll.u32 v3, $0x7;
	v5 =	vand.u32 $0xFFFFF000, v5  }
0x521: {  	v7 =	vor.u32 s8, v1;
	v4 =	vor.u32 v4, v5;
	v5 =	vand.u32 $0x380, v6  }
0x522: {  	v63 =	vand.u32 $0x7F, v7;
	v3 =	vadd.s32 $0xFFFFFC68, v3;
	v4 =	vor.u32 v5, v4  }
0x523: {  	vm0 =	vlt.u32 v3, $0x28;
	v3 =	vor.u32 v63, v4  }
0x524: {  	v3 =	vadd.s32 $0xFFF8D000, v3;
	_ =	sdelay $0x4  }
0x525: {  	[tilespmem:v3+s3+$0x0] =	vst.idx.msk vm0, v2  }
0x526: {  	[hbm4b:s29+s1] =	stream.strided.scatter [tilespmem:s3], [sflag:$0x2], $0x5000, s2, s1, $0x38;
	[tilespmem:$0xA200] =	vst v63  }
0x527: {  	_ =	swait.ge [sflag:s5], $0x5000  }
0x528: {  	[sflag:s5] =	ssyncset.done $0x0  }
0x529: {  	s8 =	simm.s32 $0x0;
	[sflag:s5] =	ssyncadd.s32 $0xFFFFB000  }
0x52a: {  	s10 =	simm.s32 $0x10;
	s9 =	simm.s32 $0x0;
	s11 =	simm.s32 $0x0;
	v3 =	vld [tilespmem:s8+$0x0]  }
.LBB2_98:
0x52b: {  	p0 =	sne.s32 s10, $0x1F0;
	_ =	sdelay $0x2  }
0x52c: {  	v4 =	vmov s9  }
0x52d: {  	v4 =	vshll.u32 v4, $0x3;
	v5 =	vshll.u32 v3, $0x9  }
0x52e: {  	v4 =	vand.u32 $0xC00, v4;
	v6 =	vshll.u32 v3, $0x7;
	v5 =	vand.u32 $0xFFFFF000, v5  }
0x52f: {  	v7 =	vor.u32 s9, v1;
	s9 =	smov.u32 s10;
	v4 =	vor.u32 v4, v5;
	v5 =	vand.u32 $0x380, v6  }
0x530: {  	v3 =	vadd.s32 $0xFFFFFC90, v3;
	v6 =	vand.u32 $0x7F, v7;
	v4 =	vor.u32 v5, v4  }
0x531: {  	vm0 =	vlt.u32 v3, $0x28;
	v3 =	vor.u32 v6, v4  }
0x532: {  	v3 =	vadd.s32 $0xFFF92000, v3;
	_ =	sdelay $0x1  }
.Ltmp48:
0x533: {  	(pc) =	sbr.rel @p0 .LBB2_98-.Ltmp48, $3  }
0x534: {  	_ =	sdelay $0x1  }
0x535: {  	s11 =	sadd.s32 $0x10, s11;
	[tilespmem:v3+s0+$0x0] =	vst.idx.msk vm0, v0  }
0x536: {  	s10 =	sadd.s32 $0x10, s10;
	v3 =	vld [tilespmem:s11+$0x0]  }
0x537: {  	_ =	sdelay $0x2  }
0x538: {  	v4 =	vmov s9  }
0x539: {  	v4 =	vshll.u32 v4, $0x3;
	v5 =	vshll.u32 v3, $0x9  }
0x53a: {  	v4 =	vand.u32 $0xC00, v4;
	v6 =	vshll.u32 v3, $0x7;
	v5 =	vand.u32 $0xFFFFF000, v5  }
0x53b: {  	v7 =	vor.u32 s9, v1;
	v4 =	vor.u32 v4, v5;
	v5 =	vand.u32 $0x380, v6  }
0x53c: {  	v63 =	vand.u32 $0x7F, v7;
	v3 =	vadd.s32 $0xFFFFFC90, v3;
	v4 =	vor.u32 v5, v4  }
0x53d: {  	vm0 =	vlt.u32 v3, $0x28;
	v3 =	vor.u32 v63, v4  }
0x53e: {  	v3 =	vadd.s32 $0xFFF92000, v3;
	_ =	sdelay $0x4  }
0x53f: {  	[tilespmem:v3+s0+$0x0] =	vst.idx.msk vm0, v0  }
0x540: {  	s9 =	simm.s32 $0x10;
	s10 =	simm.s32 $0x0;
	v3 =	vld [tilespmem:s8+$0x0]  }
.LBB2_100:
0x541: {  	p0 =	sne.s32 s9, $0x1F0;
	_ =	sdelay $0x2  }
0x542: {  	v4 =	vmov s8  }
0x543: {  	v4 =	vshll.u32 v4, $0x3;
	v5 =	vshll.u32 v3, $0x9  }
0x544: {  	v4 =	vand.u32 $0xC00, v4;
	v6 =	vshll.u32 v3, $0x7;
	v5 =	vand.u32 $0xFFFFF000, v5  }
0x545: {  	v7 =	vor.u32 s8, v1;
	s8 =	smov.u32 s9;
	v4 =	vor.u32 v4, v5;
	v5 =	vand.u32 $0x380, v6  }
0x546: {  	v3 =	vadd.s32 $0xFFFFFC40, v3;
	v6 =	vand.u32 $0x7F, v7;
	v4 =	vor.u32 v5, v4  }
0x547: {  	vm0 =	vlt.u32 v3, $0x28;
	v3 =	vor.u32 v6, v4  }
0x548: {  	v3 =	vadd.s32 $0xFFF88000, v3;
	_ =	sdelay $0x1  }
.Ltmp49:
0x549: {  	(pc) =	sbr.rel @p0 .LBB2_100-.Ltmp49, $3  }
0x54a: {  	_ =	sdelay $0x1  }
0x54b: {  	s10 =	sadd.s32 $0x10, s10;
	[tilespmem:v3+s0+$0x0] =	vst.idx.msk vm0, v2  }
0x54c: {  	s9 =	sadd.s32 $0x10, s9;
	v3 =	vld [tilespmem:s10+$0x0]  }
0x54d: {  	_ =	sdelay $0x2  }
0x54e: {  	v4 =	vmov s8  }
0x54f: {  	v4 =	vshll.u32 v4, $0x3;
	v5 =	vshll.u32 v3, $0x9  }
0x550: {  	v4 =	vand.u32 $0xC00, v4;
	v6 =	vshll.u32 v3, $0x7;
	v5 =	vand.u32 $0xFFFFF000, v5  }
0x551: {  	v7 =	vor.u32 s8, v1;
	v62 =	vand.u32 $0x380, v6;
	v4 =	vor.u32 v4, v5  }
0x552: {  	v63 =	vand.u32 $0x7F, v7;
	v3 =	vadd.s32 $0xFFFFFC40, v3;
	v4 =	vor.u32 v62, v4  }
0x553: {  	vm0 =	vlt.u32 v3, $0x28;
	v3 =	vor.u32 v63, v4  }
0x554: {  	v3 =	vadd.s32 $0xFFF88000, v3;
	_ =	sdelay $0x4  }
0x555: {  	s7 =	sadd.s32 $0x1, s7;
	[tilespmem:v3+s0+$0x0] =	vst.idx.msk vm0, v2  }
0x556: {  	[hbm4b:s30+s1] =	stream.strided.scatter [tilespmem:s0], [sflag:$0x1], $0x5000, s2, s1, $0x38;
	[tilespmem:$0xA200] =	vst v63  }
0x557: {  	p0 =	sne.s32 s7, s25;
	_ =	swait.ge [sflag:s5], $0x5000  }
.Ltmp50:
0x558: {  	[sflag:s5] =	ssyncset.done $0x0;
	(pc) =	sbr.rel @p0 .LBB2_1-.Ltmp50, $4  }
0x559: {  	[sflag:s5] =	ssyncadd.s32 $0xFFFFB000  }
0x55a: {  	_ =	swait.ge [sflag:s6], $0x5000  }
0x55b: {  	[sflag:s6] =	ssyncset.done $0x0  }
0x55c: {  	[sflag:s6] =	ssyncadd.s32 $0xFFFFB000  }
0x55d: {  	_ =	sfence.sel $0x180000  }
0x55e: {  	[bflag:$0x0] =	sbarrier.arrive $0xFFFF  }
0x55f: {  	_ =	strace $0x90000047  }
0x560: {  	s0 =	stileid.u32;
	[bflag:$0x2] =	sbarrier.arrive $0xFFFF  }
0x561: {  	p0 =	sne.s32 s0, $0x0;
	s0 =	rddreg [dreg:$0x2]  }
0x562: {  	s0 =	sadd.s32 @!p0 $0x100000, s0  }
0x563: {  	[sflag:s0] =	ssyncadd.tile.s32 @!p0 $0x1;
	_ =	shalt  }
.Lfunc_end2:
_tile_overlayer_lowered:
.L_overlay_start_2:
0x564: {  	(tag) =	ssettag $0x2  }
0x565: {  	s0 =	rddreg [dreg:$0x0];
	s2 =	stileid.u32  }
0x566: {  	s1 =	rddreg [dreg:$0x1];
	p0 =	sne.s32 s2, $0x0  }
0x567: {  	s3 =	rddreg [dreg:$0x2];
	[bflag:$0x3] =	sbarrier.arrive $0xFFFF;
	s2 =	simm.s32 @!p0 $0x1C03  }
0x568: {  	[timem:s3], [sflag:s2] =	dma.local @!p0 [hbm:s0], s1  }
0x569: {  	s0 =	simm.s32 @!p0 $0x3  }
0x56a: {  	_ =	swait.ge @!p0 [sflag:s0], s1  }
0x56b: {  	s1 =	ssub.s32 @!p0 $0x0, s1;
	[sflag:s0] =	ssyncset.done @!p0 $0x0  }
0x56c: {  	[sflag:s0] =	ssyncadd.s32 @!p0 s1  }
0x56d: {  	[bflag:$0x3] =	sbarrier.arrive $0xFFFF  }
0x56e: {  	_ =	shalt  }

</sc_bundles>
